<compile_context>
chip_gen: v7x
topology: tpu7x:2x2x1
jax: 0.10.2.dev20260603
libtpu: 0.0.44.dev20260713+nightly
codegen_flags: <defaults>
</compile_context>

<pallas_src>
import functools

import jax
import jax.numpy as jnp
from jax import lax
from jax.experimental import pallas as pl
from jax.experimental.pallas import tpu as pltpu
from jax.experimental.pallas import tpu_sc as plsc

N = 10000
E = 320000
D = 128
H = 8
HD = 16

NC = 2
NS = 16
NW = NC * NS

CH = 80
EW = E // NW
CHG = 80
NCH_G = EW // CHG
NP_G = NCH_G // 2
ET = E // NS
NCH_S = ET // CH
NCH_E = EW // CH

NHALF = N // 2
ACC_ROWS = 5120
NROW_W = ACC_ROWS // NS

NPAD_ES = 10240
ES_ROWS = NPAD_ES * H // D
ES_SLAB = ES_ROWS // NS

_f32 = jnp.float32


def _proj_body(x_ref, wq_ref, wk_ref, wv_ref, bq_ref, nq_ref, nk_ref, nv_ref):
    x = x_ref[...]
    nq_ref[...] = jnp.dot(x, wq_ref[...], preferred_element_type=_f32) + bq_ref[...]
    nk_ref[...] = jnp.dot(x, wk_ref[...], preferred_element_type=_f32)
    nv_ref[...] = jnp.dot(x, wv_ref[...], preferred_element_type=_f32)


BP = 2000


def _node_proj(x, wq, wk, wv, bq):
    nblk = pl.BlockSpec((BP, D), lambda i: (i, 0))
    wblk = pl.BlockSpec((D, D), lambda i: (0, 0))
    vblk = pl.BlockSpec((1, D), lambda i: (0, 0))
    return pl.pallas_call(
        _proj_body,
        grid=(N // BP,),
        in_specs=[nblk, wblk, wblk, wblk, vblk],
        out_specs=[nblk] * 3,
        out_shape=[jax.ShapeDtypeStruct((N, D), _f32)] * 3,
    )(x, wq, wk, wv, bq)


def _gather_body(nk_hbm, nq_hbm, nv_hbm, src2_hbm, dst2_hbm,
                 nks_hbm, nqd_hbm, nvs_hbm,
                 idxs_v, idxd_v, ra0, rb0, rc0, ra1, rb1, rc1,
                 sa0, sb0, sc0, sa1, sb1, sc1):
    wid = lax.axis_index("s") * NC + lax.axis_index("c")
    cb = wid * NCH_G
    pltpu.sync_copy(src2_hbm.at[wid], idxs_v)
    pltpu.sync_copy(dst2_hbm.at[wid], idxd_v)

    def issue(j, ra, rb, rc, sa, sb, sc_):
        da = pltpu.async_copy(nk_hbm.at[idxs_v.at[j]], ra, sa)
        db = pltpu.async_copy(nq_hbm.at[idxd_v.at[j]], rb, sb)
        dc = pltpu.async_copy(nv_hbm.at[idxs_v.at[j]], rc, sc_)
        return da, db, dc

    def store(j, ra, rb, rc):
        eb = (cb + j) * CHG
        pltpu.sync_copy(ra, nks_hbm.at[pl.ds(eb, CHG)])
        pltpu.sync_copy(rb, nqd_hbm.at[pl.ds(eb, CHG)])
        pltpu.sync_copy(rc, nvs_hbm.at[pl.ds(eb, CHG)])

    def wait(j, ra, rb, rc, sa, sb, sc_):
        pltpu.make_async_copy(nk_hbm.at[idxs_v.at[j]], ra, sa).wait()
        pltpu.make_async_copy(nq_hbm.at[idxd_v.at[j]], rb, sb).wait()
        pltpu.make_async_copy(nv_hbm.at[idxs_v.at[j]], rc, sc_).wait()

    issue(0, ra0, rb0, rc0, sa0, sb0, sc0)

    def body(i, carry):
        j = 2 * i
        wait(j, ra0, rb0, rc0, sa0, sb0, sc0)
        issue(j + 1, ra1, rb1, rc1, sa1, sb1, sc1)
        store(j, ra0, rb0, rc0)
        wait(j + 1, ra1, rb1, rc1, sa1, sb1, sc1)
        issue(j + 2, ra0, rb0, rc0, sa0, sb0, sc0)
        store(j + 1, ra1, rb1, rc1)
        return carry

    lax.fori_loop(0, NP_G, body, 0)
    j = NCH_G - 1
    wait(j, ra0, rb0, rc0, sa0, sb0, sc0)
    store(j, ra0, rb0, rc0)


def _sc_gather(nk, nq, nv, src2, dst2):
    mesh = plsc.VectorSubcoreMesh(core_axis_name="c", subcore_axis_name="s")
    rt = pltpu.VMEM((CHG, D), _f32)
    f = functools.partial(
        pl.kernel,
        out_type=[jax.ShapeDtypeStruct((E, D), _f32)] * 3,
        mesh=mesh,
        scratch_types=[
            pltpu.VMEM((NCH_G, CHG), jnp.int32),
            pltpu.VMEM((NCH_G, CHG), jnp.int32),
            rt, rt, rt, rt, rt, rt,
            pltpu.SemaphoreType.DMA,
            pltpu.SemaphoreType.DMA,
            pltpu.SemaphoreType.DMA,
            pltpu.SemaphoreType.DMA,
            pltpu.SemaphoreType.DMA,
            pltpu.SemaphoreType.DMA,
        ],
    )(_gather_body)
    return f(nk, nq, nv, src2, dst2)


BE = 2000


def _edge_body(ea_ref, nks_ref, nqd_ref, nvs_ref, weq_ref, beq_ref,
               weo_ref, beo_ref, awf_ref, gs8_ref, k8_ref, ewbd_ref,
               g1e_ref, b1e_ref,
               es8_ref, w_ref, eh_ref):
    ea = ea_ref[...]
    eq = jnp.dot(ea, weq_ref[...], preferred_element_type=_f32) + beq_ref[...]
    conn = jnp.maximum(nks_ref[...] + nqd_ref[...] + eq, 0.0)
    score8 = jnp.dot(conn * awf_ref[...], gs8_ref[...],
                     preferred_element_type=_f32)
    es8 = jnp.exp(jnp.clip(score8, -5.0, 5.0))
    es8_ref[...] = es8
    es128 = jnp.dot(es8, k8_ref[...], preferred_element_type=_f32)
    w_ref[...] = (nvs_ref[...]
                  + jnp.dot(conn, ewbd_ref[...], preferred_element_type=_f32)
                  ) * es128
    eh = ea + jnp.dot(conn, weo_ref[...], preferred_element_type=_f32) + beo_ref[...]
    m = jnp.mean(eh, axis=-1, keepdims=True)
    v = jnp.mean((eh - m) * (eh - m), axis=-1, keepdims=True)
    eh = (eh - m) * lax.rsqrt(v + 1e-5) * g1e_ref[...] + b1e_ref[...]
    eh_ref[...] = jnp.maximum(eh, 0.0)


def _edge_stage(ea, nks, nqd, nvs, weq, beq, weo, beo, awf, gs8, k8, ewbd,
                g1e, b1e):
    grid = (E // BE,)
    eblk = pl.BlockSpec((BE, D), lambda i: (i, 0))
    wblk = pl.BlockSpec((D, D), lambda i: (0, 0))
    vblk = pl.BlockSpec((1, D), lambda i: (0, 0))
    return pl.pallas_call(
        _edge_body,
        grid=grid,
        in_specs=[eblk, eblk, eblk, eblk, wblk, vblk, wblk, vblk, vblk,
                  pl.BlockSpec((D, 8), lambda i: (0, 0)),
                  pl.BlockSpec((8, D), lambda i: (0, 0)),
                  wblk, vblk, vblk],
        out_specs=[pl.BlockSpec((BE, 8), lambda i: (i, 0)), eblk, eblk],
        out_shape=[
            jax.ShapeDtypeStruct((E, 8), _f32),
            jax.ShapeDtypeStruct((E, D), _f32),
            jax.ShapeDtypeStruct((E, D), _f32),
        ],
    )(ea, nks, nqd, nvs, weq, beq, weo, beo, awf, gs8, k8, ewbd, g1e, b1e)


def _scatter_w_body(dst2_hbm, w_hbm, z_hbm, agg_hbm,
                    idx_raw, idx_loc, row0, row1, acc, s0, s1):
    cid = lax.axis_index("c")
    sid = lax.axis_index("s")
    r0 = sid * NROW_W
    pltpu.sync_copy(z_hbm.at[pl.ds(r0, NROW_W)], acc.at[pl.ds(r0, NROW_W)])

    pltpu.sync_copy(dst2_hbm.at[sid], idx_raw)
    base = cid * NHALF
    iota = lax.iota(jnp.int32, 16)

    def tbody(j, carry):
        jv = jnp.broadcast_to(j, (16,))
        for k in range(CH // 16):
            cv = k * 16 + iota
            raw = plsc.load_gather(idx_raw, [jv, cv])
            loc = raw - base
            inb = (loc >= 0) & (loc < NHALF)
            loc = jnp.where(inb, loc, NHALF)
            plsc.store_scatter(idx_loc, [jv, cv], loc)
        return carry

    lax.fori_loop(0, NCH_S, tbody, 0)
    plsc.subcore_barrier()

    e00 = sid * NCH_S * CH

    def fetch(j, row, sem):
        return pltpu.async_copy(w_hbm.at[pl.ds(e00 + j * CH, CH)], row, sem)

    def wait(j, row, sem):
        pltpu.make_async_copy(w_hbm.at[pl.ds(e00 + j * CH, CH)], row,
                              sem).wait()

    fetch(0, row0, s0)

    def body(i, carry):
        j = 2 * i
        wait(j, row0, s0)
        fetch(j + 1, row1, s1)
        pltpu.sync_copy(row0, acc.at[idx_loc.at[j]], add=True)
        wait(j + 1, row1, s1)
        fetch(j + 2, row0, s0)
        pltpu.sync_copy(row1, acc.at[idx_loc.at[j + 1]], add=True)
        return carry

    lax.fori_loop(0, NCH_S // 2 - 1, body, 0)
    j = NCH_S - 2
    wait(j, row0, s0)
    fetch(j + 1, row1, s1)
    pltpu.sync_copy(row0, acc.at[idx_loc.at[j]], add=True)
    wait(j + 1, row1, s1)
    pltpu.sync_copy(row1, acc.at[idx_loc.at[j + 1]], add=True)
    plsc.subcore_barrier()

    out0 = cid * ACC_ROWS + r0
    pltpu.sync_copy(acc.at[pl.ds(r0, NROW_W)], agg_hbm.at[pl.ds(out0, NROW_W)])


def _sc_scatter_w(dst2, w, z):
    mesh = plsc.VectorSubcoreMesh(core_axis_name="c", subcore_axis_name="s")
    f = functools.partial(
        pl.kernel,
        out_type=jax.ShapeDtypeStruct((2 * ACC_ROWS, D), _f32),
        mesh=mesh,
        compiler_params=pltpu.CompilerParams(needs_layout_passes=False),
        scratch_types=[
            pltpu.VMEM((NCH_S, CH), jnp.int32),
            pltpu.VMEM((NCH_S, CH), jnp.int32),
            pltpu.VMEM((CH, D), _f32),
            pltpu.VMEM((CH, D), _f32),
            pltpu.VMEM_SHARED((ACC_ROWS, D), _f32),
            pltpu.SemaphoreType.DMA,
            pltpu.SemaphoreType.DMA,
        ],
    )(_scatter_w_body)
    return f(dst2, w, z)


def _scatter_es_body(dst_hbm, es_hbm, z_hbm, ident_hbm, out_hbm,
                     idx_v, es_v0, es_v1, ident_v, acc, acc_sh, s0, s1):
    cid = lax.axis_index("c")
    sid = lax.axis_index("s")
    wid = sid * NC + cid
    e0 = wid * EW
    pltpu.sync_copy(dst_hbm.at[pl.ds(e0, EW)], idx_v)
    pltpu.sync_copy(z_hbm.at[pl.ds(0, ES_ROWS)], acc)
    pltpu.sync_copy(z_hbm.at[pl.ds(sid * ES_SLAB, ES_SLAB)],
                    acc_sh.at[pl.ds(sid * ES_SLAB, ES_SLAB)])
    pltpu.sync_copy(ident_hbm, ident_v)

    iota = lax.iota(jnp.int32, 16)
    pair01 = jnp.where(iota >= 8, 1, 0)
    head = iota & 7

    def fetch(j, buf, sem):
        pltpu.async_copy(es_hbm.at[pl.ds((e0 + j * CH) * H, CH * H)],
                         buf, sem)

    def waitf(j, buf, sem):
        pltpu.make_async_copy(es_hbm.at[pl.ds((e0 + j * CH) * H, CH * H)],
                              buf, sem).wait()

    def work(j, buf):
        def pbody(m, c2):
            d2 = plsc.load_gather(idx_v, [j * CH + 2 * m + pair01])
            vals = plsc.load_gather(buf, [16 * m + iota])
            sidx = d2 * H + head
            plsc.addupdate_scatter(acc, [sidx >> 7, sidx & 127], vals)
            return c2

        lax.fori_loop(0, CH // 2, pbody, 0)

    fetch(0, es_v0, s0)

    def cbody(i, carry):
        j = 2 * i
        waitf(j, es_v0, s0)
        fetch(j + 1, es_v1, s1)
        work(j, es_v0)
        waitf(j + 1, es_v1, s1)
        fetch(j + 2, es_v0, s0)
        work(j + 1, es_v1)
        return carry

    lax.fori_loop(0, NCH_E // 2, cbody, 0)
    j = NCH_E - 1
    waitf(j, es_v0, s0)
    work(j, es_v0)
    plsc.subcore_barrier()
    for j in range(ES_ROWS // CH):
        pltpu.sync_copy(acc.at[pl.ds(j * CH, CH)],
                        acc_sh.at[ident_v.at[j]], add=True)
    plsc.subcore_barrier()
    pltpu.sync_copy(acc_sh.at[pl.ds(sid * ES_SLAB, ES_SLAB)],
                    out_hbm.at[pl.ds(cid * ES_ROWS + sid * ES_SLAB, ES_SLAB)])


def _sc_scatter_es(dst_flat, es_flat, z, ident):
    mesh = plsc.VectorSubcoreMesh(core_axis_name="c", subcore_axis_name="s")
    f = functools.partial(
        pl.kernel,
        out_type=jax.ShapeDtypeStruct((NC * ES_ROWS, D), _f32),
        mesh=mesh,
        compiler_params=pltpu.CompilerParams(needs_layout_passes=False),
        scratch_types=[
            pltpu.VMEM((EW,), jnp.int32),
            pltpu.VMEM((CH * H,), _f32),
            pltpu.VMEM((CH * H,), _f32),
            pltpu.VMEM((ES_ROWS // CH, CH), jnp.int32),
            pltpu.VMEM((ES_ROWS, D), _f32),
            pltpu.VMEM_SHARED((ES_ROWS, D), _f32),
            pltpu.SemaphoreType.DMA,
            pltpu.SemaphoreType.DMA,
        ],
    )(_scatter_es_body)
    return f(dst_flat, es_flat, z, ident)


BN = 2000


def _node_body(sp0_ref, sp1_ref, agg_ref, x_ref, ld_ref,
               k8_ref, deg0_ref, deg1_ref, wno_ref, bno_ref,
               g1h_ref, b1h_ref, w1_ref, b1_ref, w2_ref, b2_ref,
               g2h_ref, b2h_ref, out_ref):
    ssum = sp0_ref[...] + sp1_ref[...]
    rs = 1.0 / (ssum + 1e-16)
    rs128 = jnp.dot(rs, k8_ref[...], preferred_element_type=_f32)
    nh0 = agg_ref[...] * rs128
    nh = nh0 * deg0_ref[...] + (nh0 * ld_ref[...]) * deg1_ref[...]
    nh = jnp.dot(nh, wno_ref[...], preferred_element_type=_f32) + bno_ref[...]
    nh = nh + x_ref[...]
    m = jnp.mean(nh, axis=-1, keepdims=True)
    v = jnp.mean((nh - m) * (nh - m), axis=-1, keepdims=True)
    nh = (nh - m) * lax.rsqrt(v + 1e-5) * g1h_ref[...] + b1h_ref[...]
    t = nh
    h = jnp.maximum(jnp.dot(nh, w1_ref[...], preferred_element_type=_f32)
                    + b1_ref[...], 0.0)
    h = jnp.dot(h, w2_ref[...], preferred_element_type=_f32) + b2_ref[...]
    nh = t + h
    m = jnp.mean(nh, axis=-1, keepdims=True)
    v = jnp.mean((nh - m) * (nh - m), axis=-1, keepdims=True)
    nh = (nh - m) * lax.rsqrt(v + 1e-5) * g2h_ref[...] + b2h_ref[...]
    out_ref[...] = jnp.maximum(nh, 0.0)


def _node_stage(sp0, sp1, agg, x, ld, k8, deg0, deg1,
                wno, bno, g1h, b1h, w1, b1, w2, b2, g2h, b2h):
    grid = (N // BN,)
    nblk = pl.BlockSpec((BN, D), lambda i: (i, 0))
    vblk = pl.BlockSpec((1, D), lambda i: (0, 0))
    wblk = pl.BlockSpec((D, D), lambda i: (0, 0))
    sblk = pl.BlockSpec((BN, 8), lambda i: (i, 0))
    return pl.pallas_call(
        _node_body,
        grid=grid,
        in_specs=[sblk, sblk,
                  nblk, nblk,
                  pl.BlockSpec((BN, 1), lambda i: (i, 0)),
                  pl.BlockSpec((8, D), lambda i: (0, 0)),
                  vblk, vblk, wblk, vblk, vblk, vblk,
                  pl.BlockSpec((D, 2 * D), lambda i: (0, 0)),
                  pl.BlockSpec((1, 2 * D), lambda i: (0, 0)),
                  pl.BlockSpec((2 * D, D), lambda i: (0, 0)),
                  vblk, vblk, vblk],
        out_specs=nblk,
        out_shape=jax.ShapeDtypeStruct((N, D), _f32),
    )(sp0, sp1, agg, x, ld, k8, deg0, deg1,
      wno, bno, g1h, b1h, w1, b1, w2, b2, g2h, b2h)


def kernel(x, edge_attr, log_deg, params, edge_index):
    p = params
    src_g = edge_index[0].reshape(NW, NCH_G, CHG)
    dst_g = edge_index[1].reshape(NW, NCH_G, CHG)
    dst_s = edge_index[1].reshape(NS, NCH_S, CH)
    dst_flat = edge_index[1]

    awf = jnp.transpose(p['Aw'][:, :, 0]).reshape(1, D)
    gs8 = jnp.kron(jnp.eye(H, dtype=_f32), jnp.ones((HD, 1), _f32))
    k8 = jnp.kron(jnp.eye(H, dtype=_f32), jnp.ones((1, HD), _f32))
    ewbd = jax.scipy.linalg.block_diag(*[p['Ew'][:, h, :] for h in range(H)])
    deg0 = p['deg_coef'][:, :, 0]
    deg1 = p['deg_coef'][:, :, 1]
    zw = jnp.zeros((ACC_ROWS, D), _f32)
    ident = jnp.arange(ES_ROWS, dtype=jnp.int32).reshape(ES_ROWS // CH, CH)

    bq = p['bq'].reshape(1, D)
    beq = p['bEq'].reshape(1, D)
    beo = p['bEo'].reshape(1, D)
    bno = p['bNo'].reshape(1, D)
    b1 = p['b1'].reshape(1, 2 * D)
    b2 = p['b2'].reshape(1, D)
    g1e = p['g1e'].reshape(1, D)
    b1e = p['b1e'].reshape(1, D)
    g1h = p['g1h'].reshape(1, D)
    b1h = p['b1h'].reshape(1, D)
    g2h = p['g2h'].reshape(1, D)
    b2h = p['b2h'].reshape(1, D)

    nq, nk, nv = _node_proj(x, p['Wq'], p['Wk'], p['Wv'], bq)
    nks, nqd, nvs = _sc_gather(nk, nq, nv, src_g, dst_g)
    es8, w, eh = _edge_stage(edge_attr, nks, nqd, nvs, p['WEq'], beq,
                             p['WEo'], beo, awf, gs8, k8, ewbd, g1e, b1e)
    aggo = _sc_scatter_w(dst_s, w, zw)
    esp = _sc_scatter_es(dst_flat, es8.reshape(-1), zw, ident)

    agg = jnp.concatenate(
        [aggo[:NHALF], aggo[ACC_ROWS:ACC_ROWS + NHALF]], axis=0)
    sp = esp.reshape(NC, NPAD_ES, H)

    nh = _node_stage(sp[0], sp[1], agg, x, log_deg, k8, deg0, deg1,
                     p['WNo'], bno, g1h, b1h, p['W1'], b1, p['W2'], b2,
                     g2h, b2h)
    return nh, eh

# --- scband reference (transcript-rebuilt; emitter-appended) ---
"""Pipeline reference for scband-additive-attn-act-layer-33792802685124 (READ-ONLY COPY).

The authoritative reference and input builder live on the scoring server;
editing this copy changes nothing except your own understanding.
"""

import jax, jax.numpy as jnp
import numpy as np

N = 10000
E = 320000
D = 128
H = 8
HD = 16

def _ln(v, g, b):
    m = v.mean(-1, keepdims=True)
    var = v.var(-1, keepdims=True)
    return (v - m) / jnp.sqrt(var + 1e-5) * g + b

def _forward(x, edge_attr, log_deg, params, edge_index):
    p = params
    src = edge_index[0]
    dst = edge_index[1]
    Nq = (x @ p['Wq'] + p['bq']).reshape(-1, H, HD)
    Nk = (x @ p['Wk']).reshape(-1, H, HD)
    Nv = (x @ p['Wv']).reshape(-1, H, HD)
    Eq = (edge_attr @ p['WEq'] + p['bEq']).reshape(-1, H, HD)
    conn = jax.nn.relu(Nk[src] + Nq[dst] + Eq)
    score = jnp.einsum('ehd,dhc->ehc', conn, p['Aw'])
    score = jnp.clip(score, -5.0, 5.0)
    smax = jax.ops.segment_max(score, dst, num_segments=N)
    smax = jnp.where(jnp.isfinite(smax), smax, 0.0)
    sc = jnp.exp(score - smax[dst])
    ssum = jax.ops.segment_sum(sc, dst, num_segments=N)
    sc = sc / (ssum[dst] + 1e-16)
    agg1 = jax.ops.segment_sum(Nv[src] * sc, dst, num_segments=N)
    agg2 = jax.ops.segment_sum(conn * sc, dst, num_segments=N)
    agg3 = jnp.einsum('nhd,dhc->nhc', agg2, p['Ew'])
    nh = (agg1 + agg3).reshape(-1, H * HD)
    eh = conn.reshape(-1, H * HD)
    nh = jnp.stack([nh, nh * log_deg], axis=-1)
    nh = (nh * p['deg_coef']).sum(-1)
    nh = nh @ p['WNo'] + p['bNo']
    eh = eh @ p['WEo'] + p['bEo']
    nh = x + nh
    eh = edge_attr + eh
    nh = _ln(nh, p['g1h'], p['b1h'])
    eh = _ln(eh, p['g1e'], p['b1e'])
    nr2 = nh
    h = jax.nn.relu(nh @ p['W1'] + p['b1'])
    h = h @ p['W2'] + p['b2']
    nh = nr2 + h
    nh = _ln(nh, p['g2h'], p['b2h'])
    return jax.nn.relu(nh), jax.nn.relu(eh)

def setup_inputs(seed: int = 0):
    key = jax.random.key(seed)
    ks = jax.random.split(key, 20)
    x = jax.random.normal(ks[0], (N, D), jnp.float32)
    edge_index = jax.random.randint(ks[1], (2, E), 0, N, dtype=jnp.int32)
    edge_attr = jax.random.normal(ks[2], (E, D), jnp.float32)
    log_deg = jax.random.uniform(ks[3], (N, 1), jnp.float32, 0.0, 3.0)
    s = (2.0 / (D + D)) ** 0.5
    s2 = (2.0 / (D + 2 * D)) ** 0.5
    params = {
        'Wq': jax.random.normal(ks[4], (D, D), jnp.float32) * s,
        'bq': jnp.zeros((D,), jnp.float32),
        'Wk': jax.random.normal(ks[5], (D, D), jnp.float32) * s,
        'Wv': jax.random.normal(ks[6], (D, D), jnp.float32) * s,
        'WEq': jax.random.normal(ks[7], (D, D), jnp.float32) * s,
        'bEq': jnp.zeros((D,), jnp.float32),
        'Aw': jax.random.normal(ks[8], (HD, H, 1), jnp.float32) * 0.2,
        'Ew': jax.random.normal(ks[9], (HD, H, HD), jnp.float32) * 0.2,
        'deg_coef': jax.random.normal(ks[10], (1, D, 2), jnp.float32) * 0.1,
        'WNo': jax.random.normal(ks[11], (D, D), jnp.float32) * s,
        'bNo': jnp.zeros((D,), jnp.float32),
        'WEo': jax.random.normal(ks[12], (D, D), jnp.float32) * s,
        'bEo': jnp.zeros((D,), jnp.float32),
        'g1h': jnp.ones((D,), jnp.float32),
        'b1h': jnp.zeros((D,), jnp.float32),
        'g1e': jnp.ones((D,), jnp.float32),
        'b1e': jnp.zeros((D,), jnp.float32),
        'W1': jax.random.normal(ks[13], (D, 2 * D), jnp.float32) * s2,
        'b1': jnp.zeros((2 * D,), jnp.float32),
        'W2': jax.random.normal(ks[14], (2 * D, D), jnp.float32) * s2,
        'b2': jnp.zeros((D,), jnp.float32),
        'g2h': jnp.ones((D,), jnp.float32),
        'b2h': jnp.zeros((D,), jnp.float32),
    }
    return {'x': x, 'edge_attr': edge_attr, 'log_deg': log_deg, 'params': params, 'edge_index': edge_index}

def reference(x, edge_attr, log_deg, params, edge_index):
    return _forward(x, edge_attr, log_deg, params, edge_index)

if __name__ == "__main__":
    import jax
    _d = setup_inputs()
    print(jax.jit(kernel)(*tuple(_d.values())))

</pallas_src>

<mosaic_0001>
#map = affine_map<(d0, d1) -> (0, 0, 0)>
#map1 = affine_map<(d0, d1) -> (0, 0)>
module attributes {stable_mosaic.version = 14 : i64} {
  func.func @_scatter_w_body(%arg0: i32, %arg1: i32, %arg2: memref<16x250x80xi32, #tpu.memory_space<hbm>>, %arg3: memref<320000x128xf32, #tpu.memory_space<hbm>>, %arg4: memref<5120x128xf32, #tpu.memory_space<hbm>>, %arg5: memref<10240x128xf32, #tpu.memory_space<hbm>>, %arg6: memref<250x80xi32, #tpu.memory_space<vmem>>, %arg7: memref<250x80xi32, #tpu.memory_space<vmem>>, %arg8: memref<80x128xf32, #tpu.memory_space<vmem>>, %arg9: memref<80x128xf32, #tpu.memory_space<vmem>>, %arg10: memref<5120x128xf32, #tpu.memory_space<vmem_shared>>, %arg11: memref<!tpu.dma_semaphore, #tpu.memory_space<semaphore_mem>>, %arg12: memref<!tpu.dma_semaphore, #tpu.memory_space<semaphore_mem>>) attributes {dimension_semantics = [#tpu.dimension_semantics<core_parallel>, #tpu.dimension_semantics<subcore_parallel>], iteration_bounds = array<i64: 2, 16>, scalar_prefetch = 0 : i64, scratch_operands = 7 : i64, tpu.core_type = #tpu.core_type<sc_vector_subcore>, window_params = [{transform_indices = #map}, {transform_indices = #map1}, {transform_indices = #map1}, {transform_indices = #map1}]} {
    %mul3A = arith.constant 320 : i32
    %mul3A_0 = arith.muli %arg1, %mul3A : i32
    "tpu.region"() ({
      %run_scoped3A_44 = tpu.sem_alloc : memref<!tpu.dma_semaphore, #tpu.memory_space<semaphore_mem>>
      %dma_start3A_45 = arith.constant 0 : i32
      %dma_start3A_46 = tpu.memref_slice %arg10[%mul3A_0, %dma_start3A_45] : memref<5120x128xf32, #tpu.memory_space<vmem_shared>> -> memref<320x128xf32, #tpu.memory_space<vmem_shared>>
      %dma_start3A_47 = arith.constant 0 : i32
      %dma_start3A_48 = tpu.memref_slice %arg4[%mul3A_0, %dma_start3A_47] : memref<5120x128xf32, #tpu.memory_space<hbm>> -> memref<320x128xf32, #tpu.memory_space<hbm>>
      tpu.enqueue_dma source(%dma_start3A_48 : memref<320x128xf32, #tpu.memory_space<hbm>>) target(%dma_start3A_46 : memref<320x128xf32, #tpu.memory_space<vmem_shared>>) target_semaphore(%run_scoped3A_44 : memref<!tpu.dma_semaphore, #tpu.memory_space<semaphore_mem>>)
      %dma_wait3A_49 = arith.constant 0 : i32
      %dma_wait3A_50 = tpu.memref_slice %arg10[%mul3A_0, %dma_wait3A_49] : memref<5120x128xf32, #tpu.memory_space<vmem_shared>> -> memref<320x128xf32, #tpu.memory_space<vmem_shared>>
      %dma_wait3A_51 = arith.constant 0 : i32
      %dma_wait3A_52 = tpu.memref_slice %arg4[%mul3A_0, %dma_wait3A_51] : memref<5120x128xf32, #tpu.memory_space<hbm>> -> memref<320x128xf32, #tpu.memory_space<hbm>>
      tpu.wait_dma2 semaphore(%run_scoped3A_44 : memref<!tpu.dma_semaphore, #tpu.memory_space<semaphore_mem>>) src(%dma_wait3A_52 : memref<320x128xf32, #tpu.memory_space<hbm>>) dst(%dma_wait3A_50 : memref<320x128xf32, #tpu.memory_space<vmem_shared>>)
      tpu.yield
    }) : () -> ()
    "tpu.region"() ({
      %run_scoped3A_44 = tpu.sem_alloc : memref<!tpu.dma_semaphore, #tpu.memory_space<semaphore_mem>>
      %dma_start3A_45 = arith.constant 0 : i32
      %dma_start3A_46 = arith.constant 0 : i32
      %dma_start3A_47 = tpu.memref_slice %arg2[%arg1, %dma_start3A_45, %dma_start3A_46] : memref<16x250x80xi32, #tpu.memory_space<hbm>> -> memref<1x250x80xi32, #tpu.memory_space<hbm>>
      %dma_start3A_48 = tpu.memref_squeeze %dma_start3A_47 : memref<1x250x80xi32, #tpu.memory_space<hbm>> -> memref<250x80xi32, #tpu.memory_space<hbm>>
      %dma_start3A_49 = arith.constant 0 : i32
      %dma_start3A_50 = arith.constant 0 : i32
      %dma_start3A_51 = tpu.memref_slice %arg2[%arg1, %dma_start3A_49, %dma_start3A_50] : memref<16x250x80xi32, #tpu.memory_space<hbm>> -> memref<1x250x80xi32, #tpu.memory_space<hbm>>
      %dma_start3A_52 = tpu.memref_squeeze %dma_start3A_51 : memref<1x250x80xi32, #tpu.memory_space<hbm>> -> memref<250x80xi32, #tpu.memory_space<hbm>>
      tpu.enqueue_dma source(%dma_start3A_52 : memref<250x80xi32, #tpu.memory_space<hbm>>) target(%arg6 : memref<250x80xi32, #tpu.memory_space<vmem>>) target_semaphore(%run_scoped3A_44 : memref<!tpu.dma_semaphore, #tpu.memory_space<semaphore_mem>>)
      %dma_wait3A_53 = arith.constant 0 : i32
      %dma_wait3A_54 = arith.constant 0 : i32
      %dma_wait3A_55 = tpu.memref_slice %arg2[%arg1, %dma_wait3A_53, %dma_wait3A_54] : memref<16x250x80xi32, #tpu.memory_space<hbm>> -> memref<1x250x80xi32, #tpu.memory_space<hbm>>
      %dma_wait3A_56 = tpu.memref_squeeze %dma_wait3A_55 : memref<1x250x80xi32, #tpu.memory_space<hbm>> -> memref<250x80xi32, #tpu.memory_space<hbm>>
      %dma_wait3A_57 = arith.constant 0 : i32
      %dma_wait3A_58 = arith.constant 0 : i32
      %dma_wait3A_59 = tpu.memref_slice %arg2[%arg1, %dma_wait3A_57, %dma_wait3A_58] : memref<16x250x80xi32, #tpu.memory_space<hbm>> -> memref<1x250x80xi32, #tpu.memory_space<hbm>>
      %dma_wait3A_60 = tpu.memref_squeeze %dma_wait3A_59 : memref<1x250x80xi32, #tpu.memory_space<hbm>> -> memref<250x80xi32, #tpu.memory_space<hbm>>
      tpu.wait_dma2 semaphore(%run_scoped3A_44 : memref<!tpu.dma_semaphore, #tpu.memory_space<semaphore_mem>>) src(%dma_wait3A_60 : memref<250x80xi32, #tpu.memory_space<hbm>>) dst(%arg6 : memref<250x80xi32, #tpu.memory_space<vmem>>)
      tpu.yield
    }) : () -> ()
    %mul3A_1 = arith.constant 5000 : i32
    %mul3A_2 = arith.muli %arg0, %mul3A_1 : i32
    %iota3A = tpu.iota {dimensions = array<i32: 0>} : vector<16xi32>
    %scan3A = arith.constant 0 : i32
    %scan3A_3 = arith.constant 0 : i32
    %scan3A_4 = arith.constant 250 : i32
    %scan3A_5 = arith.addi %scan3A_3, %scan3A_4 : i32
    %scan3A_6 = arith.constant 1 : i32
    scf.for %scan3A_44 = %scan3A_3 to %scan3A_5 step %scan3A_6  : i32 {
      %broadcast_in_dim3A = vector.broadcast %scan3A_44 : i32 to vector<16xi32>
      %add3A_45 = arith.constant 0 : i32
      %add3A_46 = vector.broadcast %add3A_45 : i32 to vector<16xi32>
      %add3A_47 = arith.addi %add3A_46, %iota3A : vector<16xi32>
      %gather3A = tpu.vector_load_idx %arg6[%broadcast_in_dim3A, %add3A_47] : memref<250x80xi32, #tpu.memory_space<vmem>>[vector<16xi32>, vector<16xi32>], vector<16xi32>,
      %sub3A = vector.broadcast %mul3A_2 : i32 to vector<16xi32>
      %sub3A_48 = arith.subi %gather3A, %sub3A : vector<16xi32>
      %ge3A = arith.constant 0 : i32
      %ge3A_49 = vector.broadcast %ge3A : i32 to vector<16xi32>
      %ge3A_50 = arith.cmpi sge, %sub3A_48, %ge3A_49 : vector<16xi32>
      %lt3A = arith.constant 5000 : i32
      %lt3A_51 = vector.broadcast %lt3A : i32 to vector<16xi32>
      %lt3A_52 = arith.cmpi slt, %sub3A_48, %lt3A_51 : vector<16xi32>
      %and3A = arith.andi %ge3A_50, %lt3A_52 : vector<16xi1>
      %jit3A = arith.constant 5000 : i32
      %broadcast_in_dim3A_53 = vector.broadcast %jit3A : i32 to vector<16xi32>
      %select_n3A = arith.select %and3A, %sub3A_48, %broadcast_in_dim3A_53 : vector<16xi1>, vector<16xi32>
      tpu.vector_store_idx %arg7[%broadcast_in_dim3A, %add3A_47], %select_n3A : memref<250x80xi32, #tpu.memory_space<vmem>>[vector<16xi32>, vector<16xi32>], vector<16xi32>,
      %add3A_54 = arith.constant 16 : i32
      %add3A_55 = vector.broadcast %add3A_54 : i32 to vector<16xi32>
      %add3A_56 = arith.addi %add3A_55, %iota3A : vector<16xi32>
      %gather3A_57 = tpu.vector_load_idx %arg6[%broadcast_in_dim3A, %add3A_56] : memref<250x80xi32, #tpu.memory_space<vmem>>[vector<16xi32>, vector<16xi32>], vector<16xi32>,
      %sub3A_58 = vector.broadcast %mul3A_2 : i32 to vector<16xi32>
      %sub3A_59 = arith.subi %gather3A_57, %sub3A_58 : vector<16xi32>
      %ge3A_60 = arith.constant 0 : i32
      %ge3A_61 = vector.broadcast %ge3A_60 : i32 to vector<16xi32>
      %ge3A_62 = arith.cmpi sge, %sub3A_59, %ge3A_61 : vector<16xi32>
      %lt3A_63 = arith.constant 5000 : i32
      %lt3A_64 = vector.broadcast %lt3A_63 : i32 to vector<16xi32>
      %lt3A_65 = arith.cmpi slt, %sub3A_59, %lt3A_64 : vector<16xi32>
      %and3A_66 = arith.andi %ge3A_62, %lt3A_65 : vector<16xi1>
      %jit3A_67 = arith.constant 5000 : i32
      %broadcast_in_dim3A_68 = vector.broadcast %jit3A_67 : i32 to vector<16xi32>
      %select_n3A_69 = arith.select %and3A_66, %sub3A_59, %broadcast_in_dim3A_68 : vector<16xi1>, vector<16xi32>
      tpu.vector_store_idx %arg7[%broadcast_in_dim3A, %add3A_56], %select_n3A_69 : memref<250x80xi32, #tpu.memory_space<vmem>>[vector<16xi32>, vector<16xi32>], vector<16xi32>,
      %add3A_70 = arith.constant 32 : i32
      %add3A_71 = vector.broadcast %add3A_70 : i32 to vector<16xi32>
      %add3A_72 = arith.addi %add3A_71, %iota3A : vector<16xi32>
      %gather3A_73 = tpu.vector_load_idx %arg6[%broadcast_in_dim3A, %add3A_72] : memref<250x80xi32, #tpu.memory_space<vmem>>[vector<16xi32>, vector<16xi32>], vector<16xi32>,
      %sub3A_74 = vector.broadcast %mul3A_2 : i32 to vector<16xi32>
      %sub3A_75 = arith.subi %gather3A_73, %sub3A_74 : vector<16xi32>
      %ge3A_76 = arith.constant 0 : i32
      %ge3A_77 = vector.broadcast %ge3A_76 : i32 to vector<16xi32>
      %ge3A_78 = arith.cmpi sge, %sub3A_75, %ge3A_77 : vector<16xi32>
      %lt3A_79 = arith.constant 5000 : i32
      %lt3A_80 = vector.broadcast %lt3A_79 : i32 to vector<16xi32>
      %lt3A_81 = arith.cmpi slt, %sub3A_75, %lt3A_80 : vector<16xi32>
      %and3A_82 = arith.andi %ge3A_78, %lt3A_81 : vector<16xi1>
      %jit3A_83 = arith.constant 5000 : i32
      %broadcast_in_dim3A_84 = vector.broadcast %jit3A_83 : i32 to vector<16xi32>
      %select_n3A_85 = arith.select %and3A_82, %sub3A_75, %broadcast_in_dim3A_84 : vector<16xi1>, vector<16xi32>
      tpu.vector_store_idx %arg7[%broadcast_in_dim3A, %add3A_72], %select_n3A_85 : memref<250x80xi32, #tpu.memory_space<vmem>>[vector<16xi32>, vector<16xi32>], vector<16xi32>,
      %add3A_86 = arith.constant 48 : i32
      %add3A_87 = vector.broadcast %add3A_86 : i32 to vector<16xi32>
      %add3A_88 = arith.addi %add3A_87, %iota3A : vector<16xi32>
      %gather3A_89 = tpu.vector_load_idx %arg6[%broadcast_in_dim3A, %add3A_88] : memref<250x80xi32, #tpu.memory_space<vmem>>[vector<16xi32>, vector<16xi32>], vector<16xi32>,
      %sub3A_90 = vector.broadcast %mul3A_2 : i32 to vector<16xi32>
      %sub3A_91 = arith.subi %gather3A_89, %sub3A_90 : vector<16xi32>
      %ge3A_92 = arith.constant 0 : i32
      %ge3A_93 = vector.broadcast %ge3A_92 : i32 to vector<16xi32>
      %ge3A_94 = arith.cmpi sge, %sub3A_91, %ge3A_93 : vector<16xi32>
      %lt3A_95 = arith.constant 5000 : i32
      %lt3A_96 = vector.broadcast %lt3A_95 : i32 to vector<16xi32>
      %lt3A_97 = arith.cmpi slt, %sub3A_91, %lt3A_96 : vector<16xi32>
      %and3A_98 = arith.andi %ge3A_94, %lt3A_97 : vector<16xi1>
      %jit3A_99 = arith.constant 5000 : i32
      %broadcast_in_dim3A_100 = vector.broadcast %jit3A_99 : i32 to vector<16xi32>
      %select_n3A_101 = arith.select %and3A_98, %sub3A_91, %broadcast_in_dim3A_100 : vector<16xi1>, vector<16xi32>
      tpu.vector_store_idx %arg7[%broadcast_in_dim3A, %add3A_88], %select_n3A_101 : memref<250x80xi32, #tpu.memory_space<vmem>>[vector<16xi32>, vector<16xi32>], vector<16xi32>,
      %add3A_102 = arith.constant 64 : i32
      %add3A_103 = vector.broadcast %add3A_102 : i32 to vector<16xi32>
      %add3A_104 = arith.addi %add3A_103, %iota3A : vector<16xi32>
      %gather3A_105 = tpu.vector_load_idx %arg6[%broadcast_in_dim3A, %add3A_104] : memref<250x80xi32, #tpu.memory_space<vmem>>[vector<16xi32>, vector<16xi32>], vector<16xi32>,
      %sub3A_106 = vector.broadcast %mul3A_2 : i32 to vector<16xi32>
      %sub3A_107 = arith.subi %gather3A_105, %sub3A_106 : vector<16xi32>
      %ge3A_108 = arith.constant 0 : i32
      %ge3A_109 = vector.broadcast %ge3A_108 : i32 to vector<16xi32>
      %ge3A_110 = arith.cmpi sge, %sub3A_107, %ge3A_109 : vector<16xi32>
      %lt3A_111 = arith.constant 5000 : i32
      %lt3A_112 = vector.broadcast %lt3A_111 : i32 to vector<16xi32>
      %lt3A_113 = arith.cmpi slt, %sub3A_107, %lt3A_112 : vector<16xi32>
      %and3A_114 = arith.andi %ge3A_110, %lt3A_113 : vector<16xi1>
      %jit3A_115 = arith.constant 5000 : i32
      %broadcast_in_dim3A_116 = vector.broadcast %jit3A_115 : i32 to vector<16xi32>
      %select_n3A_117 = arith.select %and3A_114, %sub3A_107, %broadcast_in_dim3A_116 : vector<16xi1>, vector<16xi32>
      tpu.vector_store_idx %arg7[%broadcast_in_dim3A, %add3A_104], %select_n3A_117 : memref<250x80xi32, #tpu.memory_space<vmem>>[vector<16xi32>, vector<16xi32>], vector<16xi32>,
    }
    %scan3A_7 = arith.constant 250 : i32
    %barrier3A = arith.constant 0 : index
    tpu.barrier barrier_id(%barrier3A)
    %mul3A_8 = arith.constant 250 : i32
    %mul3A_9 = arith.muli %arg1, %mul3A_8 : i32
    %mul3A_10 = arith.constant 80 : i32
    %mul3A_11 = arith.muli %mul3A_9, %mul3A_10 : i32
    %add3A = arith.constant 0 : i32
    %add3A_12 = arith.addi %mul3A_11, %add3A : i32
    %dma_start3A = arith.constant 0 : i32
    %dma_start3A_13 = tpu.memref_slice %arg3[%add3A_12, %dma_start3A] : memref<320000x128xf32, #tpu.memory_space<hbm>> -> memref<80x128xf32, #tpu.memory_space<hbm>>
    %dma_start3A_14 = arith.constant 0 : i32
    %dma_start3A_15 = tpu.memref_slice %arg3[%add3A_12, %dma_start3A_14] : memref<320000x128xf32, #tpu.memory_space<hbm>> -> memref<80x128xf32, #tpu.memory_space<hbm>>
    tpu.enqueue_dma source(%dma_start3A_15 : memref<80x128xf32, #tpu.memory_space<hbm>>) target(%arg8 : memref<80x128xf32, #tpu.memory_space<vmem>>) target_semaphore(%arg11 : memref<!tpu.dma_semaphore, #tpu.memory_space<semaphore_mem>>)
    %scan3A_16 = arith.constant 0 : i32
    %scan3A_17 = arith.constant 0 : i32
    %scan3A_18 = arith.constant 124 : i32
    %scan3A_19 = arith.addi %scan3A_17, %scan3A_18 : i32
    %scan3A_20 = arith.constant 1 : i32
    scf.for %scan3A_44 = %scan3A_17 to %scan3A_19 step %scan3A_20  : i32 {
      %mul3A_45 = arith.constant 2 : i32
      %mul3A_46 = arith.muli %mul3A_45, %scan3A_44 : i32
      %mul3A_47 = arith.constant 80 : i32
      %mul3A_48 = arith.muli %mul3A_46, %mul3A_47 : i32
      %add3A_49 = arith.addi %mul3A_11, %mul3A_48 : i32
      %dma_wait3A_50 = arith.constant 0 : i32
      %dma_wait3A_51 = tpu.memref_slice %arg3[%add3A_49, %dma_wait3A_50] : memref<320000x128xf32, #tpu.memory_space<hbm>> -> memref<80x128xf32, #tpu.memory_space<hbm>>
      %dma_wait3A_52 = arith.constant 0 : i32
      %dma_wait3A_53 = tpu.memref_slice %arg3[%add3A_49, %dma_wait3A_52] : memref<320000x128xf32, #tpu.memory_space<hbm>> -> memref<80x128xf32, #tpu.memory_space<hbm>>
      tpu.wait_dma2 semaphore(%arg11 : memref<!tpu.dma_semaphore, #tpu.memory_space<semaphore_mem>>) src(%dma_wait3A_53 : memref<80x128xf32, #tpu.memory_space<hbm>>) dst(%arg8 : memref<80x128xf32, #tpu.memory_space<vmem>>)
      %add3A_54 = arith.constant 1 : i32
      %add3A_55 = arith.addi %mul3A_46, %add3A_54 : i32
      %mul3A_56 = arith.constant 80 : i32
      %mul3A_57 = arith.muli %add3A_55, %mul3A_56 : i32
      %add3A_58 = arith.addi %mul3A_11, %mul3A_57 : i32
      %dma_start3A_59 = arith.constant 0 : i32
      %dma_start3A_60 = tpu.memref_slice %arg3[%add3A_58, %dma_start3A_59] : memref<320000x128xf32, #tpu.memory_space<hbm>> -> memref<80x128xf32, #tpu.memory_space<hbm>>
      %dma_start3A_61 = arith.constant 0 : i32
      %dma_start3A_62 = tpu.memref_slice %arg3[%add3A_58, %dma_start3A_61] : memref<320000x128xf32, #tpu.memory_space<hbm>> -> memref<80x128xf32, #tpu.memory_space<hbm>>
      tpu.enqueue_dma source(%dma_start3A_62 : memref<80x128xf32, #tpu.memory_space<hbm>>) target(%arg9 : memref<80x128xf32, #tpu.memory_space<vmem>>) target_semaphore(%arg12 : memref<!tpu.dma_semaphore, #tpu.memory_space<semaphore_mem>>)
      "tpu.region"() ({
        %run_scoped3A_83 = tpu.sem_alloc : memref<!tpu.dma_semaphore, #tpu.memory_space<semaphore_mem>>
        %dma_start3A_84 = arith.constant 0 : i32
        %dma_start3A_85 = tpu.memref_slice %arg7[%mul3A_46, %dma_start3A_84] : memref<250x80xi32, #tpu.memory_space<vmem>> -> memref<1x80xi32, #tpu.memory_space<vmem>>
        %dma_start3A_86 = tpu.memref_squeeze %dma_start3A_85 : memref<1x80xi32, #tpu.memory_space<vmem>> -> memref<80xi32, #tpu.memory_space<vmem>>
        %dma_start3A_87 = arith.constant 0 : i32
        %dma_start3A_88 = arith.constant 0 : i32
        %dma_start3A_89 = tpu.memref_slice %arg10[%dma_start3A_87, %dma_start3A_88] : memref<5120x128xf32, #tpu.memory_space<vmem_shared>> -> memref<5120x128xf32, #tpu.memory_space<vmem_shared>>
        tpu.enqueue_indirect_dma source(%arg8 : memref<80x128xf32, #tpu.memory_space<vmem>>) target(%dma_start3A_89 : memref<5120x128xf32, #tpu.memory_space<vmem_shared>>) offsets(%dma_start3A_86 : memref<80xi32, #tpu.memory_space<vmem>>) semaphore(%run_scoped3A_83 : memref<!tpu.dma_semaphore, #tpu.memory_space<semaphore_mem>>) {add = true}
        %dma_wait3A_90 = arith.constant 0 : i32
        %dma_wait3A_91 = tpu.memref_slice %arg7[%mul3A_46, %dma_wait3A_90] : memref<250x80xi32, #tpu.memory_space<vmem>> -> memref<1x80xi32, #tpu.memory_space<vmem>>
        %dma_wait3A_92 = tpu.memref_squeeze %dma_wait3A_91 : memref<1x80xi32, #tpu.memory_space<vmem>> -> memref<80xi32, #tpu.memory_space<vmem>>
        %dma_wait3A_93 = arith.constant 0 : i32
        %dma_wait3A_94 = arith.constant 0 : i32
        %dma_wait3A_95 = tpu.memref_slice %arg10[%dma_wait3A_93, %dma_wait3A_94] : memref<5120x128xf32, #tpu.memory_space<vmem_shared>> -> memref<5120x128xf32, #tpu.memory_space<vmem_shared>>
        tpu.wait_indirect_dma semaphore(%run_scoped3A_83 : memref<!tpu.dma_semaphore, #tpu.memory_space<semaphore_mem>>) src(%arg8 : memref<80x128xf32, #tpu.memory_space<vmem>>) dst(%dma_wait3A_95 : memref<5120x128xf32, #tpu.memory_space<vmem_shared>>)
        tpu.yield
      }) : () -> ()
      %add3A_63 = arith.constant 1 : i32
      %add3A_64 = arith.addi %mul3A_46, %add3A_63 : i32
      %mul3A_65 = arith.constant 80 : i32
      %mul3A_66 = arith.muli %add3A_64, %mul3A_65 : i32
      %add3A_67 = arith.addi %mul3A_11, %mul3A_66 : i32
      %dma_wait3A_68 = arith.constant 0 : i32
      %dma_wait3A_69 = tpu.memref_slice %arg3[%add3A_67, %dma_wait3A_68] : memref<320000x128xf32, #tpu.memory_space<hbm>> -> memref<80x128xf32, #tpu.memory_space<hbm>>
      %dma_wait3A_70 = arith.constant 0 : i32
      %dma_wait3A_71 = tpu.memref_slice %arg3[%add3A_67, %dma_wait3A_70] : memref<320000x128xf32, #tpu.memory_space<hbm>> -> memref<80x128xf32, #tpu.memory_space<hbm>>
      tpu.wait_dma2 semaphore(%arg12 : memref<!tpu.dma_semaphore, #tpu.memory_space<semaphore_mem>>) src(%dma_wait3A_71 : memref<80x128xf32, #tpu.memory_space<hbm>>) dst(%arg9 : memref<80x128xf32, #tpu.memory_space<vmem>>)
      %add3A_72 = arith.constant 2 : i32
      %add3A_73 = arith.addi %mul3A_46, %add3A_72 : i32
      %mul3A_74 = arith.constant 80 : i32
      %mul3A_75 = arith.muli %add3A_73, %mul3A_74 : i32
      %add3A_76 = arith.addi %mul3A_11, %mul3A_75 : i32
      %dma_start3A_77 = arith.constant 0 : i32
      %dma_start3A_78 = tpu.memref_slice %arg3[%add3A_76, %dma_start3A_77] : memref<320000x128xf32, #tpu.memory_space<hbm>> -> memref<80x128xf32, #tpu.memory_space<hbm>>
      %dma_start3A_79 = arith.constant 0 : i32
      %dma_start3A_80 = tpu.memref_slice %arg3[%add3A_76, %dma_start3A_79] : memref<320000x128xf32, #tpu.memory_space<hbm>> -> memref<80x128xf32, #tpu.memory_space<hbm>>
      tpu.enqueue_dma source(%dma_start3A_80 : memref<80x128xf32, #tpu.memory_space<hbm>>) target(%arg8 : memref<80x128xf32, #tpu.memory_space<vmem>>) target_semaphore(%arg11 : memref<!tpu.dma_semaphore, #tpu.memory_space<semaphore_mem>>)
      %add3A_81 = arith.constant 1 : i32
      %add3A_82 = arith.addi %mul3A_46, %add3A_81 : i32
      "tpu.region"() ({
        %run_scoped3A_83 = tpu.sem_alloc : memref<!tpu.dma_semaphore, #tpu.memory_space<semaphore_mem>>
        %dma_start3A_84 = arith.constant 0 : i32
        %dma_start3A_85 = tpu.memref_slice %arg7[%add3A_82, %dma_start3A_84] : memref<250x80xi32, #tpu.memory_space<vmem>> -> memref<1x80xi32, #tpu.memory_space<vmem>>
        %dma_start3A_86 = tpu.memref_squeeze %dma_start3A_85 : memref<1x80xi32, #tpu.memory_space<vmem>> -> memref<80xi32, #tpu.memory_space<vmem>>
        %dma_start3A_87 = arith.constant 0 : i32
        %dma_start3A_88 = arith.constant 0 : i32
        %dma_start3A_89 = tpu.memref_slice %arg10[%dma_start3A_87, %dma_start3A_88] : memref<5120x128xf32, #tpu.memory_space<vmem_shared>> -> memref<5120x128xf32, #tpu.memory_space<vmem_shared>>
        tpu.enqueue_indirect_dma source(%arg9 : memref<80x128xf32, #tpu.memory_space<vmem>>) target(%dma_start3A_89 : memref<5120x128xf32, #tpu.memory_space<vmem_shared>>) offsets(%dma_start3A_86 : memref<80xi32, #tpu.memory_space<vmem>>) semaphore(%run_scoped3A_83 : memref<!tpu.dma_semaphore, #tpu.memory_space<semaphore_mem>>) {add = true}
        %dma_wait3A_90 = arith.constant 0 : i32
        %dma_wait3A_91 = tpu.memref_slice %arg7[%add3A_82, %dma_wait3A_90] : memref<250x80xi32, #tpu.memory_space<vmem>> -> memref<1x80xi32, #tpu.memory_space<vmem>>
        %dma_wait3A_92 = tpu.memref_squeeze %dma_wait3A_91 : memref<1x80xi32, #tpu.memory_space<vmem>> -> memref<80xi32, #tpu.memory_space<vmem>>
        %dma_wait3A_93 = arith.constant 0 : i32
        %dma_wait3A_94 = arith.constant 0 : i32
        %dma_wait3A_95 = tpu.memref_slice %arg10[%dma_wait3A_93, %dma_wait3A_94] : memref<5120x128xf32, #tpu.memory_space<vmem_shared>> -> memref<5120x128xf32, #tpu.memory_space<vmem_shared>>
        tpu.wait_indirect_dma semaphore(%run_scoped3A_83 : memref<!tpu.dma_semaphore, #tpu.memory_space<semaphore_mem>>) src(%arg9 : memref<80x128xf32, #tpu.memory_space<vmem>>) dst(%dma_wait3A_95 : memref<5120x128xf32, #tpu.memory_space<vmem_shared>>)
        tpu.yield
      }) : () -> ()
    }
    %scan3A_21 = arith.constant 124 : i32
    %add3A_22 = arith.constant 19840 : i32
    %add3A_23 = arith.addi %mul3A_11, %add3A_22 : i32
    %dma_wait3A = arith.constant 0 : i32
    %dma_wait3A_24 = tpu.memref_slice %arg3[%add3A_23, %dma_wait3A] : memref<320000x128xf32, #tpu.memory_space<hbm>> -> memref<80x128xf32, #tpu.memory_space<hbm>>
    %dma_wait3A_25 = arith.constant 0 : i32
    %dma_wait3A_26 = tpu.memref_slice %arg3[%add3A_23, %dma_wait3A_25] : memref<320000x128xf32, #tpu.memory_space<hbm>> -> memref<80x128xf32, #tpu.memory_space<hbm>>
    tpu.wait_dma2 semaphore(%arg11 : memref<!tpu.dma_semaphore, #tpu.memory_space<semaphore_mem>>) src(%dma_wait3A_26 : memref<80x128xf32, #tpu.memory_space<hbm>>) dst(%arg8 : memref<80x128xf32, #tpu.memory_space<vmem>>)
    %add3A_27 = arith.constant 19920 : i32
    %add3A_28 = arith.addi %mul3A_11, %add3A_27 : i32
    %dma_start3A_29 = arith.constant 0 : i32
    %dma_start3A_30 = tpu.memref_slice %arg3[%add3A_28, %dma_start3A_29] : memref<320000x128xf32, #tpu.memory_space<hbm>> -> memref<80x128xf32, #tpu.memory_space<hbm>>
    %dma_start3A_31 = arith.constant 0 : i32
    %dma_start3A_32 = tpu.memref_slice %arg3[%add3A_28, %dma_start3A_31] : memref<320000x128xf32, #tpu.memory_space<hbm>> -> memref<80x128xf32, #tpu.memory_space<hbm>>
    tpu.enqueue_dma source(%dma_start3A_32 : memref<80x128xf32, #tpu.memory_space<hbm>>) target(%arg9 : memref<80x128xf32, #tpu.memory_space<vmem>>) target_semaphore(%arg12 : memref<!tpu.dma_semaphore, #tpu.memory_space<semaphore_mem>>)
    %run_scoped3A = arith.constant 248 : i32
    "tpu.region"() ({
      %run_scoped3A_44 = tpu.sem_alloc : memref<!tpu.dma_semaphore, #tpu.memory_space<semaphore_mem>>
      %dma_start3A_45 = arith.constant 0 : i32
      %dma_start3A_46 = tpu.memref_slice %arg7[%run_scoped3A, %dma_start3A_45] : memref<250x80xi32, #tpu.memory_space<vmem>> -> memref<1x80xi32, #tpu.memory_space<vmem>>
      %dma_start3A_47 = tpu.memref_squeeze %dma_start3A_46 : memref<1x80xi32, #tpu.memory_space<vmem>> -> memref<80xi32, #tpu.memory_space<vmem>>
      %dma_start3A_48 = arith.constant 0 : i32
      %dma_start3A_49 = arith.constant 0 : i32
      %dma_start3A_50 = tpu.memref_slice %arg10[%dma_start3A_48, %dma_start3A_49] : memref<5120x128xf32, #tpu.memory_space<vmem_shared>> -> memref<5120x128xf32, #tpu.memory_space<vmem_shared>>
      tpu.enqueue_indirect_dma source(%arg8 : memref<80x128xf32, #tpu.memory_space<vmem>>) target(%dma_start3A_50 : memref<5120x128xf32, #tpu.memory_space<vmem_shared>>) offsets(%dma_start3A_47 : memref<80xi32, #tpu.memory_space<vmem>>) semaphore(%run_scoped3A_44 : memref<!tpu.dma_semaphore, #tpu.memory_space<semaphore_mem>>) {add = true}
      %dma_wait3A_51 = arith.constant 0 : i32
      %dma_wait3A_52 = tpu.memref_slice %arg7[%run_scoped3A, %dma_wait3A_51] : memref<250x80xi32, #tpu.memory_space<vmem>> -> memref<1x80xi32, #tpu.memory_space<vmem>>
      %dma_wait3A_53 = tpu.memref_squeeze %dma_wait3A_52 : memref<1x80xi32, #tpu.memory_space<vmem>> -> memref<80xi32, #tpu.memory_space<vmem>>
      %dma_wait3A_54 = arith.constant 0 : i32
      %dma_wait3A_55 = arith.constant 0 : i32
      %dma_wait3A_56 = tpu.memref_slice %arg10[%dma_wait3A_54, %dma_wait3A_55] : memref<5120x128xf32, #tpu.memory_space<vmem_shared>> -> memref<5120x128xf32, #tpu.memory_space<vmem_shared>>
      tpu.wait_indirect_dma semaphore(%run_scoped3A_44 : memref<!tpu.dma_semaphore, #tpu.memory_space<semaphore_mem>>) src(%arg8 : memref<80x128xf32, #tpu.memory_space<vmem>>) dst(%dma_wait3A_56 : memref<5120x128xf32, #tpu.memory_space<vmem_shared>>)
      tpu.yield
    }) : () -> ()
    %add3A_33 = arith.constant 19920 : i32
    %add3A_34 = arith.addi %mul3A_11, %add3A_33 : i32
    %dma_wait3A_35 = arith.constant 0 : i32
    %dma_wait3A_36 = tpu.memref_slice %arg3[%add3A_34, %dma_wait3A_35] : memref<320000x128xf32, #tpu.memory_space<hbm>> -> memref<80x128xf32, #tpu.memory_space<hbm>>
    %dma_wait3A_37 = arith.constant 0 : i32
    %dma_wait3A_38 = tpu.memref_slice %arg3[%add3A_34, %dma_wait3A_37] : memref<320000x128xf32, #tpu.memory_space<hbm>> -> memref<80x128xf32, #tpu.memory_space<hbm>>
    tpu.wait_dma2 semaphore(%arg12 : memref<!tpu.dma_semaphore, #tpu.memory_space<semaphore_mem>>) src(%dma_wait3A_38 : memref<80x128xf32, #tpu.memory_space<hbm>>) dst(%arg9 : memref<80x128xf32, #tpu.memory_space<vmem>>)
    %run_scoped3A_39 = arith.constant 249 : i32
    "tpu.region"() ({
      %run_scoped3A_44 = tpu.sem_alloc : memref<!tpu.dma_semaphore, #tpu.memory_space<semaphore_mem>>
      %dma_start3A_45 = arith.constant 0 : i32
      %dma_start3A_46 = tpu.memref_slice %arg7[%run_scoped3A_39, %dma_start3A_45] : memref<250x80xi32, #tpu.memory_space<vmem>> -> memref<1x80xi32, #tpu.memory_space<vmem>>
      %dma_start3A_47 = tpu.memref_squeeze %dma_start3A_46 : memref<1x80xi32, #tpu.memory_space<vmem>> -> memref<80xi32, #tpu.memory_space<vmem>>
      %dma_start3A_48 = arith.constant 0 : i32
      %dma_start3A_49 = arith.constant 0 : i32
      %dma_start3A_50 = tpu.memref_slice %arg10[%dma_start3A_48, %dma_start3A_49] : memref<5120x128xf32, #tpu.memory_space<vmem_shared>> -> memref<5120x128xf32, #tpu.memory_space<vmem_shared>>
      tpu.enqueue_indirect_dma source(%arg9 : memref<80x128xf32, #tpu.memory_space<vmem>>) target(%dma_start3A_50 : memref<5120x128xf32, #tpu.memory_space<vmem_shared>>) offsets(%dma_start3A_47 : memref<80xi32, #tpu.memory_space<vmem>>) semaphore(%run_scoped3A_44 : memref<!tpu.dma_semaphore, #tpu.memory_space<semaphore_mem>>) {add = true}
      %dma_wait3A_51 = arith.constant 0 : i32
      %dma_wait3A_52 = tpu.memref_slice %arg7[%run_scoped3A_39, %dma_wait3A_51] : memref<250x80xi32, #tpu.memory_space<vmem>> -> memref<1x80xi32, #tpu.memory_space<vmem>>
      %dma_wait3A_53 = tpu.memref_squeeze %dma_wait3A_52 : memref<1x80xi32, #tpu.memory_space<vmem>> -> memref<80xi32, #tpu.memory_space<vmem>>
      %dma_wait3A_54 = arith.constant 0 : i32
      %dma_wait3A_55 = arith.constant 0 : i32
      %dma_wait3A_56 = tpu.memref_slice %arg10[%dma_wait3A_54, %dma_wait3A_55] : memref<5120x128xf32, #tpu.memory_space<vmem_shared>> -> memref<5120x128xf32, #tpu.memory_space<vmem_shared>>
      tpu.wait_indirect_dma semaphore(%run_scoped3A_44 : memref<!tpu.dma_semaphore, #tpu.memory_space<semaphore_mem>>) src(%arg9 : memref<80x128xf32, #tpu.memory_space<vmem>>) dst(%dma_wait3A_56 : memref<5120x128xf32, #tpu.memory_space<vmem_shared>>)
      tpu.yield
    }) : () -> ()
    %barrier3A_40 = arith.constant 0 : index
    tpu.barrier barrier_id(%barrier3A_40)
    %mul3A_41 = arith.constant 5120 : i32
    %mul3A_42 = arith.muli %arg0, %mul3A_41 : i32
    %add3A_43 = arith.addi %mul3A_42, %mul3A_0 : i32
    "tpu.region"() ({
      %run_scoped3A_44 = tpu.sem_alloc : memref<!tpu.dma_semaphore, #tpu.memory_space<semaphore_mem>>
      %dma_start3A_45 = arith.constant 0 : i32
      %dma_start3A_46 = tpu.memref_slice %arg5[%add3A_43, %dma_start3A_45] : memref<10240x128xf32, #tpu.memory_space<hbm>> -> memref<320x128xf32, #tpu.memory_space<hbm>>
      %dma_start3A_47 = arith.constant 0 : i32
      %dma_start3A_48 = tpu.memref_slice %arg10[%mul3A_0, %dma_start3A_47] : memref<5120x128xf32, #tpu.memory_space<vmem_shared>> -> memref<320x128xf32, #tpu.memory_space<vmem_shared>>
      tpu.enqueue_dma source(%dma_start3A_48 : memref<320x128xf32, #tpu.memory_space<vmem_shared>>) target(%dma_start3A_46 : memref<320x128xf32, #tpu.memory_space<hbm>>) target_semaphore(%run_scoped3A_44 : memref<!tpu.dma_semaphore, #tpu.memory_space<semaphore_mem>>)
      %dma_wait3A_49 = arith.constant 0 : i32
      %dma_wait3A_50 = tpu.memref_slice %arg5[%add3A_43, %dma_wait3A_49] : memref<10240x128xf32, #tpu.memory_space<hbm>> -> memref<320x128xf32, #tpu.memory_space<hbm>>
      %dma_wait3A_51 = arith.constant 0 : i32
      %dma_wait3A_52 = tpu.memref_slice %arg10[%mul3A_0, %dma_wait3A_51] : memref<5120x128xf32, #tpu.memory_space<vmem_shared>> -> memref<320x128xf32, #tpu.memory_space<vmem_shared>>
      tpu.wait_dma2 semaphore(%run_scoped3A_44 : memref<!tpu.dma_semaphore, #tpu.memory_space<semaphore_mem>>) src(%dma_wait3A_52 : memref<320x128xf32, #tpu.memory_space<vmem_shared>>) dst(%dma_wait3A_50 : memref<320x128xf32, #tpu.memory_space<hbm>>)
      tpu.yield
    }) : () -> ()
    return
  }
}

#map = affine_map<(d0, d1) -> (0)>
#map1 = affine_map<(d0, d1) -> (0, 0)>
module attributes {stable_mosaic.version = 14 : i64} {
  func.func @_scatter_es_body(%arg0: i32, %arg1: i32, %arg2: memref<320000xi32, #tpu.memory_space<hbm>>, %arg3: memref<2560000xf32, #tpu.memory_space<hbm>>, %arg4: memref<5120x128xf32, #tpu.memory_space<hbm>>, %arg5: memref<8x80xi32, #tpu.memory_space<hbm>>, %arg6: memref<1280x128xf32, #tpu.memory_space<hbm>>, %arg7: memref<10000xi32, #tpu.memory_space<vmem>>, %arg8: memref<640xf32, #tpu.memory_space<vmem>>, %arg9: memref<640xf32, #tpu.memory_space<vmem>>, %arg10: memref<8x80xi32, #tpu.memory_space<vmem>>, %arg11: memref<640x128xf32, #tpu.memory_space<vmem>>, %arg12: memref<640x128xf32, #tpu.memory_space<vmem_shared>>, %arg13: memref<!tpu.dma_semaphore, #tpu.memory_space<semaphore_mem>>, %arg14: memref<!tpu.dma_semaphore, #tpu.memory_space<semaphore_mem>>) attributes {dimension_semantics = [#tpu.dimension_semantics<core_parallel>, #tpu.dimension_semantics<subcore_parallel>], iteration_bounds = array<i64: 2, 16>, scalar_prefetch = 0 : i64, scratch_operands = 8 : i64, tpu.core_type = #tpu.core_type<sc_vector_subcore>, window_params = [{transform_indices = #map}, {transform_indices = #map}, {transform_indices = #map1}, {transform_indices = #map1}, {transform_indices = #map1}]} {
    %mul3A = arith.constant 2 : i32
    %mul3A_0 = arith.muli %arg1, %mul3A : i32
    %add3A = arith.addi %mul3A_0, %arg0 : i32
    %mul3A_1 = arith.constant 10000 : i32
    %mul3A_2 = arith.muli %add3A, %mul3A_1 : i32
    "tpu.region"() ({
      %run_scoped3A_49 = tpu.sem_alloc : memref<!tpu.dma_semaphore, #tpu.memory_space<semaphore_mem>>
      %dma_start3A_50 = tpu.memref_slice %arg2[%mul3A_2] : memref<320000xi32, #tpu.memory_space<hbm>> -> memref<10000xi32, #tpu.memory_space<hbm>>
      %dma_start3A_51 = tpu.memref_slice %arg2[%mul3A_2] : memref<320000xi32, #tpu.memory_space<hbm>> -> memref<10000xi32, #tpu.memory_space<hbm>>
      tpu.enqueue_dma source(%dma_start3A_51 : memref<10000xi32, #tpu.memory_space<hbm>>) target(%arg7 : memref<10000xi32, #tpu.memory_space<vmem>>) target_semaphore(%run_scoped3A_49 : memref<!tpu.dma_semaphore, #tpu.memory_space<semaphore_mem>>)
      %dma_wait3A_52 = tpu.memref_slice %arg2[%mul3A_2] : memref<320000xi32, #tpu.memory_space<hbm>> -> memref<10000xi32, #tpu.memory_space<hbm>>
      %dma_wait3A_53 = tpu.memref_slice %arg2[%mul3A_2] : memref<320000xi32, #tpu.memory_space<hbm>> -> memref<10000xi32, #tpu.memory_space<hbm>>
      tpu.wait_dma2 semaphore(%run_scoped3A_49 : memref<!tpu.dma_semaphore, #tpu.memory_space<semaphore_mem>>) src(%dma_wait3A_53 : memref<10000xi32, #tpu.memory_space<hbm>>) dst(%arg7 : memref<10000xi32, #tpu.memory_space<vmem>>)
      tpu.yield
    }) : () -> ()
    "tpu.region"() ({
      %run_scoped3A_49 = tpu.sem_alloc : memref<!tpu.dma_semaphore, #tpu.memory_space<semaphore_mem>>
      %dma_start3A_50 = arith.constant 0 : i32
      %dma_start3A_51 = arith.constant 0 : i32
      %dma_start3A_52 = tpu.memref_slice %arg4[%dma_start3A_50, %dma_start3A_51] : memref<5120x128xf32, #tpu.memory_space<hbm>> -> memref<640x128xf32, #tpu.memory_space<hbm>>
      %dma_start3A_53 = arith.constant 0 : i32
      %dma_start3A_54 = arith.constant 0 : i32
      %dma_start3A_55 = tpu.memref_slice %arg4[%dma_start3A_53, %dma_start3A_54] : memref<5120x128xf32, #tpu.memory_space<hbm>> -> memref<640x128xf32, #tpu.memory_space<hbm>>
      tpu.enqueue_dma source(%dma_start3A_55 : memref<640x128xf32, #tpu.memory_space<hbm>>) target(%arg11 : memref<640x128xf32, #tpu.memory_space<vmem>>) target_semaphore(%run_scoped3A_49 : memref<!tpu.dma_semaphore, #tpu.memory_space<semaphore_mem>>)
      %dma_wait3A_56 = arith.constant 0 : i32
      %dma_wait3A_57 = arith.constant 0 : i32
      %dma_wait3A_58 = tpu.memref_slice %arg4[%dma_wait3A_56, %dma_wait3A_57] : memref<5120x128xf32, #tpu.memory_space<hbm>> -> memref<640x128xf32, #tpu.memory_space<hbm>>
      %dma_wait3A_59 = arith.constant 0 : i32
      %dma_wait3A_60 = arith.constant 0 : i32
      %dma_wait3A_61 = tpu.memref_slice %arg4[%dma_wait3A_59, %dma_wait3A_60] : memref<5120x128xf32, #tpu.memory_space<hbm>> -> memref<640x128xf32, #tpu.memory_space<hbm>>
      tpu.wait_dma2 semaphore(%run_scoped3A_49 : memref<!tpu.dma_semaphore, #tpu.memory_space<semaphore_mem>>) src(%dma_wait3A_61 : memref<640x128xf32, #tpu.memory_space<hbm>>) dst(%arg11 : memref<640x128xf32, #tpu.memory_space<vmem>>)
      tpu.yield
    }) : () -> ()
    %mul3A_3 = arith.constant 40 : i32
    %mul3A_4 = arith.muli %arg1, %mul3A_3 : i32
    %mul3A_5 = arith.constant 40 : i32
    %mul3A_6 = arith.muli %arg1, %mul3A_5 : i32
    "tpu.region"() ({
      %run_scoped3A_49 = tpu.sem_alloc : memref<!tpu.dma_semaphore, #tpu.memory_space<semaphore_mem>>
      %dma_start3A_50 = arith.constant 0 : i32
      %dma_start3A_51 = tpu.memref_slice %arg12[%mul3A_6, %dma_start3A_50] : memref<640x128xf32, #tpu.memory_space<vmem_shared>> -> memref<40x128xf32, #tpu.memory_space<vmem_shared>>
      %dma_start3A_52 = arith.constant 0 : i32
      %dma_start3A_53 = tpu.memref_slice %arg4[%mul3A_4, %dma_start3A_52] : memref<5120x128xf32, #tpu.memory_space<hbm>> -> memref<40x128xf32, #tpu.memory_space<hbm>>
      tpu.enqueue_dma source(%dma_start3A_53 : memref<40x128xf32, #tpu.memory_space<hbm>>) target(%dma_start3A_51 : memref<40x128xf32, #tpu.memory_space<vmem_shared>>) target_semaphore(%run_scoped3A_49 : memref<!tpu.dma_semaphore, #tpu.memory_space<semaphore_mem>>)
      %dma_wait3A_54 = arith.constant 0 : i32
      %dma_wait3A_55 = tpu.memref_slice %arg12[%mul3A_6, %dma_wait3A_54] : memref<640x128xf32, #tpu.memory_space<vmem_shared>> -> memref<40x128xf32, #tpu.memory_space<vmem_shared>>
      %dma_wait3A_56 = arith.constant 0 : i32
      %dma_wait3A_57 = tpu.memref_slice %arg4[%mul3A_4, %dma_wait3A_56] : memref<5120x128xf32, #tpu.memory_space<hbm>> -> memref<40x128xf32, #tpu.memory_space<hbm>>
      tpu.wait_dma2 semaphore(%run_scoped3A_49 : memref<!tpu.dma_semaphore, #tpu.memory_space<semaphore_mem>>) src(%dma_wait3A_57 : memref<40x128xf32, #tpu.memory_space<hbm>>) dst(%dma_wait3A_55 : memref<40x128xf32, #tpu.memory_space<vmem_shared>>)
      tpu.yield
    }) : () -> ()
    "tpu.region"() ({
      %run_scoped3A_49 = tpu.sem_alloc : memref<!tpu.dma_semaphore, #tpu.memory_space<semaphore_mem>>
      tpu.enqueue_dma source(%arg5 : memref<8x80xi32, #tpu.memory_space<hbm>>) target(%arg10 : memref<8x80xi32, #tpu.memory_space<vmem>>) target_semaphore(%run_scoped3A_49 : memref<!tpu.dma_semaphore, #tpu.memory_space<semaphore_mem>>)
      tpu.wait_dma2 semaphore(%run_scoped3A_49 : memref<!tpu.dma_semaphore, #tpu.memory_space<semaphore_mem>>) src(%arg5 : memref<8x80xi32, #tpu.memory_space<hbm>>) dst(%arg10 : memref<8x80xi32, #tpu.memory_space<vmem>>)
      tpu.yield
    }) : () -> ()
    %iota3A = tpu.iota {dimensions = array<i32: 0>} : vector<16xi32>
    %ge3A = arith.constant 8 : i32
    %ge3A_7 = vector.broadcast %ge3A : i32 to vector<16xi32>
    %ge3A_8 = arith.cmpi sge, %iota3A, %ge3A_7 : vector<16xi32>
    %jit3A = arith.constant 1 : i32
    %jit3A_9 = arith.constant 0 : i32
    %broadcast_in_dim3A = vector.broadcast %jit3A : i32 to vector<16xi32>
    %broadcast_in_dim3A_10 = vector.broadcast %jit3A_9 : i32 to vector<16xi32>
    %select_n3A = arith.select %ge3A_8, %broadcast_in_dim3A, %broadcast_in_dim3A_10 : vector<16xi1>, vector<16xi32>
    %and3A = arith.constant 7 : i32
    %and3A_11 = vector.broadcast %and3A : i32 to vector<16xi32>
    %and3A_12 = arith.andi %iota3A, %and3A_11 : vector<16xi32>
    %add3A_13 = arith.constant 0 : i32
    %add3A_14 = arith.addi %mul3A_2, %add3A_13 : i32
    %mul3A_15 = arith.constant 8 : i32
    %mul3A_16 = arith.muli %add3A_14, %mul3A_15 : i32
    %dma_start3A = tpu.memref_slice %arg3[%mul3A_16] : memref<2560000xf32, #tpu.memory_space<hbm>> -> memref<640xf32, #tpu.memory_space<hbm>>
    %dma_start3A_17 = tpu.memref_slice %arg3[%mul3A_16] : memref<2560000xf32, #tpu.memory_space<hbm>> -> memref<640xf32, #tpu.memory_space<hbm>>
    tpu.enqueue_dma source(%dma_start3A_17 : memref<640xf32, #tpu.memory_space<hbm>>) target(%arg8 : memref<640xf32, #tpu.memory_space<vmem>>) target_semaphore(%arg13 : memref<!tpu.dma_semaphore, #tpu.memory_space<semaphore_mem>>)
    %scan3A = arith.constant 0 : i32
    %scan3A_18 = arith.constant 0 : i32
    %scan3A_19 = arith.constant 62 : i32
    %scan3A_20 = arith.addi %scan3A_18, %scan3A_19 : i32
    %scan3A_21 = arith.constant 1 : i32
    scf.for %scan3A_49 = %scan3A_18 to %scan3A_20 step %scan3A_21  : i32 {
      %mul3A_50 = arith.constant 2 : i32
      %mul3A_51 = arith.muli %mul3A_50, %scan3A_49 : i32
      %mul3A_52 = arith.constant 80 : i32
      %mul3A_53 = arith.muli %mul3A_51, %mul3A_52 : i32
      %add3A_54 = arith.addi %mul3A_2, %mul3A_53 : i32
      %mul3A_55 = arith.constant 8 : i32
      %mul3A_56 = arith.muli %add3A_54, %mul3A_55 : i32
      %dma_wait3A_57 = tpu.memref_slice %arg3[%mul3A_56] : memref<2560000xf32, #tpu.memory_space<hbm>> -> memref<640xf32, #tpu.memory_space<hbm>>
      %dma_wait3A_58 = tpu.memref_slice %arg3[%mul3A_56] : memref<2560000xf32, #tpu.memory_space<hbm>> -> memref<640xf32, #tpu.memory_space<hbm>>
      tpu.wait_dma2 semaphore(%arg13 : memref<!tpu.dma_semaphore, #tpu.memory_space<semaphore_mem>>) src(%dma_wait3A_58 : memref<640xf32, #tpu.memory_space<hbm>>) dst(%arg8 : memref<640xf32, #tpu.memory_space<vmem>>)
      %add3A_59 = arith.constant 1 : i32
      %add3A_60 = arith.addi %mul3A_51, %add3A_59 : i32
      %mul3A_61 = arith.constant 80 : i32
      %mul3A_62 = arith.muli %add3A_60, %mul3A_61 : i32
      %add3A_63 = arith.addi %mul3A_2, %mul3A_62 : i32
      %mul3A_64 = arith.constant 8 : i32
      %mul3A_65 = arith.muli %add3A_63, %mul3A_64 : i32
      %dma_start3A_66 = tpu.memref_slice %arg3[%mul3A_65] : memref<2560000xf32, #tpu.memory_space<hbm>> -> memref<640xf32, #tpu.memory_space<hbm>>
      %dma_start3A_67 = tpu.memref_slice %arg3[%mul3A_65] : memref<2560000xf32, #tpu.memory_space<hbm>> -> memref<640xf32, #tpu.memory_space<hbm>>
      tpu.enqueue_dma source(%dma_start3A_67 : memref<640xf32, #tpu.memory_space<hbm>>) target(%arg9 : memref<640xf32, #tpu.memory_space<vmem>>) target_semaphore(%arg14 : memref<!tpu.dma_semaphore, #tpu.memory_space<semaphore_mem>>)
      %scan3A_68 = arith.constant 0 : i32
      %scan3A_69 = arith.constant 0 : i32
      %scan3A_70 = arith.constant 40 : i32
      %scan3A_71 = arith.addi %scan3A_69, %scan3A_70 : i32
      %scan3A_72 = arith.constant 1 : i32
      scf.for %scan3A_100 = %scan3A_69 to %scan3A_71 step %scan3A_72  : i32 {
        %mul3A_101 = arith.constant 80 : i32
        %mul3A_102 = arith.muli %mul3A_51, %mul3A_101 : i32
        %mul3A_103 = arith.constant 2 : i32
        %mul3A_104 = arith.muli %mul3A_103, %scan3A_100 : i32
        %add3A_105 = arith.addi %mul3A_102, %mul3A_104 : i32
        %add3A_106 = vector.broadcast %add3A_105 : i32 to vector<16xi32>
        %add3A_107 = arith.addi %add3A_106, %select_n3A : vector<16xi32>
        %gather3A = tpu.vector_load_idx %arg7[%add3A_107] : memref<10000xi32, #tpu.memory_space<vmem>>[vector<16xi32>], vector<16xi32>,
        %mul3A_108 = arith.constant 16 : i32
        %mul3A_109 = arith.muli %mul3A_108, %scan3A_100 : i32
        %add3A_110 = vector.broadcast %mul3A_109 : i32 to vector<16xi32>
        %add3A_111 = arith.addi %add3A_110, %iota3A : vector<16xi32>
        %gather3A_112 = tpu.vector_load_idx %arg8[%add3A_111] : memref<640xf32, #tpu.memory_space<vmem>>[vector<16xi32>], vector<16xf32>,
        %mul3A_113 = arith.constant 8 : i32
        %mul3A_114 = vector.broadcast %mul3A_113 : i32 to vector<16xi32>
        %mul3A_115 = arith.muli %gather3A, %mul3A_114 : vector<16xi32>
        %add3A_116 = arith.addi %mul3A_115, %and3A_12 : vector<16xi32>
        %shift_right_arithmetic3A = arith.constant 7 : i32
        %shift_right_arithmetic3A_117 = vector.broadcast %shift_right_arithmetic3A : i32 to vector<16xi32>
        %shift_right_arithmetic3A_118 = arith.shrsi %add3A_116, %shift_right_arithmetic3A_117 : vector<16xi32>
        %and3A_119 = arith.constant 127 : i32
        %and3A_120 = vector.broadcast %and3A_119 : i32 to vector<16xi32>
        %and3A_121 = arith.andi %add3A_116, %and3A_120 : vector<16xi32>
        tpu.vector_store_idx %arg11[%shift_right_arithmetic3A_118, %and3A_121], %gather3A_112 {add = true} : memref<640x128xf32, #tpu.memory_space<vmem>>[vector<16xi32>, vector<16xi32>], vector<16xf32>,
      }
      %scan3A_73 = arith.constant 40 : i32
      %add3A_74 = arith.constant 1 : i32
      %add3A_75 = arith.addi %mul3A_51, %add3A_74 : i32
      %mul3A_76 = arith.constant 80 : i32
      %mul3A_77 = arith.muli %add3A_75, %mul3A_76 : i32
      %add3A_78 = arith.addi %mul3A_2, %mul3A_77 : i32
      %mul3A_79 = arith.constant 8 : i32
      %mul3A_80 = arith.muli %add3A_78, %mul3A_79 : i32
      %dma_wait3A_81 = tpu.memref_slice %arg3[%mul3A_80] : memref<2560000xf32, #tpu.memory_space<hbm>> -> memref<640xf32, #tpu.memory_space<hbm>>
      %dma_wait3A_82 = tpu.memref_slice %arg3[%mul3A_80] : memref<2560000xf32, #tpu.memory_space<hbm>> -> memref<640xf32, #tpu.memory_space<hbm>>
      tpu.wait_dma2 semaphore(%arg14 : memref<!tpu.dma_semaphore, #tpu.memory_space<semaphore_mem>>) src(%dma_wait3A_82 : memref<640xf32, #tpu.memory_space<hbm>>) dst(%arg9 : memref<640xf32, #tpu.memory_space<vmem>>)
      %add3A_83 = arith.constant 2 : i32
      %add3A_84 = arith.addi %mul3A_51, %add3A_83 : i32
      %mul3A_85 = arith.constant 80 : i32
      %mul3A_86 = arith.muli %add3A_84, %mul3A_85 : i32
      %add3A_87 = arith.addi %mul3A_2, %mul3A_86 : i32
      %mul3A_88 = arith.constant 8 : i32
      %mul3A_89 = arith.muli %add3A_87, %mul3A_88 : i32
      %dma_start3A_90 = tpu.memref_slice %arg3[%mul3A_89] : memref<2560000xf32, #tpu.memory_space<hbm>> -> memref<640xf32, #tpu.memory_space<hbm>>
      %dma_start3A_91 = tpu.memref_slice %arg3[%mul3A_89] : memref<2560000xf32, #tpu.memory_space<hbm>> -> memref<640xf32, #tpu.memory_space<hbm>>
      tpu.enqueue_dma source(%dma_start3A_91 : memref<640xf32, #tpu.memory_space<hbm>>) target(%arg8 : memref<640xf32, #tpu.memory_space<vmem>>) target_semaphore(%arg13 : memref<!tpu.dma_semaphore, #tpu.memory_space<semaphore_mem>>)
      %add3A_92 = arith.constant 1 : i32
      %add3A_93 = arith.addi %mul3A_51, %add3A_92 : i32
      %scan3A_94 = arith.constant 0 : i32
      %scan3A_95 = arith.constant 0 : i32
      %scan3A_96 = arith.constant 40 : i32
      %scan3A_97 = arith.addi %scan3A_95, %scan3A_96 : i32
      %scan3A_98 = arith.constant 1 : i32
      scf.for %scan3A_100 = %scan3A_95 to %scan3A_97 step %scan3A_98  : i32 {
        %mul3A_101 = arith.constant 80 : i32
        %mul3A_102 = arith.muli %add3A_93, %mul3A_101 : i32
        %mul3A_103 = arith.constant 2 : i32
        %mul3A_104 = arith.muli %mul3A_103, %scan3A_100 : i32
        %add3A_105 = arith.addi %mul3A_102, %mul3A_104 : i32
        %add3A_106 = vector.broadcast %add3A_105 : i32 to vector<16xi32>
        %add3A_107 = arith.addi %add3A_106, %select_n3A : vector<16xi32>
        %gather3A = tpu.vector_load_idx %arg7[%add3A_107] : memref<10000xi32, #tpu.memory_space<vmem>>[vector<16xi32>], vector<16xi32>,
        %mul3A_108 = arith.constant 16 : i32
        %mul3A_109 = arith.muli %mul3A_108, %scan3A_100 : i32
        %add3A_110 = vector.broadcast %mul3A_109 : i32 to vector<16xi32>
        %add3A_111 = arith.addi %add3A_110, %iota3A : vector<16xi32>
        %gather3A_112 = tpu.vector_load_idx %arg9[%add3A_111] : memref<640xf32, #tpu.memory_space<vmem>>[vector<16xi32>], vector<16xf32>,
        %mul3A_113 = arith.constant 8 : i32
        %mul3A_114 = vector.broadcast %mul3A_113 : i32 to vector<16xi32>
        %mul3A_115 = arith.muli %gather3A, %mul3A_114 : vector<16xi32>
        %add3A_116 = arith.addi %mul3A_115, %and3A_12 : vector<16xi32>
        %shift_right_arithmetic3A = arith.constant 7 : i32
        %shift_right_arithmetic3A_117 = vector.broadcast %shift_right_arithmetic3A : i32 to vector<16xi32>
        %shift_right_arithmetic3A_118 = arith.shrsi %add3A_116, %shift_right_arithmetic3A_117 : vector<16xi32>
        %and3A_119 = arith.constant 127 : i32
        %and3A_120 = vector.broadcast %and3A_119 : i32 to vector<16xi32>
        %and3A_121 = arith.andi %add3A_116, %and3A_120 : vector<16xi32>
        tpu.vector_store_idx %arg11[%shift_right_arithmetic3A_118, %and3A_121], %gather3A_112 {add = true} : memref<640x128xf32, #tpu.memory_space<vmem>>[vector<16xi32>, vector<16xi32>], vector<16xf32>,
      }
      %scan3A_99 = arith.constant 40 : i32
    }
    %scan3A_22 = arith.constant 62 : i32
    %add3A_23 = arith.constant 9920 : i32
    %add3A_24 = arith.addi %mul3A_2, %add3A_23 : i32
    %mul3A_25 = arith.constant 8 : i32
    %mul3A_26 = arith.muli %add3A_24, %mul3A_25 : i32
    %dma_wait3A = tpu.memref_slice %arg3[%mul3A_26] : memref<2560000xf32, #tpu.memory_space<hbm>> -> memref<640xf32, #tpu.memory_space<hbm>>
    %dma_wait3A_27 = tpu.memref_slice %arg3[%mul3A_26] : memref<2560000xf32, #tpu.memory_space<hbm>> -> memref<640xf32, #tpu.memory_space<hbm>>
    tpu.wait_dma2 semaphore(%arg13 : memref<!tpu.dma_semaphore, #tpu.memory_space<semaphore_mem>>) src(%dma_wait3A_27 : memref<640xf32, #tpu.memory_space<hbm>>) dst(%arg8 : memref<640xf32, #tpu.memory_space<vmem>>)
    %scan3A_28 = arith.constant 0 : i32
    %scan3A_29 = arith.constant 0 : i32
    %scan3A_30 = arith.constant 40 : i32
    %scan3A_31 = arith.addi %scan3A_29, %scan3A_30 : i32
    %scan3A_32 = arith.constant 1 : i32
    scf.for %scan3A_49 = %scan3A_29 to %scan3A_31 step %scan3A_32  : i32 {
      %mul3A_50 = arith.constant 2 : i32
      %mul3A_51 = arith.muli %mul3A_50, %scan3A_49 : i32
      %add3A_52 = arith.constant 9920 : i32
      %add3A_53 = arith.addi %add3A_52, %mul3A_51 : i32
      %add3A_54 = vector.broadcast %add3A_53 : i32 to vector<16xi32>
      %add3A_55 = arith.addi %add3A_54, %select_n3A : vector<16xi32>
      %gather3A = tpu.vector_load_idx %arg7[%add3A_55] : memref<10000xi32, #tpu.memory_space<vmem>>[vector<16xi32>], vector<16xi32>,
      %mul3A_56 = arith.constant 16 : i32
      %mul3A_57 = arith.muli %mul3A_56, %scan3A_49 : i32
      %add3A_58 = vector.broadcast %mul3A_57 : i32 to vector<16xi32>
      %add3A_59 = arith.addi %add3A_58, %iota3A : vector<16xi32>
      %gather3A_60 = tpu.vector_load_idx %arg8[%add3A_59] : memref<640xf32, #tpu.memory_space<vmem>>[vector<16xi32>], vector<16xf32>,
      %mul3A_61 = arith.constant 8 : i32
      %mul3A_62 = vector.broadcast %mul3A_61 : i32 to vector<16xi32>
      %mul3A_63 = arith.muli %gather3A, %mul3A_62 : vector<16xi32>
      %add3A_64 = arith.addi %mul3A_63, %and3A_12 : vector<16xi32>
      %shift_right_arithmetic3A = arith.constant 7 : i32
      %shift_right_arithmetic3A_65 = vector.broadcast %shift_right_arithmetic3A : i32 to vector<16xi32>
      %shift_right_arithmetic3A_66 = arith.shrsi %add3A_64, %shift_right_arithmetic3A_65 : vector<16xi32>
      %and3A_67 = arith.constant 127 : i32
      %and3A_68 = vector.broadcast %and3A_67 : i32 to vector<16xi32>
      %and3A_69 = arith.andi %add3A_64, %and3A_68 : vector<16xi32>
      tpu.vector_store_idx %arg11[%shift_right_arithmetic3A_66, %and3A_69], %gather3A_60 {add = true} : memref<640x128xf32, #tpu.memory_space<vmem>>[vector<16xi32>, vector<16xi32>], vector<16xf32>,
    }
    %scan3A_33 = arith.constant 40 : i32
    %barrier3A = arith.constant 0 : index
    tpu.barrier barrier_id(%barrier3A)
    %run_scoped3A = arith.constant 0 : i32
    "tpu.region"() ({
      %run_scoped3A_49 = tpu.sem_alloc : memref<!tpu.dma_semaphore, #tpu.memory_space<semaphore_mem>>
      %dma_start3A_50 = arith.constant 0 : i32
      %dma_start3A_51 = arith.constant 0 : i32
      %dma_start3A_52 = tpu.memref_slice %arg11[%dma_start3A_50, %dma_start3A_51] : memref<640x128xf32, #tpu.memory_space<vmem>> -> memref<80x128xf32, #tpu.memory_space<vmem>>
      %dma_start3A_53 = arith.constant 0 : i32
      %dma_start3A_54 = tpu.memref_slice %arg10[%run_scoped3A, %dma_start3A_53] : memref<8x80xi32, #tpu.memory_space<vmem>> -> memref<1x80xi32, #tpu.memory_space<vmem>>
      %dma_start3A_55 = tpu.memref_squeeze %dma_start3A_54 : memref<1x80xi32, #tpu.memory_space<vmem>> -> memref<80xi32, #tpu.memory_space<vmem>>
      %dma_start3A_56 = arith.constant 0 : i32
      %dma_start3A_57 = arith.constant 0 : i32
      %dma_start3A_58 = tpu.memref_slice %arg12[%dma_start3A_56, %dma_start3A_57] : memref<640x128xf32, #tpu.memory_space<vmem_shared>> -> memref<640x128xf32, #tpu.memory_space<vmem_shared>>
      tpu.enqueue_indirect_dma source(%dma_start3A_52 : memref<80x128xf32, #tpu.memory_space<vmem>>) target(%dma_start3A_58 : memref<640x128xf32, #tpu.memory_space<vmem_shared>>) offsets(%dma_start3A_55 : memref<80xi32, #tpu.memory_space<vmem>>) semaphore(%run_scoped3A_49 : memref<!tpu.dma_semaphore, #tpu.memory_space<semaphore_mem>>) {add = true}
      %dma_wait3A_59 = arith.constant 0 : i32
      %dma_wait3A_60 = arith.constant 0 : i32
      %dma_wait3A_61 = tpu.memref_slice %arg11[%dma_wait3A_59, %dma_wait3A_60] : memref<640x128xf32, #tpu.memory_space<vmem>> -> memref<80x128xf32, #tpu.memory_space<vmem>>
      %dma_wait3A_62 = arith.constant 0 : i32
      %dma_wait3A_63 = tpu.memref_slice %arg10[%run_scoped3A, %dma_wait3A_62] : memref<8x80xi32, #tpu.memory_space<vmem>> -> memref<1x80xi32, #tpu.memory_space<vmem>>
      %dma_wait3A_64 = tpu.memref_squeeze %dma_wait3A_63 : memref<1x80xi32, #tpu.memory_space<vmem>> -> memref<80xi32, #tpu.memory_space<vmem>>
      %dma_wait3A_65 = arith.constant 0 : i32
      %dma_wait3A_66 = arith.constant 0 : i32
      %dma_wait3A_67 = tpu.memref_slice %arg12[%dma_wait3A_65, %dma_wait3A_66] : memref<640x128xf32, #tpu.memory_space<vmem_shared>> -> memref<640x128xf32, #tpu.memory_space<vmem_shared>>
      tpu.wait_indirect_dma semaphore(%run_scoped3A_49 : memref<!tpu.dma_semaphore, #tpu.memory_space<semaphore_mem>>) src(%dma_wait3A_61 : memref<80x128xf32, #tpu.memory_space<vmem>>) dst(%dma_wait3A_67 : memref<640x128xf32, #tpu.memory_space<vmem_shared>>)
      tpu.yield
    }) : () -> ()
    %run_scoped3A_34 = arith.constant 1 : i32
    "tpu.region"() ({
      %run_scoped3A_49 = tpu.sem_alloc : memref<!tpu.dma_semaphore, #tpu.memory_space<semaphore_mem>>
      %dma_start3A_50 = arith.constant 80 : i32
      %dma_start3A_51 = arith.constant 0 : i32
      %dma_start3A_52 = tpu.memref_slice %arg11[%dma_start3A_50, %dma_start3A_51] : memref<640x128xf32, #tpu.memory_space<vmem>> -> memref<80x128xf32, #tpu.memory_space<vmem>>
      %dma_start3A_53 = arith.constant 0 : i32
      %dma_start3A_54 = tpu.memref_slice %arg10[%run_scoped3A_34, %dma_start3A_53] : memref<8x80xi32, #tpu.memory_space<vmem>> -> memref<1x80xi32, #tpu.memory_space<vmem>>
      %dma_start3A_55 = tpu.memref_squeeze %dma_start3A_54 : memref<1x80xi32, #tpu.memory_space<vmem>> -> memref<80xi32, #tpu.memory_space<vmem>>
      %dma_start3A_56 = arith.constant 0 : i32
      %dma_start3A_57 = arith.constant 0 : i32
      %dma_start3A_58 = tpu.memref_slice %arg12[%dma_start3A_56, %dma_start3A_57] : memref<640x128xf32, #tpu.memory_space<vmem_shared>> -> memref<640x128xf32, #tpu.memory_space<vmem_shared>>
      tpu.enqueue_indirect_dma source(%dma_start3A_52 : memref<80x128xf32, #tpu.memory_space<vmem>>) target(%dma_start3A_58 : memref<640x128xf32, #tpu.memory_space<vmem_shared>>) offsets(%dma_start3A_55 : memref<80xi32, #tpu.memory_space<vmem>>) semaphore(%run_scoped3A_49 : memref<!tpu.dma_semaphore, #tpu.memory_space<semaphore_mem>>) {add = true}
      %dma_wait3A_59 = arith.constant 80 : i32
      %dma_wait3A_60 = arith.constant 0 : i32
      %dma_wait3A_61 = tpu.memref_slice %arg11[%dma_wait3A_59, %dma_wait3A_60] : memref<640x128xf32, #tpu.memory_space<vmem>> -> memref<80x128xf32, #tpu.memory_space<vmem>>
      %dma_wait3A_62 = arith.constant 0 : i32
      %dma_wait3A_63 = tpu.memref_slice %arg10[%run_scoped3A_34, %dma_wait3A_62] : memref<8x80xi32, #tpu.memory_space<vmem>> -> memref<1x80xi32, #tpu.memory_space<vmem>>
      %dma_wait3A_64 = tpu.memref_squeeze %dma_wait3A_63 : memref<1x80xi32, #tpu.memory_space<vmem>> -> memref<80xi32, #tpu.memory_space<vmem>>
      %dma_wait3A_65 = arith.constant 0 : i32
      %dma_wait3A_66 = arith.constant 0 : i32
      %dma_wait3A_67 = tpu.memref_slice %arg12[%dma_wait3A_65, %dma_wait3A_66] : memref<640x128xf32, #tpu.memory_space<vmem_shared>> -> memref<640x128xf32, #tpu.memory_space<vmem_shared>>
      tpu.wait_indirect_dma semaphore(%run_scoped3A_49 : memref<!tpu.dma_semaphore, #tpu.memory_space<semaphore_mem>>) src(%dma_wait3A_61 : memref<80x128xf32, #tpu.memory_space<vmem>>) dst(%dma_wait3A_67 : memref<640x128xf32, #tpu.memory_space<vmem_shared>>)
      tpu.yield
    }) : () -> ()
    %run_scoped3A_35 = arith.constant 2 : i32
    "tpu.region"() ({
      %run_scoped3A_49 = tpu.sem_alloc : memref<!tpu.dma_semaphore, #tpu.memory_space<semaphore_mem>>
      %dma_start3A_50 = arith.constant 160 : i32
      %dma_start3A_51 = arith.constant 0 : i32
      %dma_start3A_52 = tpu.memref_slice %arg11[%dma_start3A_50, %dma_start3A_51] : memref<640x128xf32, #tpu.memory_space<vmem>> -> memref<80x128xf32, #tpu.memory_space<vmem>>
      %dma_start3A_53 = arith.constant 0 : i32
      %dma_start3A_54 = tpu.memref_slice %arg10[%run_scoped3A_35, %dma_start3A_53] : memref<8x80xi32, #tpu.memory_space<vmem>> -> memref<1x80xi32, #tpu.memory_space<vmem>>
      %dma_start3A_55 = tpu.memref_squeeze %dma_start3A_54 : memref<1x80xi32, #tpu.memory_space<vmem>> -> memref<80xi32, #tpu.memory_space<vmem>>
      %dma_start3A_56 = arith.constant 0 : i32
      %dma_start3A_57 = arith.constant 0 : i32
      %dma_start3A_58 = tpu.memref_slice %arg12[%dma_start3A_56, %dma_start3A_57] : memref<640x128xf32, #tpu.memory_space<vmem_shared>> -> memref<640x128xf32, #tpu.memory_space<vmem_shared>>
      tpu.enqueue_indirect_dma source(%dma_start3A_52 : memref<80x128xf32, #tpu.memory_space<vmem>>) target(%dma_start3A_58 : memref<640x128xf32, #tpu.memory_space<vmem_shared>>) offsets(%dma_start3A_55 : memref<80xi32, #tpu.memory_space<vmem>>) semaphore(%run_scoped3A_49 : memref<!tpu.dma_semaphore, #tpu.memory_space<semaphore_mem>>) {add = true}
      %dma_wait3A_59 = arith.constant 160 : i32
      %dma_wait3A_60 = arith.constant 0 : i32
      %dma_wait3A_61 = tpu.memref_slice %arg11[%dma_wait3A_59, %dma_wait3A_60] : memref<640x128xf32, #tpu.memory_space<vmem>> -> memref<80x128xf32, #tpu.memory_space<vmem>>
      %dma_wait3A_62 = arith.constant 0 : i32
      %dma_wait3A_63 = tpu.memref_slice %arg10[%run_scoped3A_35, %dma_wait3A_62] : memref<8x80xi32, #tpu.memory_space<vmem>> -> memref<1x80xi32, #tpu.memory_space<vmem>>
      %dma_wait3A_64 = tpu.memref_squeeze %dma_wait3A_63 : memref<1x80xi32, #tpu.memory_space<vmem>> -> memref<80xi32, #tpu.memory_space<vmem>>
      %dma_wait3A_65 = arith.constant 0 : i32
      %dma_wait3A_66 = arith.constant 0 : i32
      %dma_wait3A_67 = tpu.memref_slice %arg12[%dma_wait3A_65, %dma_wait3A_66] : memref<640x128xf32, #tpu.memory_space<vmem_shared>> -> memref<640x128xf32, #tpu.memory_space<vmem_shared>>
      tpu.wait_indirect_dma semaphore(%run_scoped3A_49 : memref<!tpu.dma_semaphore, #tpu.memory_space<semaphore_mem>>) src(%dma_wait3A_61 : memref<80x128xf32, #tpu.memory_space<vmem>>) dst(%dma_wait3A_67 : memref<640x128xf32, #tpu.memory_space<vmem_shared>>)
      tpu.yield
    }) : () -> ()
    %run_scoped3A_36 = arith.constant 3 : i32
    "tpu.region"() ({
      %run_scoped3A_49 = tpu.sem_alloc : memref<!tpu.dma_semaphore, #tpu.memory_space<semaphore_mem>>
      %dma_start3A_50 = arith.constant 240 : i32
      %dma_start3A_51 = arith.constant 0 : i32
      %dma_start3A_52 = tpu.memref_slice %arg11[%dma_start3A_50, %dma_start3A_51] : memref<640x128xf32, #tpu.memory_space<vmem>> -> memref<80x128xf32, #tpu.memory_space<vmem>>
      %dma_start3A_53 = arith.constant 0 : i32
      %dma_start3A_54 = tpu.memref_slice %arg10[%run_scoped3A_36, %dma_start3A_53] : memref<8x80xi32, #tpu.memory_space<vmem>> -> memref<1x80xi32, #tpu.memory_space<vmem>>
      %dma_start3A_55 = tpu.memref_squeeze %dma_start3A_54 : memref<1x80xi32, #tpu.memory_space<vmem>> -> memref<80xi32, #tpu.memory_space<vmem>>
      %dma_start3A_56 = arith.constant 0 : i32
      %dma_start3A_57 = arith.constant 0 : i32
      %dma_start3A_58 = tpu.memref_slice %arg12[%dma_start3A_56, %dma_start3A_57] : memref<640x128xf32, #tpu.memory_space<vmem_shared>> -> memref<640x128xf32, #tpu.memory_space<vmem_shared>>
      tpu.enqueue_indirect_dma source(%dma_start3A_52 : memref<80x128xf32, #tpu.memory_space<vmem>>) target(%dma_start3A_58 : memref<640x128xf32, #tpu.memory_space<vmem_shared>>) offsets(%dma_start3A_55 : memref<80xi32, #tpu.memory_space<vmem>>) semaphore(%run_scoped3A_49 : memref<!tpu.dma_semaphore, #tpu.memory_space<semaphore_mem>>) {add = true}
      %dma_wait3A_59 = arith.constant 240 : i32
      %dma_wait3A_60 = arith.constant 0 : i32
      %dma_wait3A_61 = tpu.memref_slice %arg11[%dma_wait3A_59, %dma_wait3A_60] : memref<640x128xf32, #tpu.memory_space<vmem>> -> memref<80x128xf32, #tpu.memory_space<vmem>>
      %dma_wait3A_62 = arith.constant 0 : i32
      %dma_wait3A_63 = tpu.memref_slice %arg10[%run_scoped3A_36, %dma_wait3A_62] : memref<8x80xi32, #tpu.memory_space<vmem>> -> memref<1x80xi32, #tpu.memory_space<vmem>>
      %dma_wait3A_64 = tpu.memref_squeeze %dma_wait3A_63 : memref<1x80xi32, #tpu.memory_space<vmem>> -> memref<80xi32, #tpu.memory_space<vmem>>
      %dma_wait3A_65 = arith.constant 0 : i32
      %dma_wait3A_66 = arith.constant 0 : i32
      %dma_wait3A_67 = tpu.memref_slice %arg12[%dma_wait3A_65, %dma_wait3A_66] : memref<640x128xf32, #tpu.memory_space<vmem_shared>> -> memref<640x128xf32, #tpu.memory_space<vmem_shared>>
      tpu.wait_indirect_dma semaphore(%run_scoped3A_49 : memref<!tpu.dma_semaphore, #tpu.memory_space<semaphore_mem>>) src(%dma_wait3A_61 : memref<80x128xf32, #tpu.memory_space<vmem>>) dst(%dma_wait3A_67 : memref<640x128xf32, #tpu.memory_space<vmem_shared>>)
      tpu.yield
    }) : () -> ()
    %run_scoped3A_37 = arith.constant 4 : i32
    "tpu.region"() ({
      %run_scoped3A_49 = tpu.sem_alloc : memref<!tpu.dma_semaphore, #tpu.memory_space<semaphore_mem>>
      %dma_start3A_50 = arith.constant 320 : i32
      %dma_start3A_51 = arith.constant 0 : i32
      %dma_start3A_52 = tpu.memref_slice %arg11[%dma_start3A_50, %dma_start3A_51] : memref<640x128xf32, #tpu.memory_space<vmem>> -> memref<80x128xf32, #tpu.memory_space<vmem>>
      %dma_start3A_53 = arith.constant 0 : i32
      %dma_start3A_54 = tpu.memref_slice %arg10[%run_scoped3A_37, %dma_start3A_53] : memref<8x80xi32, #tpu.memory_space<vmem>> -> memref<1x80xi32, #tpu.memory_space<vmem>>
      %dma_start3A_55 = tpu.memref_squeeze %dma_start3A_54 : memref<1x80xi32, #tpu.memory_space<vmem>> -> memref<80xi32, #tpu.memory_space<vmem>>
      %dma_start3A_56 = arith.constant 0 : i32
      %dma_start3A_57 = arith.constant 0 : i32
      %dma_start3A_58 = tpu.memref_slice %arg12[%dma_start3A_56, %dma_start3A_57] : memref<640x128xf32, #tpu.memory_space<vmem_shared>> -> memref<640x128xf32, #tpu.memory_space<vmem_shared>>
      tpu.enqueue_indirect_dma source(%dma_start3A_52 : memref<80x128xf32, #tpu.memory_space<vmem>>) target(%dma_start3A_58 : memref<640x128xf32, #tpu.memory_space<vmem_shared>>) offsets(%dma_start3A_55 : memref<80xi32, #tpu.memory_space<vmem>>) semaphore(%run_scoped3A_49 : memref<!tpu.dma_semaphore, #tpu.memory_space<semaphore_mem>>) {add = true}
      %dma_wait3A_59 = arith.constant 320 : i32
      %dma_wait3A_60 = arith.constant 0 : i32
      %dma_wait3A_61 = tpu.memref_slice %arg11[%dma_wait3A_59, %dma_wait3A_60] : memref<640x128xf32, #tpu.memory_space<vmem>> -> memref<80x128xf32, #tpu.memory_space<vmem>>
      %dma_wait3A_62 = arith.constant 0 : i32
      %dma_wait3A_63 = tpu.memref_slice %arg10[%run_scoped3A_37, %dma_wait3A_62] : memref<8x80xi32, #tpu.memory_space<vmem>> -> memref<1x80xi32, #tpu.memory_space<vmem>>
      %dma_wait3A_64 = tpu.memref_squeeze %dma_wait3A_63 : memref<1x80xi32, #tpu.memory_space<vmem>> -> memref<80xi32, #tpu.memory_space<vmem>>
      %dma_wait3A_65 = arith.constant 0 : i32
      %dma_wait3A_66 = arith.constant 0 : i32
      %dma_wait3A_67 = tpu.memref_slice %arg12[%dma_wait3A_65, %dma_wait3A_66] : memref<640x128xf32, #tpu.memory_space<vmem_shared>> -> memref<640x128xf32, #tpu.memory_space<vmem_shared>>
      tpu.wait_indirect_dma semaphore(%run_scoped3A_49 : memref<!tpu.dma_semaphore, #tpu.memory_space<semaphore_mem>>) src(%dma_wait3A_61 : memref<80x128xf32, #tpu.memory_space<vmem>>) dst(%dma_wait3A_67 : memref<640x128xf32, #tpu.memory_space<vmem_shared>>)
      tpu.yield
    }) : () -> ()
    %run_scoped3A_38 = arith.constant 5 : i32
    "tpu.region"() ({
      %run_scoped3A_49 = tpu.sem_alloc : memref<!tpu.dma_semaphore, #tpu.memory_space<semaphore_mem>>
      %dma_start3A_50 = arith.constant 400 : i32
      %dma_start3A_51 = arith.constant 0 : i32
      %dma_start3A_52 = tpu.memref_slice %arg11[%dma_start3A_50, %dma_start3A_51] : memref<640x128xf32, #tpu.memory_space<vmem>> -> memref<80x128xf32, #tpu.memory_space<vmem>>
      %dma_start3A_53 = arith.constant 0 : i32
      %dma_start3A_54 = tpu.memref_slice %arg10[%run_scoped3A_38, %dma_start3A_53] : memref<8x80xi32, #tpu.memory_space<vmem>> -> memref<1x80xi32, #tpu.memory_space<vmem>>
      %dma_start3A_55 = tpu.memref_squeeze %dma_start3A_54 : memref<1x80xi32, #tpu.memory_space<vmem>> -> memref<80xi32, #tpu.memory_space<vmem>>
      %dma_start3A_56 = arith.constant 0 : i32
      %dma_start3A_57 = arith.constant 0 : i32
      %dma_start3A_58 = tpu.memref_slice %arg12[%dma_start3A_56, %dma_start3A_57] : memref<640x128xf32, #tpu.memory_space<vmem_shared>> -> memref<640x128xf32, #tpu.memory_space<vmem_shared>>
      tpu.enqueue_indirect_dma source(%dma_start3A_52 : memref<80x128xf32, #tpu.memory_space<vmem>>) target(%dma_start3A_58 : memref<640x128xf32, #tpu.memory_space<vmem_shared>>) offsets(%dma_start3A_55 : memref<80xi32, #tpu.memory_space<vmem>>) semaphore(%run_scoped3A_49 : memref<!tpu.dma_semaphore, #tpu.memory_space<semaphore_mem>>) {add = true}
      %dma_wait3A_59 = arith.constant 400 : i32
      %dma_wait3A_60 = arith.constant 0 : i32
      %dma_wait3A_61 = tpu.memref_slice %arg11[%dma_wait3A_59, %dma_wait3A_60] : memref<640x128xf32, #tpu.memory_space<vmem>> -> memref<80x128xf32, #tpu.memory_space<vmem>>
      %dma_wait3A_62 = arith.constant 0 : i32
      %dma_wait3A_63 = tpu.memref_slice %arg10[%run_scoped3A_38, %dma_wait3A_62] : memref<8x80xi32, #tpu.memory_space<vmem>> -> memref<1x80xi32, #tpu.memory_space<vmem>>
      %dma_wait3A_64 = tpu.memref_squeeze %dma_wait3A_63 : memref<1x80xi32, #tpu.memory_space<vmem>> -> memref<80xi32, #tpu.memory_space<vmem>>
      %dma_wait3A_65 = arith.constant 0 : i32
      %dma_wait3A_66 = arith.constant 0 : i32
      %dma_wait3A_67 = tpu.memref_slice %arg12[%dma_wait3A_65, %dma_wait3A_66] : memref<640x128xf32, #tpu.memory_space<vmem_shared>> -> memref<640x128xf32, #tpu.memory_space<vmem_shared>>
      tpu.wait_indirect_dma semaphore(%run_scoped3A_49 : memref<!tpu.dma_semaphore, #tpu.memory_space<semaphore_mem>>) src(%dma_wait3A_61 : memref<80x128xf32, #tpu.memory_space<vmem>>) dst(%dma_wait3A_67 : memref<640x128xf32, #tpu.memory_space<vmem_shared>>)
      tpu.yield
    }) : () -> ()
    %run_scoped3A_39 = arith.constant 6 : i32
    "tpu.region"() ({
      %run_scoped3A_49 = tpu.sem_alloc : memref<!tpu.dma_semaphore, #tpu.memory_space<semaphore_mem>>
      %dma_start3A_50 = arith.constant 480 : i32
      %dma_start3A_51 = arith.constant 0 : i32
      %dma_start3A_52 = tpu.memref_slice %arg11[%dma_start3A_50, %dma_start3A_51] : memref<640x128xf32, #tpu.memory_space<vmem>> -> memref<80x128xf32, #tpu.memory_space<vmem>>
      %dma_start3A_53 = arith.constant 0 : i32
      %dma_start3A_54 = tpu.memref_slice %arg10[%run_scoped3A_39, %dma_start3A_53] : memref<8x80xi32, #tpu.memory_space<vmem>> -> memref<1x80xi32, #tpu.memory_space<vmem>>
      %dma_start3A_55 = tpu.memref_squeeze %dma_start3A_54 : memref<1x80xi32, #tpu.memory_space<vmem>> -> memref<80xi32, #tpu.memory_space<vmem>>
      %dma_start3A_56 = arith.constant 0 : i32
      %dma_start3A_57 = arith.constant 0 : i32
      %dma_start3A_58 = tpu.memref_slice %arg12[%dma_start3A_56, %dma_start3A_57] : memref<640x128xf32, #tpu.memory_space<vmem_shared>> -> memref<640x128xf32, #tpu.memory_space<vmem_shared>>
      tpu.enqueue_indirect_dma source(%dma_start3A_52 : memref<80x128xf32, #tpu.memory_space<vmem>>) target(%dma_start3A_58 : memref<640x128xf32, #tpu.memory_space<vmem_shared>>) offsets(%dma_start3A_55 : memref<80xi32, #tpu.memory_space<vmem>>) semaphore(%run_scoped3A_49 : memref<!tpu.dma_semaphore, #tpu.memory_space<semaphore_mem>>) {add = true}
      %dma_wait3A_59 = arith.constant 480 : i32
      %dma_wait3A_60 = arith.constant 0 : i32
      %dma_wait3A_61 = tpu.memref_slice %arg11[%dma_wait3A_59, %dma_wait3A_60] : memref<640x128xf32, #tpu.memory_space<vmem>> -> memref<80x128xf32, #tpu.memory_space<vmem>>
      %dma_wait3A_62 = arith.constant 0 : i32
      %dma_wait3A_63 = tpu.memref_slice %arg10[%run_scoped3A_39, %dma_wait3A_62] : memref<8x80xi32, #tpu.memory_space<vmem>> -> memref<1x80xi32, #tpu.memory_space<vmem>>
      %dma_wait3A_64 = tpu.memref_squeeze %dma_wait3A_63 : memref<1x80xi32, #tpu.memory_space<vmem>> -> memref<80xi32, #tpu.memory_space<vmem>>
      %dma_wait3A_65 = arith.constant 0 : i32
      %dma_wait3A_66 = arith.constant 0 : i32
      %dma_wait3A_67 = tpu.memref_slice %arg12[%dma_wait3A_65, %dma_wait3A_66] : memref<640x128xf32, #tpu.memory_space<vmem_shared>> -> memref<640x128xf32, #tpu.memory_space<vmem_shared>>
      tpu.wait_indirect_dma semaphore(%run_scoped3A_49 : memref<!tpu.dma_semaphore, #tpu.memory_space<semaphore_mem>>) src(%dma_wait3A_61 : memref<80x128xf32, #tpu.memory_space<vmem>>) dst(%dma_wait3A_67 : memref<640x128xf32, #tpu.memory_space<vmem_shared>>)
      tpu.yield
    }) : () -> ()
    %run_scoped3A_40 = arith.constant 7 : i32
    "tpu.region"() ({
      %run_scoped3A_49 = tpu.sem_alloc : memref<!tpu.dma_semaphore, #tpu.memory_space<semaphore_mem>>
      %dma_start3A_50 = arith.constant 560 : i32
      %dma_start3A_51 = arith.constant 0 : i32
      %dma_start3A_52 = tpu.memref_slice %arg11[%dma_start3A_50, %dma_start3A_51] : memref<640x128xf32, #tpu.memory_space<vmem>> -> memref<80x128xf32, #tpu.memory_space<vmem>>
      %dma_start3A_53 = arith.constant 0 : i32
      %dma_start3A_54 = tpu.memref_slice %arg10[%run_scoped3A_40, %dma_start3A_53] : memref<8x80xi32, #tpu.memory_space<vmem>> -> memref<1x80xi32, #tpu.memory_space<vmem>>
      %dma_start3A_55 = tpu.memref_squeeze %dma_start3A_54 : memref<1x80xi32, #tpu.memory_space<vmem>> -> memref<80xi32, #tpu.memory_space<vmem>>
      %dma_start3A_56 = arith.constant 0 : i32
      %dma_start3A_57 = arith.constant 0 : i32
      %dma_start3A_58 = tpu.memref_slice %arg12[%dma_start3A_56, %dma_start3A_57] : memref<640x128xf32, #tpu.memory_space<vmem_shared>> -> memref<640x128xf32, #tpu.memory_space<vmem_shared>>
      tpu.enqueue_indirect_dma source(%dma_start3A_52 : memref<80x128xf32, #tpu.memory_space<vmem>>) target(%dma_start3A_58 : memref<640x128xf32, #tpu.memory_space<vmem_shared>>) offsets(%dma_start3A_55 : memref<80xi32, #tpu.memory_space<vmem>>) semaphore(%run_scoped3A_49 : memref<!tpu.dma_semaphore, #tpu.memory_space<semaphore_mem>>) {add = true}
      %dma_wait3A_59 = arith.constant 560 : i32
      %dma_wait3A_60 = arith.constant 0 : i32
      %dma_wait3A_61 = tpu.memref_slice %arg11[%dma_wait3A_59, %dma_wait3A_60] : memref<640x128xf32, #tpu.memory_space<vmem>> -> memref<80x128xf32, #tpu.memory_space<vmem>>
      %dma_wait3A_62 = arith.constant 0 : i32
      %dma_wait3A_63 = tpu.memref_slice %arg10[%run_scoped3A_40, %dma_wait3A_62] : memref<8x80xi32, #tpu.memory_space<vmem>> -> memref<1x80xi32, #tpu.memory_space<vmem>>
      %dma_wait3A_64 = tpu.memref_squeeze %dma_wait3A_63 : memref<1x80xi32, #tpu.memory_space<vmem>> -> memref<80xi32, #tpu.memory_space<vmem>>
      %dma_wait3A_65 = arith.constant 0 : i32
      %dma_wait3A_66 = arith.constant 0 : i32
      %dma_wait3A_67 = tpu.memref_slice %arg12[%dma_wait3A_65, %dma_wait3A_66] : memref<640x128xf32, #tpu.memory_space<vmem_shared>> -> memref<640x128xf32, #tpu.memory_space<vmem_shared>>
      tpu.wait_indirect_dma semaphore(%run_scoped3A_49 : memref<!tpu.dma_semaphore, #tpu.memory_space<semaphore_mem>>) src(%dma_wait3A_61 : memref<80x128xf32, #tpu.memory_space<vmem>>) dst(%dma_wait3A_67 : memref<640x128xf32, #tpu.memory_space<vmem_shared>>)
      tpu.yield
    }) : () -> ()
    %barrier3A_41 = arith.constant 0 : index
    tpu.barrier barrier_id(%barrier3A_41)
    %mul3A_42 = arith.constant 40 : i32
    %mul3A_43 = arith.muli %arg1, %mul3A_42 : i32
    %mul3A_44 = arith.constant 640 : i32
    %mul3A_45 = arith.muli %arg0, %mul3A_44 : i32
    %mul3A_46 = arith.constant 40 : i32
    %mul3A_47 = arith.muli %arg1, %mul3A_46 : i32
    %add3A_48 = arith.addi %mul3A_45, %mul3A_47 : i32
    "tpu.region"() ({
      %run_scoped3A_49 = tpu.sem_alloc : memref<!tpu.dma_semaphore, #tpu.memory_space<semaphore_mem>>
      %dma_start3A_50 = arith.constant 0 : i32
      %dma_start3A_51 = tpu.memref_slice %arg6[%add3A_48, %dma_start3A_50] : memref<1280x128xf32, #tpu.memory_space<hbm>> -> memref<40x128xf32, #tpu.memory_space<hbm>>
      %dma_start3A_52 = arith.constant 0 : i32
      %dma_start3A_53 = tpu.memref_slice %arg12[%mul3A_43, %dma_start3A_52] : memref<640x128xf32, #tpu.memory_space<vmem_shared>> -> memref<40x128xf32, #tpu.memory_space<vmem_shared>>
      tpu.enqueue_dma source(%dma_start3A_53 : memref<40x128xf32, #tpu.memory_space<vmem_shared>>) target(%dma_start3A_51 : memref<40x128xf32, #tpu.memory_space<hbm>>) target_semaphore(%run_scoped3A_49 : memref<!tpu.dma_semaphore, #tpu.memory_space<semaphore_mem>>)
      %dma_wait3A_54 = arith.constant 0 : i32
      %dma_wait3A_55 = tpu.memref_slice %arg6[%add3A_48, %dma_wait3A_54] : memref<1280x128xf32, #tpu.memory_space<hbm>> -> memref<40x128xf32, #tpu.memory_space<hbm>>
      %dma_wait3A_56 = arith.constant 0 : i32
      %dma_wait3A_57 = tpu.memref_slice %arg12[%mul3A_43, %dma_wait3A_56] : memref<640x128xf32, #tpu.memory_space<vmem_shared>> -> memref<40x128xf32, #tpu.memory_space<vmem_shared>>
      tpu.wait_dma2 semaphore(%run_scoped3A_49 : memref<!tpu.dma_semaphore, #tpu.memory_space<semaphore_mem>>) src(%dma_wait3A_57 : memref<40x128xf32, #tpu.memory_space<vmem_shared>>) dst(%dma_wait3A_55 : memref<40x128xf32, #tpu.memory_space<hbm>>)
      tpu.yield
    }) : () -> ()
    return
  }
}

#map = affine_map<(d0, d1) -> (0, 0)>
#map1 = affine_map<(d0, d1) -> (0, 0, 0)>
module attributes {stable_mosaic.version = 14 : i64} {
  func.func @_gather_body(%arg0: i32, %arg1: i32, %arg2: memref<10000x128xf32, #tpu.memory_space<hbm>>, %arg3: memref<10000x128xf32, #tpu.memory_space<hbm>>, %arg4: memref<10000x128xf32, #tpu.memory_space<hbm>>, %arg5: memref<32x125x80xi32, #tpu.memory_space<hbm>>, %arg6: memref<32x125x80xi32, #tpu.memory_space<hbm>>, %arg7: memref<320000x128xf32, #tpu.memory_space<hbm>>, %arg8: memref<320000x128xf32, #tpu.memory_space<hbm>>, %arg9: memref<320000x128xf32, #tpu.memory_space<hbm>>, %arg10: memref<125x80xi32, #tpu.memory_space<vmem>>, %arg11: memref<125x80xi32, #tpu.memory_space<vmem>>, %arg12: memref<80x128xf32, #tpu.memory_space<vmem>>, %arg13: memref<80x128xf32, #tpu.memory_space<vmem>>, %arg14: memref<80x128xf32, #tpu.memory_space<vmem>>, %arg15: memref<80x128xf32, #tpu.memory_space<vmem>>, %arg16: memref<80x128xf32, #tpu.memory_space<vmem>>, %arg17: memref<80x128xf32, #tpu.memory_space<vmem>>, %arg18: memref<!tpu.dma_semaphore, #tpu.memory_space<semaphore_mem>>, %arg19: memref<!tpu.dma_semaphore, #tpu.memory_space<semaphore_mem>>, %arg20: memref<!tpu.dma_semaphore, #tpu.memory_space<semaphore_mem>>, %arg21: memref<!tpu.dma_semaphore, #tpu.memory_space<semaphore_mem>>, %arg22: memref<!tpu.dma_semaphore, #tpu.memory_space<semaphore_mem>>, %arg23: memref<!tpu.dma_semaphore, #tpu.memory_space<semaphore_mem>>) attributes {dimension_semantics = [#tpu.dimension_semantics<core_parallel>, #tpu.dimension_semantics<subcore_parallel>], iteration_bounds = array<i64: 2, 16>, scalar_prefetch = 0 : i64, scratch_operands = 14 : i64, tpu.core_type = #tpu.core_type<sc_vector_subcore>, window_params = [{transform_indices = #map}, {transform_indices = #map}, {transform_indices = #map}, {transform_indices = #map1}, {transform_indices = #map1}, {transform_indices = #map}, {transform_indices = #map}, {transform_indices = #map}]} {
    %mul3A = arith.constant 2 : i32
    %mul3A_0 = arith.muli %arg1, %mul3A : i32
    %add3A = arith.addi %mul3A_0, %arg0 : i32
    %mul3A_1 = arith.constant 125 : i32
    %mul3A_2 = arith.muli %add3A, %mul3A_1 : i32
    "tpu.region"() ({
      %run_scoped3A = tpu.sem_alloc : memref<!tpu.dma_semaphore, #tpu.memory_space<semaphore_mem>>
      %dma_start3A_52 = arith.constant 0 : i32
      %dma_start3A_53 = arith.constant 0 : i32
      %dma_start3A_54 = tpu.memref_slice %arg5[%add3A, %dma_start3A_52, %dma_start3A_53] : memref<32x125x80xi32, #tpu.memory_space<hbm>> -> memref<1x125x80xi32, #tpu.memory_space<hbm>>
      %dma_start3A_55 = tpu.memref_squeeze %dma_start3A_54 : memref<1x125x80xi32, #tpu.memory_space<hbm>> -> memref<125x80xi32, #tpu.memory_space<hbm>>
      %dma_start3A_56 = arith.constant 0 : i32
      %dma_start3A_57 = arith.constant 0 : i32
      %dma_start3A_58 = tpu.memref_slice %arg5[%add3A, %dma_start3A_56, %dma_start3A_57] : memref<32x125x80xi32, #tpu.memory_space<hbm>> -> memref<1x125x80xi32, #tpu.memory_space<hbm>>
      %dma_start3A_59 = tpu.memref_squeeze %dma_start3A_58 : memref<1x125x80xi32, #tpu.memory_space<hbm>> -> memref<125x80xi32, #tpu.memory_space<hbm>>
      tpu.enqueue_dma source(%dma_start3A_59 : memref<125x80xi32, #tpu.memory_space<hbm>>) target(%arg10 : memref<125x80xi32, #tpu.memory_space<vmem>>) target_semaphore(%run_scoped3A : memref<!tpu.dma_semaphore, #tpu.memory_space<semaphore_mem>>)
      %dma_wait3A_60 = arith.constant 0 : i32
      %dma_wait3A_61 = arith.constant 0 : i32
      %dma_wait3A_62 = tpu.memref_slice %arg5[%add3A, %dma_wait3A_60, %dma_wait3A_61] : memref<32x125x80xi32, #tpu.memory_space<hbm>> -> memref<1x125x80xi32, #tpu.memory_space<hbm>>
      %dma_wait3A_63 = tpu.memref_squeeze %dma_wait3A_62 : memref<1x125x80xi32, #tpu.memory_space<hbm>> -> memref<125x80xi32, #tpu.memory_space<hbm>>
      %dma_wait3A_64 = arith.constant 0 : i32
      %dma_wait3A_65 = arith.constant 0 : i32
      %dma_wait3A_66 = tpu.memref_slice %arg5[%add3A, %dma_wait3A_64, %dma_wait3A_65] : memref<32x125x80xi32, #tpu.memory_space<hbm>> -> memref<1x125x80xi32, #tpu.memory_space<hbm>>
      %dma_wait3A_67 = tpu.memref_squeeze %dma_wait3A_66 : memref<1x125x80xi32, #tpu.memory_space<hbm>> -> memref<125x80xi32, #tpu.memory_space<hbm>>
      tpu.wait_dma2 semaphore(%run_scoped3A : memref<!tpu.dma_semaphore, #tpu.memory_space<semaphore_mem>>) src(%dma_wait3A_67 : memref<125x80xi32, #tpu.memory_space<hbm>>) dst(%arg10 : memref<125x80xi32, #tpu.memory_space<vmem>>)
      tpu.yield
    }) : () -> ()
    "tpu.region"() ({
      %run_scoped3A = tpu.sem_alloc : memref<!tpu.dma_semaphore, #tpu.memory_space<semaphore_mem>>
      %dma_start3A_52 = arith.constant 0 : i32
      %dma_start3A_53 = arith.constant 0 : i32
      %dma_start3A_54 = tpu.memref_slice %arg6[%add3A, %dma_start3A_52, %dma_start3A_53] : memref<32x125x80xi32, #tpu.memory_space<hbm>> -> memref<1x125x80xi32, #tpu.memory_space<hbm>>
      %dma_start3A_55 = tpu.memref_squeeze %dma_start3A_54 : memref<1x125x80xi32, #tpu.memory_space<hbm>> -> memref<125x80xi32, #tpu.memory_space<hbm>>
      %dma_start3A_56 = arith.constant 0 : i32
      %dma_start3A_57 = arith.constant 0 : i32
      %dma_start3A_58 = tpu.memref_slice %arg6[%add3A, %dma_start3A_56, %dma_start3A_57] : memref<32x125x80xi32, #tpu.memory_space<hbm>> -> memref<1x125x80xi32, #tpu.memory_space<hbm>>
      %dma_start3A_59 = tpu.memref_squeeze %dma_start3A_58 : memref<1x125x80xi32, #tpu.memory_space<hbm>> -> memref<125x80xi32, #tpu.memory_space<hbm>>
      tpu.enqueue_dma source(%dma_start3A_59 : memref<125x80xi32, #tpu.memory_space<hbm>>) target(%arg11 : memref<125x80xi32, #tpu.memory_space<vmem>>) target_semaphore(%run_scoped3A : memref<!tpu.dma_semaphore, #tpu.memory_space<semaphore_mem>>)
      %dma_wait3A_60 = arith.constant 0 : i32
      %dma_wait3A_61 = arith.constant 0 : i32
      %dma_wait3A_62 = tpu.memref_slice %arg6[%add3A, %dma_wait3A_60, %dma_wait3A_61] : memref<32x125x80xi32, #tpu.memory_space<hbm>> -> memref<1x125x80xi32, #tpu.memory_space<hbm>>
      %dma_wait3A_63 = tpu.memref_squeeze %dma_wait3A_62 : memref<1x125x80xi32, #tpu.memory_space<hbm>> -> memref<125x80xi32, #tpu.memory_space<hbm>>
      %dma_wait3A_64 = arith.constant 0 : i32
      %dma_wait3A_65 = arith.constant 0 : i32
      %dma_wait3A_66 = tpu.memref_slice %arg6[%add3A, %dma_wait3A_64, %dma_wait3A_65] : memref<32x125x80xi32, #tpu.memory_space<hbm>> -> memref<1x125x80xi32, #tpu.memory_space<hbm>>
      %dma_wait3A_67 = tpu.memref_squeeze %dma_wait3A_66 : memref<1x125x80xi32, #tpu.memory_space<hbm>> -> memref<125x80xi32, #tpu.memory_space<hbm>>
      tpu.wait_dma2 semaphore(%run_scoped3A : memref<!tpu.dma_semaphore, #tpu.memory_space<semaphore_mem>>) src(%dma_wait3A_67 : memref<125x80xi32, #tpu.memory_space<hbm>>) dst(%arg11 : memref<125x80xi32, #tpu.memory_space<vmem>>)
      tpu.yield
    }) : () -> ()
    %dma_start3A = arith.constant 0 : i32
    %dma_start3A_3 = arith.constant 0 : i32
    %dma_start3A_4 = tpu.memref_slice %arg10[%dma_start3A, %dma_start3A_3] : memref<125x80xi32, #tpu.memory_space<vmem>> -> memref<1x80xi32, #tpu.memory_space<vmem>>
    %dma_start3A_5 = tpu.memref_squeeze %dma_start3A_4 : memref<1x80xi32, #tpu.memory_space<vmem>> -> memref<80xi32, #tpu.memory_space<vmem>>
    %dma_start3A_6 = arith.constant 0 : i32
    %dma_start3A_7 = arith.constant 0 : i32
    %dma_start3A_8 = tpu.memref_slice %arg2[%dma_start3A_6, %dma_start3A_7] : memref<10000x128xf32, #tpu.memory_space<hbm>> -> memref<10000x128xf32, #tpu.memory_space<hbm>>
    tpu.enqueue_indirect_dma source(%dma_start3A_8 : memref<10000x128xf32, #tpu.memory_space<hbm>>) target(%arg12 : memref<80x128xf32, #tpu.memory_space<vmem>>) offsets(%dma_start3A_5 : memref<80xi32, #tpu.memory_space<vmem>>) semaphore(%arg18 : memref<!tpu.dma_semaphore, #tpu.memory_space<semaphore_mem>>)
    %dma_start3A_9 = arith.constant 0 : i32
    %dma_start3A_10 = arith.constant 0 : i32
    %dma_start3A_11 = tpu.memref_slice %arg11[%dma_start3A_9, %dma_start3A_10] : memref<125x80xi32, #tpu.memory_space<vmem>> -> memref<1x80xi32, #tpu.memory_space<vmem>>
    %dma_start3A_12 = tpu.memref_squeeze %dma_start3A_11 : memref<1x80xi32, #tpu.memory_space<vmem>> -> memref<80xi32, #tpu.memory_space<vmem>>
    %dma_start3A_13 = arith.constant 0 : i32
    %dma_start3A_14 = arith.constant 0 : i32
    %dma_start3A_15 = tpu.memref_slice %arg3[%dma_start3A_13, %dma_start3A_14] : memref<10000x128xf32, #tpu.memory_space<hbm>> -> memref<10000x128xf32, #tpu.memory_space<hbm>>
    tpu.enqueue_indirect_dma source(%dma_start3A_15 : memref<10000x128xf32, #tpu.memory_space<hbm>>) target(%arg13 : memref<80x128xf32, #tpu.memory_space<vmem>>) offsets(%dma_start3A_12 : memref<80xi32, #tpu.memory_space<vmem>>) semaphore(%arg19 : memref<!tpu.dma_semaphore, #tpu.memory_space<semaphore_mem>>)
    %dma_start3A_16 = arith.constant 0 : i32
    %dma_start3A_17 = arith.constant 0 : i32
    %dma_start3A_18 = tpu.memref_slice %arg10[%dma_start3A_16, %dma_start3A_17] : memref<125x80xi32, #tpu.memory_space<vmem>> -> memref<1x80xi32, #tpu.memory_space<vmem>>
    %dma_start3A_19 = tpu.memref_squeeze %dma_start3A_18 : memref<1x80xi32, #tpu.memory_space<vmem>> -> memref<80xi32, #tpu.memory_space<vmem>>
    %dma_start3A_20 = arith.constant 0 : i32
    %dma_start3A_21 = arith.constant 0 : i32
    %dma_start3A_22 = tpu.memref_slice %arg4[%dma_start3A_20, %dma_start3A_21] : memref<10000x128xf32, #tpu.memory_space<hbm>> -> memref<10000x128xf32, #tpu.memory_space<hbm>>
    tpu.enqueue_indirect_dma source(%dma_start3A_22 : memref<10000x128xf32, #tpu.memory_space<hbm>>) target(%arg14 : memref<80x128xf32, #tpu.memory_space<vmem>>) offsets(%dma_start3A_19 : memref<80xi32, #tpu.memory_space<vmem>>) semaphore(%arg20 : memref<!tpu.dma_semaphore, #tpu.memory_space<semaphore_mem>>)
    %scan3A = arith.constant 0 : i32
    %scan3A_23 = arith.constant 0 : i32
    %scan3A_24 = arith.constant 62 : i32
    %scan3A_25 = arith.addi %scan3A_23, %scan3A_24 : i32
    %scan3A_26 = arith.constant 1 : i32
    scf.for %scan3A_52 = %scan3A_23 to %scan3A_25 step %scan3A_26  : i32 {
      %mul3A_53 = arith.constant 2 : i32
      %mul3A_54 = arith.muli %mul3A_53, %scan3A_52 : i32
      %dma_wait3A_55 = arith.constant 0 : i32
      %dma_wait3A_56 = tpu.memref_slice %arg10[%mul3A_54, %dma_wait3A_55] : memref<125x80xi32, #tpu.memory_space<vmem>> -> memref<1x80xi32, #tpu.memory_space<vmem>>
      %dma_wait3A_57 = tpu.memref_squeeze %dma_wait3A_56 : memref<1x80xi32, #tpu.memory_space<vmem>> -> memref<80xi32, #tpu.memory_space<vmem>>
      %dma_wait3A_58 = arith.constant 0 : i32
      %dma_wait3A_59 = arith.constant 0 : i32
      %dma_wait3A_60 = tpu.memref_slice %arg2[%dma_wait3A_58, %dma_wait3A_59] : memref<10000x128xf32, #tpu.memory_space<hbm>> -> memref<10000x128xf32, #tpu.memory_space<hbm>>
      tpu.wait_indirect_dma semaphore(%arg18 : memref<!tpu.dma_semaphore, #tpu.memory_space<semaphore_mem>>) src(%dma_wait3A_60 : memref<10000x128xf32, #tpu.memory_space<hbm>>) dst(%arg12 : memref<80x128xf32, #tpu.memory_space<vmem>>)
      %dma_wait3A_61 = arith.constant 0 : i32
      %dma_wait3A_62 = tpu.memref_slice %arg11[%mul3A_54, %dma_wait3A_61] : memref<125x80xi32, #tpu.memory_space<vmem>> -> memref<1x80xi32, #tpu.memory_space<vmem>>
      %dma_wait3A_63 = tpu.memref_squeeze %dma_wait3A_62 : memref<1x80xi32, #tpu.memory_space<vmem>> -> memref<80xi32, #tpu.memory_space<vmem>>
      %dma_wait3A_64 = arith.constant 0 : i32
      %dma_wait3A_65 = arith.constant 0 : i32
      %dma_wait3A_66 = tpu.memref_slice %arg3[%dma_wait3A_64, %dma_wait3A_65] : memref<10000x128xf32, #tpu.memory_space<hbm>> -> memref<10000x128xf32, #tpu.memory_space<hbm>>
      tpu.wait_indirect_dma semaphore(%arg19 : memref<!tpu.dma_semaphore, #tpu.memory_space<semaphore_mem>>) src(%dma_wait3A_66 : memref<10000x128xf32, #tpu.memory_space<hbm>>) dst(%arg13 : memref<80x128xf32, #tpu.memory_space<vmem>>)
      %dma_wait3A_67 = arith.constant 0 : i32
      %dma_wait3A_68 = tpu.memref_slice %arg10[%mul3A_54, %dma_wait3A_67] : memref<125x80xi32, #tpu.memory_space<vmem>> -> memref<1x80xi32, #tpu.memory_space<vmem>>
      %dma_wait3A_69 = tpu.memref_squeeze %dma_wait3A_68 : memref<1x80xi32, #tpu.memory_space<vmem>> -> memref<80xi32, #tpu.memory_space<vmem>>
      %dma_wait3A_70 = arith.constant 0 : i32
      %dma_wait3A_71 = arith.constant 0 : i32
      %dma_wait3A_72 = tpu.memref_slice %arg4[%dma_wait3A_70, %dma_wait3A_71] : memref<10000x128xf32, #tpu.memory_space<hbm>> -> memref<10000x128xf32, #tpu.memory_space<hbm>>
      tpu.wait_indirect_dma semaphore(%arg20 : memref<!tpu.dma_semaphore, #tpu.memory_space<semaphore_mem>>) src(%dma_wait3A_72 : memref<10000x128xf32, #tpu.memory_space<hbm>>) dst(%arg14 : memref<80x128xf32, #tpu.memory_space<vmem>>)
      %add3A_73 = arith.constant 1 : i32
      %add3A_74 = arith.addi %mul3A_54, %add3A_73 : i32
      %dma_start3A_75 = arith.constant 0 : i32
      %dma_start3A_76 = tpu.memref_slice %arg10[%add3A_74, %dma_start3A_75] : memref<125x80xi32, #tpu.memory_space<vmem>> -> memref<1x80xi32, #tpu.memory_space<vmem>>
      %dma_start3A_77 = tpu.memref_squeeze %dma_start3A_76 : memref<1x80xi32, #tpu.memory_space<vmem>> -> memref<80xi32, #tpu.memory_space<vmem>>
      %dma_start3A_78 = arith.constant 0 : i32
      %dma_start3A_79 = arith.constant 0 : i32
      %dma_start3A_80 = tpu.memref_slice %arg2[%dma_start3A_78, %dma_start3A_79] : memref<10000x128xf32, #tpu.memory_space<hbm>> -> memref<10000x128xf32, #tpu.memory_space<hbm>>
      tpu.enqueue_indirect_dma source(%dma_start3A_80 : memref<10000x128xf32, #tpu.memory_space<hbm>>) target(%arg15 : memref<80x128xf32, #tpu.memory_space<vmem>>) offsets(%dma_start3A_77 : memref<80xi32, #tpu.memory_space<vmem>>) semaphore(%arg21 : memref<!tpu.dma_semaphore, #tpu.memory_space<semaphore_mem>>)
      %dma_start3A_81 = arith.constant 0 : i32
      %dma_start3A_82 = tpu.memref_slice %arg11[%add3A_74, %dma_start3A_81] : memref<125x80xi32, #tpu.memory_space<vmem>> -> memref<1x80xi32, #tpu.memory_space<vmem>>
      %dma_start3A_83 = tpu.memref_squeeze %dma_start3A_82 : memref<1x80xi32, #tpu.memory_space<vmem>> -> memref<80xi32, #tpu.memory_space<vmem>>
      %dma_start3A_84 = arith.constant 0 : i32
      %dma_start3A_85 = arith.constant 0 : i32
      %dma_start3A_86 = tpu.memref_slice %arg3[%dma_start3A_84, %dma_start3A_85] : memref<10000x128xf32, #tpu.memory_space<hbm>> -> memref<10000x128xf32, #tpu.memory_space<hbm>>
      tpu.enqueue_indirect_dma source(%dma_start3A_86 : memref<10000x128xf32, #tpu.memory_space<hbm>>) target(%arg16 : memref<80x128xf32, #tpu.memory_space<vmem>>) offsets(%dma_start3A_83 : memref<80xi32, #tpu.memory_space<vmem>>) semaphore(%arg22 : memref<!tpu.dma_semaphore, #tpu.memory_space<semaphore_mem>>)
      %dma_start3A_87 = arith.constant 0 : i32
      %dma_start3A_88 = tpu.memref_slice %arg10[%add3A_74, %dma_start3A_87] : memref<125x80xi32, #tpu.memory_space<vmem>> -> memref<1x80xi32, #tpu.memory_space<vmem>>
      %dma_start3A_89 = tpu.memref_squeeze %dma_start3A_88 : memref<1x80xi32, #tpu.memory_space<vmem>> -> memref<80xi32, #tpu.memory_space<vmem>>
      %dma_start3A_90 = arith.constant 0 : i32
      %dma_start3A_91 = arith.constant 0 : i32
      %dma_start3A_92 = tpu.memref_slice %arg4[%dma_start3A_90, %dma_start3A_91] : memref<10000x128xf32, #tpu.memory_space<hbm>> -> memref<10000x128xf32, #tpu.memory_space<hbm>>
      tpu.enqueue_indirect_dma source(%dma_start3A_92 : memref<10000x128xf32, #tpu.memory_space<hbm>>) target(%arg17 : memref<80x128xf32, #tpu.memory_space<vmem>>) offsets(%dma_start3A_89 : memref<80xi32, #tpu.memory_space<vmem>>) semaphore(%arg23 : memref<!tpu.dma_semaphore, #tpu.memory_space<semaphore_mem>>)
      %add3A_93 = arith.addi %mul3A_2, %mul3A_54 : i32
      %mul3A_94 = arith.constant 80 : i32
      %mul3A_95 = arith.muli %add3A_93, %mul3A_94 : i32
      "tpu.region"() ({
        %run_scoped3A = tpu.sem_alloc : memref<!tpu.dma_semaphore, #tpu.memory_space<semaphore_mem>>
        %dma_start3A_141 = arith.constant 0 : i32
        %dma_start3A_142 = tpu.memref_slice %arg7[%mul3A_95, %dma_start3A_141] : memref<320000x128xf32, #tpu.memory_space<hbm>> -> memref<80x128xf32, #tpu.memory_space<hbm>>
        %dma_start3A_143 = arith.constant 0 : i32
        %dma_start3A_144 = tpu.memref_slice %arg7[%mul3A_95, %dma_start3A_143] : memref<320000x128xf32, #tpu.memory_space<hbm>> -> memref<80x128xf32, #tpu.memory_space<hbm>>
        tpu.enqueue_dma source(%arg12 : memref<80x128xf32, #tpu.memory_space<vmem>>) target(%dma_start3A_144 : memref<80x128xf32, #tpu.memory_space<hbm>>) target_semaphore(%run_scoped3A : memref<!tpu.dma_semaphore, #tpu.memory_space<semaphore_mem>>)
        %dma_wait3A_145 = arith.constant 0 : i32
        %dma_wait3A_146 = tpu.memref_slice %arg7[%mul3A_95, %dma_wait3A_145] : memref<320000x128xf32, #tpu.memory_space<hbm>> -> memref<80x128xf32, #tpu.memory_space<hbm>>
        %dma_wait3A_147 = arith.constant 0 : i32
        %dma_wait3A_148 = tpu.memref_slice %arg7[%mul3A_95, %dma_wait3A_147] : memref<320000x128xf32, #tpu.memory_space<hbm>> -> memref<80x128xf32, #tpu.memory_space<hbm>>
        tpu.wait_dma2 semaphore(%run_scoped3A : memref<!tpu.dma_semaphore, #tpu.memory_space<semaphore_mem>>) src(%arg12 : memref<80x128xf32, #tpu.memory_space<vmem>>) dst(%dma_wait3A_148 : memref<80x128xf32, #tpu.memory_space<hbm>>)
        tpu.yield
      }) : () -> ()
      "tpu.region"() ({
        %run_scoped3A = tpu.sem_alloc : memref<!tpu.dma_semaphore, #tpu.memory_space<semaphore_mem>>
        %dma_start3A_141 = arith.constant 0 : i32
        %dma_start3A_142 = tpu.memref_slice %arg8[%mul3A_95, %dma_start3A_141] : memref<320000x128xf32, #tpu.memory_space<hbm>> -> memref<80x128xf32, #tpu.memory_space<hbm>>
        %dma_start3A_143 = arith.constant 0 : i32
        %dma_start3A_144 = tpu.memref_slice %arg8[%mul3A_95, %dma_start3A_143] : memref<320000x128xf32, #tpu.memory_space<hbm>> -> memref<80x128xf32, #tpu.memory_space<hbm>>
        tpu.enqueue_dma source(%arg13 : memref<80x128xf32, #tpu.memory_space<vmem>>) target(%dma_start3A_144 : memref<80x128xf32, #tpu.memory_space<hbm>>) target_semaphore(%run_scoped3A : memref<!tpu.dma_semaphore, #tpu.memory_space<semaphore_mem>>)
        %dma_wait3A_145 = arith.constant 0 : i32
        %dma_wait3A_146 = tpu.memref_slice %arg8[%mul3A_95, %dma_wait3A_145] : memref<320000x128xf32, #tpu.memory_space<hbm>> -> memref<80x128xf32, #tpu.memory_space<hbm>>
        %dma_wait3A_147 = arith.constant 0 : i32
        %dma_wait3A_148 = tpu.memref_slice %arg8[%mul3A_95, %dma_wait3A_147] : memref<320000x128xf32, #tpu.memory_space<hbm>> -> memref<80x128xf32, #tpu.memory_space<hbm>>
        tpu.wait_dma2 semaphore(%run_scoped3A : memref<!tpu.dma_semaphore, #tpu.memory_space<semaphore_mem>>) src(%arg13 : memref<80x128xf32, #tpu.memory_space<vmem>>) dst(%dma_wait3A_148 : memref<80x128xf32, #tpu.memory_space<hbm>>)
        tpu.yield
      }) : () -> ()
      "tpu.region"() ({
        %run_scoped3A = tpu.sem_alloc : memref<!tpu.dma_semaphore, #tpu.memory_space<semaphore_mem>>
        %dma_start3A_141 = arith.constant 0 : i32
        %dma_start3A_142 = tpu.memref_slice %arg9[%mul3A_95, %dma_start3A_141] : memref<320000x128xf32, #tpu.memory_space<hbm>> -> memref<80x128xf32, #tpu.memory_space<hbm>>
        %dma_start3A_143 = arith.constant 0 : i32
        %dma_start3A_144 = tpu.memref_slice %arg9[%mul3A_95, %dma_start3A_143] : memref<320000x128xf32, #tpu.memory_space<hbm>> -> memref<80x128xf32, #tpu.memory_space<hbm>>
        tpu.enqueue_dma source(%arg14 : memref<80x128xf32, #tpu.memory_space<vmem>>) target(%dma_start3A_144 : memref<80x128xf32, #tpu.memory_space<hbm>>) target_semaphore(%run_scoped3A : memref<!tpu.dma_semaphore, #tpu.memory_space<semaphore_mem>>)
        %dma_wait3A_145 = arith.constant 0 : i32
        %dma_wait3A_146 = tpu.memref_slice %arg9[%mul3A_95, %dma_wait3A_145] : memref<320000x128xf32, #tpu.memory_space<hbm>> -> memref<80x128xf32, #tpu.memory_space<hbm>>
        %dma_wait3A_147 = arith.constant 0 : i32
        %dma_wait3A_148 = tpu.memref_slice %arg9[%mul3A_95, %dma_wait3A_147] : memref<320000x128xf32, #tpu.memory_space<hbm>> -> memref<80x128xf32, #tpu.memory_space<hbm>>
        tpu.wait_dma2 semaphore(%run_scoped3A : memref<!tpu.dma_semaphore, #tpu.memory_space<semaphore_mem>>) src(%arg14 : memref<80x128xf32, #tpu.memory_space<vmem>>) dst(%dma_wait3A_148 : memref<80x128xf32, #tpu.memory_space<hbm>>)
        tpu.yield
      }) : () -> ()
      %add3A_96 = arith.constant 1 : i32
      %add3A_97 = arith.addi %mul3A_54, %add3A_96 : i32
      %dma_wait3A_98 = arith.constant 0 : i32
      %dma_wait3A_99 = tpu.memref_slice %arg10[%add3A_97, %dma_wait3A_98] : memref<125x80xi32, #tpu.memory_space<vmem>> -> memref<1x80xi32, #tpu.memory_space<vmem>>
      %dma_wait3A_100 = tpu.memref_squeeze %dma_wait3A_99 : memref<1x80xi32, #tpu.memory_space<vmem>> -> memref<80xi32, #tpu.memory_space<vmem>>
      %dma_wait3A_101 = arith.constant 0 : i32
      %dma_wait3A_102 = arith.constant 0 : i32
      %dma_wait3A_103 = tpu.memref_slice %arg2[%dma_wait3A_101, %dma_wait3A_102] : memref<10000x128xf32, #tpu.memory_space<hbm>> -> memref<10000x128xf32, #tpu.memory_space<hbm>>
      tpu.wait_indirect_dma semaphore(%arg21 : memref<!tpu.dma_semaphore, #tpu.memory_space<semaphore_mem>>) src(%dma_wait3A_103 : memref<10000x128xf32, #tpu.memory_space<hbm>>) dst(%arg15 : memref<80x128xf32, #tpu.memory_space<vmem>>)
      %dma_wait3A_104 = arith.constant 0 : i32
      %dma_wait3A_105 = tpu.memref_slice %arg11[%add3A_97, %dma_wait3A_104] : memref<125x80xi32, #tpu.memory_space<vmem>> -> memref<1x80xi32, #tpu.memory_space<vmem>>
      %dma_wait3A_106 = tpu.memref_squeeze %dma_wait3A_105 : memref<1x80xi32, #tpu.memory_space<vmem>> -> memref<80xi32, #tpu.memory_space<vmem>>
      %dma_wait3A_107 = arith.constant 0 : i32
      %dma_wait3A_108 = arith.constant 0 : i32
      %dma_wait3A_109 = tpu.memref_slice %arg3[%dma_wait3A_107, %dma_wait3A_108] : memref<10000x128xf32, #tpu.memory_space<hbm>> -> memref<10000x128xf32, #tpu.memory_space<hbm>>
      tpu.wait_indirect_dma semaphore(%arg22 : memref<!tpu.dma_semaphore, #tpu.memory_space<semaphore_mem>>) src(%dma_wait3A_109 : memref<10000x128xf32, #tpu.memory_space<hbm>>) dst(%arg16 : memref<80x128xf32, #tpu.memory_space<vmem>>)
      %dma_wait3A_110 = arith.constant 0 : i32
      %dma_wait3A_111 = tpu.memref_slice %arg10[%add3A_97, %dma_wait3A_110] : memref<125x80xi32, #tpu.memory_space<vmem>> -> memref<1x80xi32, #tpu.memory_space<vmem>>
      %dma_wait3A_112 = tpu.memref_squeeze %dma_wait3A_111 : memref<1x80xi32, #tpu.memory_space<vmem>> -> memref<80xi32, #tpu.memory_space<vmem>>
      %dma_wait3A_113 = arith.constant 0 : i32
      %dma_wait3A_114 = arith.constant 0 : i32
      %dma_wait3A_115 = tpu.memref_slice %arg4[%dma_wait3A_113, %dma_wait3A_114] : memref<10000x128xf32, #tpu.memory_space<hbm>> -> memref<10000x128xf32, #tpu.memory_space<hbm>>
      tpu.wait_indirect_dma semaphore(%arg23 : memref<!tpu.dma_semaphore, #tpu.memory_space<semaphore_mem>>) src(%dma_wait3A_115 : memref<10000x128xf32, #tpu.memory_space<hbm>>) dst(%arg17 : memref<80x128xf32, #tpu.memory_space<vmem>>)
      %add3A_116 = arith.constant 2 : i32
      %add3A_117 = arith.addi %mul3A_54, %add3A_116 : i32
      %dma_start3A_118 = arith.constant 0 : i32
      %dma_start3A_119 = tpu.memref_slice %arg10[%add3A_117, %dma_start3A_118] : memref<125x80xi32, #tpu.memory_space<vmem>> -> memref<1x80xi32, #tpu.memory_space<vmem>>
      %dma_start3A_120 = tpu.memref_squeeze %dma_start3A_119 : memref<1x80xi32, #tpu.memory_space<vmem>> -> memref<80xi32, #tpu.memory_space<vmem>>
      %dma_start3A_121 = arith.constant 0 : i32
      %dma_start3A_122 = arith.constant 0 : i32
      %dma_start3A_123 = tpu.memref_slice %arg2[%dma_start3A_121, %dma_start3A_122] : memref<10000x128xf32, #tpu.memory_space<hbm>> -> memref<10000x128xf32, #tpu.memory_space<hbm>>
      tpu.enqueue_indirect_dma source(%dma_start3A_123 : memref<10000x128xf32, #tpu.memory_space<hbm>>) target(%arg12 : memref<80x128xf32, #tpu.memory_space<vmem>>) offsets(%dma_start3A_120 : memref<80xi32, #tpu.memory_space<vmem>>) semaphore(%arg18 : memref<!tpu.dma_semaphore, #tpu.memory_space<semaphore_mem>>)
      %dma_start3A_124 = arith.constant 0 : i32
      %dma_start3A_125 = tpu.memref_slice %arg11[%add3A_117, %dma_start3A_124] : memref<125x80xi32, #tpu.memory_space<vmem>> -> memref<1x80xi32, #tpu.memory_space<vmem>>
      %dma_start3A_126 = tpu.memref_squeeze %dma_start3A_125 : memref<1x80xi32, #tpu.memory_space<vmem>> -> memref<80xi32, #tpu.memory_space<vmem>>
      %dma_start3A_127 = arith.constant 0 : i32
      %dma_start3A_128 = arith.constant 0 : i32
      %dma_start3A_129 = tpu.memref_slice %arg3[%dma_start3A_127, %dma_start3A_128] : memref<10000x128xf32, #tpu.memory_space<hbm>> -> memref<10000x128xf32, #tpu.memory_space<hbm>>
      tpu.enqueue_indirect_dma source(%dma_start3A_129 : memref<10000x128xf32, #tpu.memory_space<hbm>>) target(%arg13 : memref<80x128xf32, #tpu.memory_space<vmem>>) offsets(%dma_start3A_126 : memref<80xi32, #tpu.memory_space<vmem>>) semaphore(%arg19 : memref<!tpu.dma_semaphore, #tpu.memory_space<semaphore_mem>>)
      %dma_start3A_130 = arith.constant 0 : i32
      %dma_start3A_131 = tpu.memref_slice %arg10[%add3A_117, %dma_start3A_130] : memref<125x80xi32, #tpu.memory_space<vmem>> -> memref<1x80xi32, #tpu.memory_space<vmem>>
      %dma_start3A_132 = tpu.memref_squeeze %dma_start3A_131 : memref<1x80xi32, #tpu.memory_space<vmem>> -> memref<80xi32, #tpu.memory_space<vmem>>
      %dma_start3A_133 = arith.constant 0 : i32
      %dma_start3A_134 = arith.constant 0 : i32
      %dma_start3A_135 = tpu.memref_slice %arg4[%dma_start3A_133, %dma_start3A_134] : memref<10000x128xf32, #tpu.memory_space<hbm>> -> memref<10000x128xf32, #tpu.memory_space<hbm>>
      tpu.enqueue_indirect_dma source(%dma_start3A_135 : memref<10000x128xf32, #tpu.memory_space<hbm>>) target(%arg14 : memref<80x128xf32, #tpu.memory_space<vmem>>) offsets(%dma_start3A_132 : memref<80xi32, #tpu.memory_space<vmem>>) semaphore(%arg20 : memref<!tpu.dma_semaphore, #tpu.memory_space<semaphore_mem>>)
      %add3A_136 = arith.constant 1 : i32
      %add3A_137 = arith.addi %mul3A_54, %add3A_136 : i32
      %add3A_138 = arith.addi %mul3A_2, %add3A_137 : i32
      %mul3A_139 = arith.constant 80 : i32
      %mul3A_140 = arith.muli %add3A_138, %mul3A_139 : i32
      "tpu.region"() ({
        %run_scoped3A = tpu.sem_alloc : memref<!tpu.dma_semaphore, #tpu.memory_space<semaphore_mem>>
        %dma_start3A_141 = arith.constant 0 : i32
        %dma_start3A_142 = tpu.memref_slice %arg7[%mul3A_140, %dma_start3A_141] : memref<320000x128xf32, #tpu.memory_space<hbm>> -> memref<80x128xf32, #tpu.memory_space<hbm>>
        %dma_start3A_143 = arith.constant 0 : i32
        %dma_start3A_144 = tpu.memref_slice %arg7[%mul3A_140, %dma_start3A_143] : memref<320000x128xf32, #tpu.memory_space<hbm>> -> memref<80x128xf32, #tpu.memory_space<hbm>>
        tpu.enqueue_dma source(%arg15 : memref<80x128xf32, #tpu.memory_space<vmem>>) target(%dma_start3A_144 : memref<80x128xf32, #tpu.memory_space<hbm>>) target_semaphore(%run_scoped3A : memref<!tpu.dma_semaphore, #tpu.memory_space<semaphore_mem>>)
        %dma_wait3A_145 = arith.constant 0 : i32
        %dma_wait3A_146 = tpu.memref_slice %arg7[%mul3A_140, %dma_wait3A_145] : memref<320000x128xf32, #tpu.memory_space<hbm>> -> memref<80x128xf32, #tpu.memory_space<hbm>>
        %dma_wait3A_147 = arith.constant 0 : i32
        %dma_wait3A_148 = tpu.memref_slice %arg7[%mul3A_140, %dma_wait3A_147] : memref<320000x128xf32, #tpu.memory_space<hbm>> -> memref<80x128xf32, #tpu.memory_space<hbm>>
        tpu.wait_dma2 semaphore(%run_scoped3A : memref<!tpu.dma_semaphore, #tpu.memory_space<semaphore_mem>>) src(%arg15 : memref<80x128xf32, #tpu.memory_space<vmem>>) dst(%dma_wait3A_148 : memref<80x128xf32, #tpu.memory_space<hbm>>)
        tpu.yield
      }) : () -> ()
      "tpu.region"() ({
        %run_scoped3A = tpu.sem_alloc : memref<!tpu.dma_semaphore, #tpu.memory_space<semaphore_mem>>
        %dma_start3A_141 = arith.constant 0 : i32
        %dma_start3A_142 = tpu.memref_slice %arg8[%mul3A_140, %dma_start3A_141] : memref<320000x128xf32, #tpu.memory_space<hbm>> -> memref<80x128xf32, #tpu.memory_space<hbm>>
        %dma_start3A_143 = arith.constant 0 : i32
        %dma_start3A_144 = tpu.memref_slice %arg8[%mul3A_140, %dma_start3A_143] : memref<320000x128xf32, #tpu.memory_space<hbm>> -> memref<80x128xf32, #tpu.memory_space<hbm>>
        tpu.enqueue_dma source(%arg16 : memref<80x128xf32, #tpu.memory_space<vmem>>) target(%dma_start3A_144 : memref<80x128xf32, #tpu.memory_space<hbm>>) target_semaphore(%run_scoped3A : memref<!tpu.dma_semaphore, #tpu.memory_space<semaphore_mem>>)
        %dma_wait3A_145 = arith.constant 0 : i32
        %dma_wait3A_146 = tpu.memref_slice %arg8[%mul3A_140, %dma_wait3A_145] : memref<320000x128xf32, #tpu.memory_space<hbm>> -> memref<80x128xf32, #tpu.memory_space<hbm>>
        %dma_wait3A_147 = arith.constant 0 : i32
        %dma_wait3A_148 = tpu.memref_slice %arg8[%mul3A_140, %dma_wait3A_147] : memref<320000x128xf32, #tpu.memory_space<hbm>> -> memref<80x128xf32, #tpu.memory_space<hbm>>
        tpu.wait_dma2 semaphore(%run_scoped3A : memref<!tpu.dma_semaphore, #tpu.memory_space<semaphore_mem>>) src(%arg16 : memref<80x128xf32, #tpu.memory_space<vmem>>) dst(%dma_wait3A_148 : memref<80x128xf32, #tpu.memory_space<hbm>>)
        tpu.yield
      }) : () -> ()
      "tpu.region"() ({
        %run_scoped3A = tpu.sem_alloc : memref<!tpu.dma_semaphore, #tpu.memory_space<semaphore_mem>>
        %dma_start3A_141 = arith.constant 0 : i32
        %dma_start3A_142 = tpu.memref_slice %arg9[%mul3A_140, %dma_start3A_141] : memref<320000x128xf32, #tpu.memory_space<hbm>> -> memref<80x128xf32, #tpu.memory_space<hbm>>
        %dma_start3A_143 = arith.constant 0 : i32
        %dma_start3A_144 = tpu.memref_slice %arg9[%mul3A_140, %dma_start3A_143] : memref<320000x128xf32, #tpu.memory_space<hbm>> -> memref<80x128xf32, #tpu.memory_space<hbm>>
        tpu.enqueue_dma source(%arg17 : memref<80x128xf32, #tpu.memory_space<vmem>>) target(%dma_start3A_144 : memref<80x128xf32, #tpu.memory_space<hbm>>) target_semaphore(%run_scoped3A : memref<!tpu.dma_semaphore, #tpu.memory_space<semaphore_mem>>)
        %dma_wait3A_145 = arith.constant 0 : i32
        %dma_wait3A_146 = tpu.memref_slice %arg9[%mul3A_140, %dma_wait3A_145] : memref<320000x128xf32, #tpu.memory_space<hbm>> -> memref<80x128xf32, #tpu.memory_space<hbm>>
        %dma_wait3A_147 = arith.constant 0 : i32
        %dma_wait3A_148 = tpu.memref_slice %arg9[%mul3A_140, %dma_wait3A_147] : memref<320000x128xf32, #tpu.memory_space<hbm>> -> memref<80x128xf32, #tpu.memory_space<hbm>>
        tpu.wait_dma2 semaphore(%run_scoped3A : memref<!tpu.dma_semaphore, #tpu.memory_space<semaphore_mem>>) src(%arg17 : memref<80x128xf32, #tpu.memory_space<vmem>>) dst(%dma_wait3A_148 : memref<80x128xf32, #tpu.memory_space<hbm>>)
        tpu.yield
      }) : () -> ()
    }
    %scan3A_27 = arith.constant 62 : i32
    %dma_wait3A = arith.constant 124 : i32
    %dma_wait3A_28 = arith.constant 0 : i32
    %dma_wait3A_29 = tpu.memref_slice %arg10[%dma_wait3A, %dma_wait3A_28] : memref<125x80xi32, #tpu.memory_space<vmem>> -> memref<1x80xi32, #tpu.memory_space<vmem>>
    %dma_wait3A_30 = tpu.memref_squeeze %dma_wait3A_29 : memref<1x80xi32, #tpu.memory_space<vmem>> -> memref<80xi32, #tpu.memory_space<vmem>>
    %dma_wait3A_31 = arith.constant 0 : i32
    %dma_wait3A_32 = arith.constant 0 : i32
    %dma_wait3A_33 = tpu.memref_slice %arg2[%dma_wait3A_31, %dma_wait3A_32] : memref<10000x128xf32, #tpu.memory_space<hbm>> -> memref<10000x128xf32, #tpu.memory_space<hbm>>
    tpu.wait_indirect_dma semaphore(%arg18 : memref<!tpu.dma_semaphore, #tpu.memory_space<semaphore_mem>>) src(%dma_wait3A_33 : memref<10000x128xf32, #tpu.memory_space<hbm>>) dst(%arg12 : memref<80x128xf32, #tpu.memory_space<vmem>>)
    %dma_wait3A_34 = arith.constant 124 : i32
    %dma_wait3A_35 = arith.constant 0 : i32
    %dma_wait3A_36 = tpu.memref_slice %arg11[%dma_wait3A_34, %dma_wait3A_35] : memref<125x80xi32, #tpu.memory_space<vmem>> -> memref<1x80xi32, #tpu.memory_space<vmem>>
    %dma_wait3A_37 = tpu.memref_squeeze %dma_wait3A_36 : memref<1x80xi32, #tpu.memory_space<vmem>> -> memref<80xi32, #tpu.memory_space<vmem>>
    %dma_wait3A_38 = arith.constant 0 : i32
    %dma_wait3A_39 = arith.constant 0 : i32
    %dma_wait3A_40 = tpu.memref_slice %arg3[%dma_wait3A_38, %dma_wait3A_39] : memref<10000x128xf32, #tpu.memory_space<hbm>> -> memref<10000x128xf32, #tpu.memory_space<hbm>>
    tpu.wait_indirect_dma semaphore(%arg19 : memref<!tpu.dma_semaphore, #tpu.memory_space<semaphore_mem>>) src(%dma_wait3A_40 : memref<10000x128xf32, #tpu.memory_space<hbm>>) dst(%arg13 : memref<80x128xf32, #tpu.memory_space<vmem>>)
    %dma_wait3A_41 = arith.constant 124 : i32
    %dma_wait3A_42 = arith.constant 0 : i32
    %dma_wait3A_43 = tpu.memref_slice %arg10[%dma_wait3A_41, %dma_wait3A_42] : memref<125x80xi32, #tpu.memory_space<vmem>> -> memref<1x80xi32, #tpu.memory_space<vmem>>
    %dma_wait3A_44 = tpu.memref_squeeze %dma_wait3A_43 : memref<1x80xi32, #tpu.memory_space<vmem>> -> memref<80xi32, #tpu.memory_space<vmem>>
    %dma_wait3A_45 = arith.constant 0 : i32
    %dma_wait3A_46 = arith.constant 0 : i32
    %dma_wait3A_47 = tpu.memref_slice %arg4[%dma_wait3A_45, %dma_wait3A_46] : memref<10000x128xf32, #tpu.memory_space<hbm>> -> memref<10000x128xf32, #tpu.memory_space<hbm>>
    tpu.wait_indirect_dma semaphore(%arg20 : memref<!tpu.dma_semaphore, #tpu.memory_space<semaphore_mem>>) src(%dma_wait3A_47 : memref<10000x128xf32, #tpu.memory_space<hbm>>) dst(%arg14 : memref<80x128xf32, #tpu.memory_space<vmem>>)
    %add3A_48 = arith.constant 124 : i32
    %add3A_49 = arith.addi %mul3A_2, %add3A_48 : i32
    %mul3A_50 = arith.constant 80 : i32
    %mul3A_51 = arith.muli %add3A_49, %mul3A_50 : i32
    "tpu.region"() ({
      %run_scoped3A = tpu.sem_alloc : memref<!tpu.dma_semaphore, #tpu.memory_space<semaphore_mem>>
      %dma_start3A_52 = arith.constant 0 : i32
      %dma_start3A_53 = tpu.memref_slice %arg7[%mul3A_51, %dma_start3A_52] : memref<320000x128xf32, #tpu.memory_space<hbm>> -> memref<80x128xf32, #tpu.memory_space<hbm>>
      %dma_start3A_54 = arith.constant 0 : i32
      %dma_start3A_55 = tpu.memref_slice %arg7[%mul3A_51, %dma_start3A_54] : memref<320000x128xf32, #tpu.memory_space<hbm>> -> memref<80x128xf32, #tpu.memory_space<hbm>>
      tpu.enqueue_dma source(%arg12 : memref<80x128xf32, #tpu.memory_space<vmem>>) target(%dma_start3A_55 : memref<80x128xf32, #tpu.memory_space<hbm>>) target_semaphore(%run_scoped3A : memref<!tpu.dma_semaphore, #tpu.memory_space<semaphore_mem>>)
      %dma_wait3A_56 = arith.constant 0 : i32
      %dma_wait3A_57 = tpu.memref_slice %arg7[%mul3A_51, %dma_wait3A_56] : memref<320000x128xf32, #tpu.memory_space<hbm>> -> memref<80x128xf32, #tpu.memory_space<hbm>>
      %dma_wait3A_58 = arith.constant 0 : i32
      %dma_wait3A_59 = tpu.memref_slice %arg7[%mul3A_51, %dma_wait3A_58] : memref<320000x128xf32, #tpu.memory_space<hbm>> -> memref<80x128xf32, #tpu.memory_space<hbm>>
      tpu.wait_dma2 semaphore(%run_scoped3A : memref<!tpu.dma_semaphore, #tpu.memory_space<semaphore_mem>>) src(%arg12 : memref<80x128xf32, #tpu.memory_space<vmem>>) dst(%dma_wait3A_59 : memref<80x128xf32, #tpu.memory_space<hbm>>)
      tpu.yield
    }) : () -> ()
    "tpu.region"() ({
      %run_scoped3A = tpu.sem_alloc : memref<!tpu.dma_semaphore, #tpu.memory_space<semaphore_mem>>
      %dma_start3A_52 = arith.constant 0 : i32
      %dma_start3A_53 = tpu.memref_slice %arg8[%mul3A_51, %dma_start3A_52] : memref<320000x128xf32, #tpu.memory_space<hbm>> -> memref<80x128xf32, #tpu.memory_space<hbm>>
      %dma_start3A_54 = arith.constant 0 : i32
      %dma_start3A_55 = tpu.memref_slice %arg8[%mul3A_51, %dma_start3A_54] : memref<320000x128xf32, #tpu.memory_space<hbm>> -> memref<80x128xf32, #tpu.memory_space<hbm>>
      tpu.enqueue_dma source(%arg13 : memref<80x128xf32, #tpu.memory_space<vmem>>) target(%dma_start3A_55 : memref<80x128xf32, #tpu.memory_space<hbm>>) target_semaphore(%run_scoped3A : memref<!tpu.dma_semaphore, #tpu.memory_space<semaphore_mem>>)
      %dma_wait3A_56 = arith.constant 0 : i32
      %dma_wait3A_57 = tpu.memref_slice %arg8[%mul3A_51, %dma_wait3A_56] : memref<320000x128xf32, #tpu.memory_space<hbm>> -> memref<80x128xf32, #tpu.memory_space<hbm>>
      %dma_wait3A_58 = arith.constant 0 : i32
      %dma_wait3A_59 = tpu.memref_slice %arg8[%mul3A_51, %dma_wait3A_58] : memref<320000x128xf32, #tpu.memory_space<hbm>> -> memref<80x128xf32, #tpu.memory_space<hbm>>
      tpu.wait_dma2 semaphore(%run_scoped3A : memref<!tpu.dma_semaphore, #tpu.memory_space<semaphore_mem>>) src(%arg13 : memref<80x128xf32, #tpu.memory_space<vmem>>) dst(%dma_wait3A_59 : memref<80x128xf32, #tpu.memory_space<hbm>>)
      tpu.yield
    }) : () -> ()
    "tpu.region"() ({
      %run_scoped3A = tpu.sem_alloc : memref<!tpu.dma_semaphore, #tpu.memory_space<semaphore_mem>>
      %dma_start3A_52 = arith.constant 0 : i32
      %dma_start3A_53 = tpu.memref_slice %arg9[%mul3A_51, %dma_start3A_52] : memref<320000x128xf32, #tpu.memory_space<hbm>> -> memref<80x128xf32, #tpu.memory_space<hbm>>
      %dma_start3A_54 = arith.constant 0 : i32
      %dma_start3A_55 = tpu.memref_slice %arg9[%mul3A_51, %dma_start3A_54] : memref<320000x128xf32, #tpu.memory_space<hbm>> -> memref<80x128xf32, #tpu.memory_space<hbm>>
      tpu.enqueue_dma source(%arg14 : memref<80x128xf32, #tpu.memory_space<vmem>>) target(%dma_start3A_55 : memref<80x128xf32, #tpu.memory_space<hbm>>) target_semaphore(%run_scoped3A : memref<!tpu.dma_semaphore, #tpu.memory_space<semaphore_mem>>)
      %dma_wait3A_56 = arith.constant 0 : i32
      %dma_wait3A_57 = tpu.memref_slice %arg9[%mul3A_51, %dma_wait3A_56] : memref<320000x128xf32, #tpu.memory_space<hbm>> -> memref<80x128xf32, #tpu.memory_space<hbm>>
      %dma_wait3A_58 = arith.constant 0 : i32
      %dma_wait3A_59 = tpu.memref_slice %arg9[%mul3A_51, %dma_wait3A_58] : memref<320000x128xf32, #tpu.memory_space<hbm>> -> memref<80x128xf32, #tpu.memory_space<hbm>>
      tpu.wait_dma2 semaphore(%run_scoped3A : memref<!tpu.dma_semaphore, #tpu.memory_space<semaphore_mem>>) src(%arg14 : memref<80x128xf32, #tpu.memory_space<vmem>>) dst(%dma_wait3A_59 : memref<80x128xf32, #tpu.memory_space<hbm>>)
      tpu.yield
    }) : () -> ()
    return
  }
}

module attributes {stable_mosaic.version = 14 : i64} {
  func.func @_proj_body(%arg0: i32, %arg1: memref<2000x128xf32, #tpu.memory_space<vmem>>, %arg2: memref<128x128xf32, #tpu.memory_space<vmem>>, %arg3: memref<128x128xf32, #tpu.memory_space<vmem>>, %arg4: memref<128x128xf32, #tpu.memory_space<vmem>>, %arg5: memref<1x128xf32, #tpu.memory_space<vmem>>, %arg6: memref<2000x128xf32, #tpu.memory_space<vmem>>, %arg7: memref<2000x128xf32, #tpu.memory_space<vmem>>, %arg8: memref<2000x128xf32, #tpu.memory_space<vmem>>) attributes {dimension_semantics = [#tpu.dimension_semantics<arbitrary>], iteration_bounds = array<i64: 5>, scalar_prefetch = 0 : i64, scratch_operands = 0 : i64, tpu.core_type = #tpu.core_type<tc>, window_params = [{transform_indices = @transform_0, window_bounds = array<i64: 2000, 128>}, {pipeline_mode = #tpu.pipeline_mode<synchronous>, transform_indices = @transform_1, window_bounds = array<i64: 128, 128>}, {pipeline_mode = #tpu.pipeline_mode<synchronous>, transform_indices = @transform_2, window_bounds = array<i64: 128, 128>}, {pipeline_mode = #tpu.pipeline_mode<synchronous>, transform_indices = @transform_3, window_bounds = array<i64: 128, 128>}, {pipeline_mode = #tpu.pipeline_mode<synchronous>, transform_indices = @transform_4, window_bounds = array<i64: 1, 128>}, {transform_indices = @transform_5, window_bounds = array<i64: 2000, 128>}, {transform_indices = @transform_6, window_bounds = array<i64: 2000, 128>}, {transform_indices = @transform_7, window_bounds = array<i64: 2000, 128>}]} {
    %get3A = arith.constant 0 : index
    %get3A_0 = arith.constant 0 : index
    %get3A_1 = vector.load %arg1[%get3A, %get3A_0] : memref<2000x128xf32, #tpu.memory_space<vmem>>, vector<2000x128xf32>
    %get3A_2 = arith.constant 0 : index
    %get3A_3 = arith.constant 0 : index
    %get3A_4 = vector.load %arg2[%get3A_2, %get3A_3] : memref<128x128xf32, #tpu.memory_space<vmem>>, vector<128x128xf32>
    %dot_general3A = arith.constant dense<0.000000e+00> : vector<2000x128xf32>
    %dot_general3A_5 = tpu.matmul %get3A_1, %get3A_4, %dot_general3A {dimension_numbers = #tpu.dot_dimension_numbers<[1], [0], [0], [1], [0, 0, 1, 1], [], []>, transpose_lhs_hint = false} : vector<2000x128xf32>, vector<128x128xf32>, vector<2000x128xf32> -> vector<2000x128xf32>
    %get3A_6 = arith.constant 0 : index
    %get3A_7 = arith.constant 0 : index
    %get3A_8 = vector.load %arg5[%get3A_6, %get3A_7] : memref<1x128xf32, #tpu.memory_space<vmem>>, vector<1x128xf32>
    %add3A = vector.broadcast %get3A_8 : vector<1x128xf32> to vector<2000x128xf32>
    %add3A_9 = arith.addf %dot_general3A_5, %add3A : vector<2000x128xf32>
    %swap3A = arith.constant 0 : index
    %swap3A_10 = arith.constant 0 : index
    %swap3A_11 = vector.load %arg6[%swap3A, %swap3A_10] : memref<2000x128xf32, #tpu.memory_space<vmem>>, vector<2000x128xf32>
    tpu.vector_store %arg6[%swap3A, %swap3A_10], %add3A_9 {strides = array<i32>} : memref<2000x128xf32, #tpu.memory_space<vmem>>, vector<2000x128xf32>,
    %get3A_12 = arith.constant 0 : index
    %get3A_13 = arith.constant 0 : index
    %get3A_14 = vector.load %arg3[%get3A_12, %get3A_13] : memref<128x128xf32, #tpu.memory_space<vmem>>, vector<128x128xf32>
    %dot_general3A_15 = arith.constant dense<0.000000e+00> : vector<2000x128xf32>
    %dot_general3A_16 = tpu.matmul %get3A_1, %get3A_14, %dot_general3A_15 {dimension_numbers = #tpu.dot_dimension_numbers<[1], [0], [0], [1], [0, 0, 1, 1], [], []>, transpose_lhs_hint = false} : vector<2000x128xf32>, vector<128x128xf32>, vector<2000x128xf32> -> vector<2000x128xf32>
    %swap3A_17 = arith.constant 0 : index
    %swap3A_18 = arith.constant 0 : index
    %swap3A_19 = vector.load %arg7[%swap3A_17, %swap3A_18] : memref<2000x128xf32, #tpu.memory_space<vmem>>, vector<2000x128xf32>
    tpu.vector_store %arg7[%swap3A_17, %swap3A_18], %dot_general3A_16 {strides = array<i32>} : memref<2000x128xf32, #tpu.memory_space<vmem>>, vector<2000x128xf32>,
    %get3A_20 = arith.constant 0 : index
    %get3A_21 = arith.constant 0 : index
    %get3A_22 = vector.load %arg4[%get3A_20, %get3A_21] : memref<128x128xf32, #tpu.memory_space<vmem>>, vector<128x128xf32>
    %dot_general3A_23 = arith.constant dense<0.000000e+00> : vector<2000x128xf32>
    %dot_general3A_24 = tpu.matmul %get3A_1, %get3A_22, %dot_general3A_23 {dimension_numbers = #tpu.dot_dimension_numbers<[1], [0], [0], [1], [0, 0, 1, 1], [], []>, transpose_lhs_hint = false} : vector<2000x128xf32>, vector<128x128xf32>, vector<2000x128xf32> -> vector<2000x128xf32>
    %swap3A_25 = arith.constant 0 : index
    %swap3A_26 = arith.constant 0 : index
    %swap3A_27 = vector.load %arg8[%swap3A_25, %swap3A_26] : memref<2000x128xf32, #tpu.memory_space<vmem>>, vector<2000x128xf32>
    tpu.vector_store %arg8[%swap3A_25, %swap3A_26], %dot_general3A_24 {strides = array<i32>} : memref<2000x128xf32, #tpu.memory_space<vmem>>, vector<2000x128xf32>,
    return
  }
  func.func @transform_0(%arg0: i32) -> (i32, i32) {
    %c0_i32 = arith.constant 0 : i32
    %c0_i32_0 = arith.constant 0 : i32
    return %arg0, %c0_i32 : i32, i32
  }
  func.func @transform_1(%arg0: i32) -> (i32, i32) {
    %c0_i32 = arith.constant 0 : i32
    %c0_i32_0 = arith.constant 0 : i32
    %c0_i32_1 = arith.constant 0 : i32
    return %c0_i32, %c0_i32_0 : i32, i32
  }
  func.func @transform_2(%arg0: i32) -> (i32, i32) {
    %c0_i32 = arith.constant 0 : i32
    %c0_i32_0 = arith.constant 0 : i32
    %c0_i32_1 = arith.constant 0 : i32
    return %c0_i32, %c0_i32_0 : i32, i32
  }
  func.func @transform_3(%arg0: i32) -> (i32, i32) {
    %c0_i32 = arith.constant 0 : i32
    %c0_i32_0 = arith.constant 0 : i32
    %c0_i32_1 = arith.constant 0 : i32
    return %c0_i32, %c0_i32_0 : i32, i32
  }
  func.func @transform_4(%arg0: i32) -> (i32, i32) {
    %c0_i32 = arith.constant 0 : i32
    %c0_i32_0 = arith.constant 0 : i32
    %c0_i32_1 = arith.constant 0 : i32
    return %c0_i32, %c0_i32_0 : i32, i32
  }
  func.func @transform_5(%arg0: i32) -> (i32, i32) {
    %c0_i32 = arith.constant 0 : i32
    %c0_i32_0 = arith.constant 0 : i32
    return %arg0, %c0_i32 : i32, i32
  }
  func.func @transform_6(%arg0: i32) -> (i32, i32) {
    %c0_i32 = arith.constant 0 : i32
    %c0_i32_0 = arith.constant 0 : i32
    return %arg0, %c0_i32 : i32, i32
  }
  func.func @transform_7(%arg0: i32) -> (i32, i32) {
    %c0_i32 = arith.constant 0 : i32
    %c0_i32_0 = arith.constant 0 : i32
    return %arg0, %c0_i32 : i32, i32
  }
}

module attributes {stable_mosaic.version = 14 : i64} {
  func.func @_edge_body(%arg0: i32, %arg1: memref<2000x128xf32, #tpu.memory_space<vmem>>, %arg2: memref<2000x128xf32, #tpu.memory_space<vmem>>, %arg3: memref<2000x128xf32, #tpu.memory_space<vmem>>, %arg4: memref<2000x128xf32, #tpu.memory_space<vmem>>, %arg5: memref<128x128xf32, #tpu.memory_space<vmem>>, %arg6: memref<1x128xf32, #tpu.memory_space<vmem>>, %arg7: memref<128x128xf32, #tpu.memory_space<vmem>>, %arg8: memref<1x128xf32, #tpu.memory_space<vmem>>, %arg9: memref<1x128xf32, #tpu.memory_space<vmem>>, %arg10: memref<128x8xf32, #tpu.memory_space<vmem>>, %arg11: memref<8x128xf32, #tpu.memory_space<vmem>>, %arg12: memref<128x128xf32, #tpu.memory_space<vmem>>, %arg13: memref<1x128xf32, #tpu.memory_space<vmem>>, %arg14: memref<1x128xf32, #tpu.memory_space<vmem>>, %arg15: memref<2000x8xf32, #tpu.memory_space<vmem>>, %arg16: memref<2000x128xf32, #tpu.memory_space<vmem>>, %arg17: memref<2000x128xf32, #tpu.memory_space<vmem>>) attributes {dimension_semantics = [#tpu.dimension_semantics<arbitrary>], iteration_bounds = array<i64: 160>, scalar_prefetch = 0 : i64, scratch_operands = 0 : i64, tpu.core_type = #tpu.core_type<tc>, window_params = [{transform_indices = @transform_0, window_bounds = array<i64: 2000, 128>}, {transform_indices = @transform_1, window_bounds = array<i64: 2000, 128>}, {transform_indices = @transform_2, window_bounds = array<i64: 2000, 128>}, {transform_indices = @transform_3, window_bounds = array<i64: 2000, 128>}, {pipeline_mode = #tpu.pipeline_mode<synchronous>, transform_indices = @transform_4, window_bounds = array<i64: 128, 128>}, {pipeline_mode = #tpu.pipeline_mode<synchronous>, transform_indices = @transform_5, window_bounds = array<i64: 1, 128>}, {pipeline_mode = #tpu.pipeline_mode<synchronous>, transform_indices = @transform_6, window_bounds = array<i64: 128, 128>}, {pipeline_mode = #tpu.pipeline_mode<synchronous>, transform_indices = @transform_7, window_bounds = array<i64: 1, 128>}, {pipeline_mode = #tpu.pipeline_mode<synchronous>, transform_indices = @transform_8, window_bounds = array<i64: 1, 128>}, {pipeline_mode = #tpu.pipeline_mode<synchronous>, transform_indices = @transform_9, window_bounds = array<i64: 128, 8>}, {pipeline_mode = #tpu.pipeline_mode<synchronous>, transform_indices = @transform_10, window_bounds = array<i64: 8, 128>}, {pipeline_mode = #tpu.pipeline_mode<synchronous>, transform_indices = @transform_11, window_bounds = array<i64: 128, 128>}, {pipeline_mode = #tpu.pipeline_mode<synchronous>, transform_indices = @transform_12, window_bounds = array<i64: 1, 128>}, {pipeline_mode = #tpu.pipeline_mode<synchronous>, transform_indices = @transform_13, window_bounds = array<i64: 1, 128>}, {transform_indices = @transform_14, window_bounds = array<i64: 2000, 8>}, {transform_indices = @transform_15, window_bounds = array<i64: 2000, 128>}, {transform_indices = @transform_16, window_bounds = array<i64: 2000, 128>}]} {
    %get3A = arith.constant 0 : index
    %get3A_0 = arith.constant 0 : index
    %get3A_1 = vector.load %arg1[%get3A, %get3A_0] : memref<2000x128xf32, #tpu.memory_space<vmem>>, vector<2000x128xf32>
    %get3A_2 = arith.constant 0 : index
    %get3A_3 = arith.constant 0 : index
    %get3A_4 = vector.load %arg5[%get3A_2, %get3A_3] : memref<128x128xf32, #tpu.memory_space<vmem>>, vector<128x128xf32>
    %dot_general3A = arith.constant dense<0.000000e+00> : vector<2000x128xf32>
    %dot_general3A_5 = tpu.matmul %get3A_1, %get3A_4, %dot_general3A {dimension_numbers = #tpu.dot_dimension_numbers<[1], [0], [0], [1], [0, 0, 1, 1], [], []>, transpose_lhs_hint = false} : vector<2000x128xf32>, vector<128x128xf32>, vector<2000x128xf32> -> vector<2000x128xf32>
    %get3A_6 = arith.constant 0 : index
    %get3A_7 = arith.constant 0 : index
    %get3A_8 = vector.load %arg6[%get3A_6, %get3A_7] : memref<1x128xf32, #tpu.memory_space<vmem>>, vector<1x128xf32>
    %add3A = vector.broadcast %get3A_8 : vector<1x128xf32> to vector<2000x128xf32>
    %add3A_9 = arith.addf %dot_general3A_5, %add3A : vector<2000x128xf32>
    %get3A_10 = arith.constant 0 : index
    %get3A_11 = arith.constant 0 : index
    %get3A_12 = vector.load %arg2[%get3A_10, %get3A_11] : memref<2000x128xf32, #tpu.memory_space<vmem>>, vector<2000x128xf32>
    %get3A_13 = arith.constant 0 : index
    %get3A_14 = arith.constant 0 : index
    %get3A_15 = vector.load %arg3[%get3A_13, %get3A_14] : memref<2000x128xf32, #tpu.memory_space<vmem>>, vector<2000x128xf32>
    %add3A_16 = arith.addf %get3A_12, %get3A_15 : vector<2000x128xf32>
    %add3A_17 = arith.addf %add3A_16, %add3A_9 : vector<2000x128xf32>
    %max3A = arith.constant 0.000000e+00 : f32
    %max3A_18 = vector.broadcast %max3A : f32 to vector<2000x128xf32>
    %max3A_19 = arith.maximumf %add3A_17, %max3A_18 : vector<2000x128xf32>
    %get3A_20 = arith.constant 0 : index
    %get3A_21 = arith.constant 0 : index
    %get3A_22 = vector.load %arg9[%get3A_20, %get3A_21] : memref<1x128xf32, #tpu.memory_space<vmem>>, vector<1x128xf32>
    %mul3A = vector.broadcast %get3A_22 : vector<1x128xf32> to vector<2000x128xf32>
    %mul3A_23 = arith.mulf %max3A_19, %mul3A : vector<2000x128xf32>
    %get3A_24 = arith.constant 0 : index
    %get3A_25 = arith.constant 0 : index
    %get3A_26 = vector.load %arg10[%get3A_24, %get3A_25] : memref<128x8xf32, #tpu.memory_space<vmem>>, vector<128x8xf32>
    %dot_general3A_27 = arith.constant dense<0.000000e+00> : vector<2000x8xf32>
    %dot_general3A_28 = tpu.matmul %mul3A_23, %get3A_26, %dot_general3A_27 {dimension_numbers = #tpu.dot_dimension_numbers<[1], [0], [0], [1], [0, 0, 1, 1], [], []>, transpose_lhs_hint = false} : vector<2000x128xf32>, vector<128x8xf32>, vector<2000x8xf32> -> vector<2000x8xf32>
    %jit3A = arith.constant -5.000000e+00 : f32
    %jit3A_29 = arith.constant 5.000000e+00 : f32
    %max3A_30 = vector.broadcast %jit3A : f32 to vector<2000x8xf32>
    %max3A_31 = arith.maximumf %max3A_30, %dot_general3A_28 : vector<2000x8xf32>
    %min3A = vector.broadcast %jit3A_29 : f32 to vector<2000x8xf32>
    %min3A_32 = arith.minimumf %min3A, %max3A_31 : vector<2000x8xf32>
    %exp3A = math.exp %min3A_32 : vector<2000x8xf32>
    %swap3A = arith.constant 0 : index
    %swap3A_33 = arith.constant 0 : index
    %swap3A_34 = vector.load %arg15[%swap3A, %swap3A_33] : memref<2000x8xf32, #tpu.memory_space<vmem>>, vector<2000x8xf32>
    tpu.vector_store %arg15[%swap3A, %swap3A_33], %exp3A {strides = array<i32>} : memref<2000x8xf32, #tpu.memory_space<vmem>>, vector<2000x8xf32>,
    %get3A_35 = arith.constant 0 : index
    %get3A_36 = arith.constant 0 : index
    %get3A_37 = vector.load %arg11[%get3A_35, %get3A_36] : memref<8x128xf32, #tpu.memory_space<vmem>>, vector<8x128xf32>
    %dot_general3A_38 = arith.constant dense<0.000000e+00> : vector<2000x128xf32>
    %dot_general3A_39 = tpu.matmul %exp3A, %get3A_37, %dot_general3A_38 {dimension_numbers = #tpu.dot_dimension_numbers<[1], [0], [0], [1], [0, 0, 1, 1], [], []>, transpose_lhs_hint = false} : vector<2000x8xf32>, vector<8x128xf32>, vector<2000x128xf32> -> vector<2000x128xf32>
    %get3A_40 = arith.constant 0 : index
    %get3A_41 = arith.constant 0 : index
    %get3A_42 = vector.load %arg4[%get3A_40, %get3A_41] : memref<2000x128xf32, #tpu.memory_space<vmem>>, vector<2000x128xf32>
    %get3A_43 = arith.constant 0 : index
    %get3A_44 = arith.constant 0 : index
    %get3A_45 = vector.load %arg12[%get3A_43, %get3A_44] : memref<128x128xf32, #tpu.memory_space<vmem>>, vector<128x128xf32>
    %dot_general3A_46 = arith.constant dense<0.000000e+00> : vector<2000x128xf32>
    %dot_general3A_47 = tpu.matmul %max3A_19, %get3A_45, %dot_general3A_46 {dimension_numbers = #tpu.dot_dimension_numbers<[1], [0], [0], [1], [0, 0, 1, 1], [], []>, transpose_lhs_hint = false} : vector<2000x128xf32>, vector<128x128xf32>, vector<2000x128xf32> -> vector<2000x128xf32>
    %add3A_48 = arith.addf %get3A_42, %dot_general3A_47 : vector<2000x128xf32>
    %mul3A_49 = arith.mulf %add3A_48, %dot_general3A_39 : vector<2000x128xf32>
    %swap3A_50 = arith.constant 0 : index
    %swap3A_51 = arith.constant 0 : index
    %swap3A_52 = vector.load %arg16[%swap3A_50, %swap3A_51] : memref<2000x128xf32, #tpu.memory_space<vmem>>, vector<2000x128xf32>
    tpu.vector_store %arg16[%swap3A_50, %swap3A_51], %mul3A_49 {strides = array<i32>} : memref<2000x128xf32, #tpu.memory_space<vmem>>, vector<2000x128xf32>,
    %get3A_53 = arith.constant 0 : index
    %get3A_54 = arith.constant 0 : index
    %get3A_55 = vector.load %arg7[%get3A_53, %get3A_54] : memref<128x128xf32, #tpu.memory_space<vmem>>, vector<128x128xf32>
    %dot_general3A_56 = arith.constant dense<0.000000e+00> : vector<2000x128xf32>
    %dot_general3A_57 = tpu.matmul %max3A_19, %get3A_55, %dot_general3A_56 {dimension_numbers = #tpu.dot_dimension_numbers<[1], [0], [0], [1], [0, 0, 1, 1], [], []>, transpose_lhs_hint = false} : vector<2000x128xf32>, vector<128x128xf32>, vector<2000x128xf32> -> vector<2000x128xf32>
    %add3A_58 = arith.addf %get3A_1, %dot_general3A_57 : vector<2000x128xf32>
    %get3A_59 = arith.constant 0 : index
    %get3A_60 = arith.constant 0 : index
    %get3A_61 = vector.load %arg8[%get3A_59, %get3A_60] : memref<1x128xf32, #tpu.memory_space<vmem>>, vector<1x128xf32>
    %add3A_62 = vector.broadcast %get3A_61 : vector<1x128xf32> to vector<2000x128xf32>
    %add3A_63 = arith.addf %add3A_58, %add3A_62 : vector<2000x128xf32>
    %reduce_sum3A = arith.constant dense<0.000000e+00> : vector<2000xf32>
    %reduce_sum3A_64 = vector.multi_reduction <add>, %add3A_63, %reduce_sum3A [1] : vector<2000x128xf32> to vector<2000xf32>
    %broadcast_in_dim3A = vector.shape_cast %reduce_sum3A_64 : vector<2000xf32> to vector<2000x1xf32>
    %div3A = arith.constant 1.280000e+02 : f32
    %div3A_65 = vector.broadcast %div3A : f32 to vector<2000x1xf32>
    %div3A_66 = arith.divf %broadcast_in_dim3A, %div3A_65 : vector<2000x1xf32>
    %sub3A = vector.broadcast %div3A_66 : vector<2000x1xf32> to vector<2000x128xf32>
    %sub3A_67 = arith.subf %add3A_63, %sub3A : vector<2000x128xf32>
    %sub3A_68 = vector.broadcast %div3A_66 : vector<2000x1xf32> to vector<2000x128xf32>
    %sub3A_69 = arith.subf %add3A_63, %sub3A_68 : vector<2000x128xf32>
    %mul3A_70 = arith.mulf %sub3A_67, %sub3A_69 : vector<2000x128xf32>
    %reduce_sum3A_71 = arith.constant dense<0.000000e+00> : vector<2000xf32>
    %reduce_sum3A_72 = vector.multi_reduction <add>, %mul3A_70, %reduce_sum3A_71 [1] : vector<2000x128xf32> to vector<2000xf32>
    %broadcast_in_dim3A_73 = vector.shape_cast %reduce_sum3A_72 : vector<2000xf32> to vector<2000x1xf32>
    %div3A_74 = arith.constant 1.280000e+02 : f32
    %div3A_75 = vector.broadcast %div3A_74 : f32 to vector<2000x1xf32>
    %div3A_76 = arith.divf %broadcast_in_dim3A_73, %div3A_75 : vector<2000x1xf32>
    %sub3A_77 = vector.broadcast %div3A_66 : vector<2000x1xf32> to vector<2000x128xf32>
    %sub3A_78 = arith.subf %add3A_63, %sub3A_77 : vector<2000x128xf32>
    %add3A_79 = arith.constant 9.99999974E-6 : f32
    %add3A_80 = vector.broadcast %add3A_79 : f32 to vector<2000x1xf32>
    %add3A_81 = arith.addf %div3A_76, %add3A_80 : vector<2000x1xf32>
    %rsqrt3A = math.rsqrt %add3A_81 : vector<2000x1xf32>
    %mul3A_82 = vector.broadcast %rsqrt3A : vector<2000x1xf32> to vector<2000x128xf32>
    %mul3A_83 = arith.mulf %sub3A_78, %mul3A_82 : vector<2000x128xf32>
    %get3A_84 = arith.constant 0 : index
    %get3A_85 = arith.constant 0 : index
    %get3A_86 = vector.load %arg13[%get3A_84, %get3A_85] : memref<1x128xf32, #tpu.memory_space<vmem>>, vector<1x128xf32>
    %mul3A_87 = vector.broadcast %get3A_86 : vector<1x128xf32> to vector<2000x128xf32>
    %mul3A_88 = arith.mulf %mul3A_83, %mul3A_87 : vector<2000x128xf32>
    %get3A_89 = arith.constant 0 : index
    %get3A_90 = arith.constant 0 : index
    %get3A_91 = vector.load %arg14[%get3A_89, %get3A_90] : memref<1x128xf32, #tpu.memory_space<vmem>>, vector<1x128xf32>
    %add3A_92 = vector.broadcast %get3A_91 : vector<1x128xf32> to vector<2000x128xf32>
    %add3A_93 = arith.addf %mul3A_88, %add3A_92 : vector<2000x128xf32>
    %max3A_94 = arith.constant 0.000000e+00 : f32
    %max3A_95 = vector.broadcast %max3A_94 : f32 to vector<2000x128xf32>
    %max3A_96 = arith.maximumf %add3A_93, %max3A_95 : vector<2000x128xf32>
    %swap3A_97 = arith.constant 0 : index
    %swap3A_98 = arith.constant 0 : index
    %swap3A_99 = vector.load %arg17[%swap3A_97, %swap3A_98] : memref<2000x128xf32, #tpu.memory_space<vmem>>, vector<2000x128xf32>
    tpu.vector_store %arg17[%swap3A_97, %swap3A_98], %max3A_96 {strides = array<i32>} : memref<2000x128xf32, #tpu.memory_space<vmem>>, vector<2000x128xf32>,
    return
  }
  func.func @transform_0(%arg0: i32) -> (i32, i32) {
    %c0_i32 = arith.constant 0 : i32
    %c0_i32_0 = arith.constant 0 : i32
    return %arg0, %c0_i32 : i32, i32
  }
  func.func @transform_1(%arg0: i32) -> (i32, i32) {
    %c0_i32 = arith.constant 0 : i32
    %c0_i32_0 = arith.constant 0 : i32
    return %arg0, %c0_i32 : i32, i32
  }
  func.func @transform_2(%arg0: i32) -> (i32, i32) {
    %c0_i32 = arith.constant 0 : i32
    %c0_i32_0 = arith.constant 0 : i32
    return %arg0, %c0_i32 : i32, i32
  }
  func.func @transform_3(%arg0: i32) -> (i32, i32) {
    %c0_i32 = arith.constant 0 : i32
    %c0_i32_0 = arith.constant 0 : i32
    return %arg0, %c0_i32 : i32, i32
  }
  func.func @transform_4(%arg0: i32) -> (i32, i32) {
    %c0_i32 = arith.constant 0 : i32
    %c0_i32_0 = arith.constant 0 : i32
    %c0_i32_1 = arith.constant 0 : i32
    return %c0_i32, %c0_i32_0 : i32, i32
  }
  func.func @transform_5(%arg0: i32) -> (i32, i32) {
    %c0_i32 = arith.constant 0 : i32
    %c0_i32_0 = arith.constant 0 : i32
    %c0_i32_1 = arith.constant 0 : i32
    return %c0_i32, %c0_i32_0 : i32, i32
  }
  func.func @transform_6(%arg0: i32) -> (i32, i32) {
    %c0_i32 = arith.constant 0 : i32
    %c0_i32_0 = arith.constant 0 : i32
    %c0_i32_1 = arith.constant 0 : i32
    return %c0_i32, %c0_i32_0 : i32, i32
  }
  func.func @transform_7(%arg0: i32) -> (i32, i32) {
    %c0_i32 = arith.constant 0 : i32
    %c0_i32_0 = arith.constant 0 : i32
    %c0_i32_1 = arith.constant 0 : i32
    return %c0_i32, %c0_i32_0 : i32, i32
  }
  func.func @transform_8(%arg0: i32) -> (i32, i32) {
    %c0_i32 = arith.constant 0 : i32
    %c0_i32_0 = arith.constant 0 : i32
    %c0_i32_1 = arith.constant 0 : i32
    return %c0_i32, %c0_i32_0 : i32, i32
  }
  func.func @transform_9(%arg0: i32) -> (i32, i32) {
    %c0_i32 = arith.constant 0 : i32
    %c0_i32_0 = arith.constant 0 : i32
    %c0_i32_1 = arith.constant 0 : i32
    return %c0_i32, %c0_i32_0 : i32, i32
  }
  func.func @transform_10(%arg0: i32) -> (i32, i32) {
    %c0_i32 = arith.constant 0 : i32
    %c0_i32_0 = arith.constant 0 : i32
    %c0_i32_1 = arith.constant 0 : i32
    return %c0_i32, %c0_i32_0 : i32, i32
  }
  func.func @transform_11(%arg0: i32) -> (i32, i32) {
    %c0_i32 = arith.constant 0 : i32
    %c0_i32_0 = arith.constant 0 : i32
    %c0_i32_1 = arith.constant 0 : i32
    return %c0_i32, %c0_i32_0 : i32, i32
  }
  func.func @transform_12(%arg0: i32) -> (i32, i32) {
    %c0_i32 = arith.constant 0 : i32
    %c0_i32_0 = arith.constant 0 : i32
    %c0_i32_1 = arith.constant 0 : i32
    return %c0_i32, %c0_i32_0 : i32, i32
  }
  func.func @transform_13(%arg0: i32) -> (i32, i32) {
    %c0_i32 = arith.constant 0 : i32
    %c0_i32_0 = arith.constant 0 : i32
    %c0_i32_1 = arith.constant 0 : i32
    return %c0_i32, %c0_i32_0 : i32, i32
  }
  func.func @transform_14(%arg0: i32) -> (i32, i32) {
    %c0_i32 = arith.constant 0 : i32
    %c0_i32_0 = arith.constant 0 : i32
    return %arg0, %c0_i32 : i32, i32
  }
  func.func @transform_15(%arg0: i32) -> (i32, i32) {
    %c0_i32 = arith.constant 0 : i32
    %c0_i32_0 = arith.constant 0 : i32
    return %arg0, %c0_i32 : i32, i32
  }
  func.func @transform_16(%arg0: i32) -> (i32, i32) {
    %c0_i32 = arith.constant 0 : i32
    %c0_i32_0 = arith.constant 0 : i32
    return %arg0, %c0_i32 : i32, i32
  }
}

module attributes {stable_mosaic.version = 14 : i64} {
  func.func @_node_body(%arg0: i32, %arg1: memref<2000x8xf32, #tpu.memory_space<vmem>>, %arg2: memref<2000x8xf32, #tpu.memory_space<vmem>>, %arg3: memref<2000x128xf32, #tpu.memory_space<vmem>>, %arg4: memref<2000x128xf32, #tpu.memory_space<vmem>>, %arg5: memref<2000x1xf32, #tpu.memory_space<vmem>>, %arg6: memref<8x128xf32, #tpu.memory_space<vmem>>, %arg7: memref<1x128xf32, #tpu.memory_space<vmem>>, %arg8: memref<1x128xf32, #tpu.memory_space<vmem>>, %arg9: memref<128x128xf32, #tpu.memory_space<vmem>>, %arg10: memref<1x128xf32, #tpu.memory_space<vmem>>, %arg11: memref<1x128xf32, #tpu.memory_space<vmem>>, %arg12: memref<1x128xf32, #tpu.memory_space<vmem>>, %arg13: memref<128x256xf32, #tpu.memory_space<vmem>>, %arg14: memref<1x256xf32, #tpu.memory_space<vmem>>, %arg15: memref<256x128xf32, #tpu.memory_space<vmem>>, %arg16: memref<1x128xf32, #tpu.memory_space<vmem>>, %arg17: memref<1x128xf32, #tpu.memory_space<vmem>>, %arg18: memref<1x128xf32, #tpu.memory_space<vmem>>, %arg19: memref<2000x128xf32, #tpu.memory_space<vmem>>) attributes {dimension_semantics = [#tpu.dimension_semantics<arbitrary>], iteration_bounds = array<i64: 5>, scalar_prefetch = 0 : i64, scratch_operands = 0 : i64, tpu.core_type = #tpu.core_type<tc>, window_params = [{transform_indices = @transform_0, window_bounds = array<i64: 2000, 8>}, {transform_indices = @transform_1, window_bounds = array<i64: 2000, 8>}, {transform_indices = @transform_2, window_bounds = array<i64: 2000, 128>}, {transform_indices = @transform_3, window_bounds = array<i64: 2000, 128>}, {transform_indices = @transform_4, window_bounds = array<i64: 2000, 1>}, {pipeline_mode = #tpu.pipeline_mode<synchronous>, transform_indices = @transform_5, window_bounds = array<i64: 8, 128>}, {pipeline_mode = #tpu.pipeline_mode<synchronous>, transform_indices = @transform_6, window_bounds = array<i64: 1, 128>}, {pipeline_mode = #tpu.pipeline_mode<synchronous>, transform_indices = @transform_7, window_bounds = array<i64: 1, 128>}, {pipeline_mode = #tpu.pipeline_mode<synchronous>, transform_indices = @transform_8, window_bounds = array<i64: 128, 128>}, {pipeline_mode = #tpu.pipeline_mode<synchronous>, transform_indices = @transform_9, window_bounds = array<i64: 1, 128>}, {pipeline_mode = #tpu.pipeline_mode<synchronous>, transform_indices = @transform_10, window_bounds = array<i64: 1, 128>}, {pipeline_mode = #tpu.pipeline_mode<synchronous>, transform_indices = @transform_11, window_bounds = array<i64: 1, 128>}, {pipeline_mode = #tpu.pipeline_mode<synchronous>, transform_indices = @transform_12, window_bounds = array<i64: 128, 256>}, {pipeline_mode = #tpu.pipeline_mode<synchronous>, transform_indices = @transform_13, window_bounds = array<i64: 1, 256>}, {pipeline_mode = #tpu.pipeline_mode<synchronous>, transform_indices = @transform_14, window_bounds = array<i64: 256, 128>}, {pipeline_mode = #tpu.pipeline_mode<synchronous>, transform_indices = @transform_15, window_bounds = array<i64: 1, 128>}, {pipeline_mode = #tpu.pipeline_mode<synchronous>, transform_indices = @transform_16, window_bounds = array<i64: 1, 128>}, {pipeline_mode = #tpu.pipeline_mode<synchronous>, transform_indices = @transform_17, window_bounds = array<i64: 1, 128>}, {transform_indices = @transform_18, window_bounds = array<i64: 2000, 128>}]} {
    %get3A = arith.constant 0 : index
    %get3A_0 = arith.constant 0 : index
    %get3A_1 = vector.load %arg1[%get3A, %get3A_0] : memref<2000x8xf32, #tpu.memory_space<vmem>>, vector<2000x8xf32>
    %get3A_2 = arith.constant 0 : index
    %get3A_3 = arith.constant 0 : index
    %get3A_4 = vector.load %arg2[%get3A_2, %get3A_3] : memref<2000x8xf32, #tpu.memory_space<vmem>>, vector<2000x8xf32>
    %add3A = arith.addf %get3A_1, %get3A_4 : vector<2000x8xf32>
    %add3A_5 = arith.constant 1.000000e-16 : f32
    %add3A_6 = vector.broadcast %add3A_5 : f32 to vector<2000x8xf32>
    %add3A_7 = arith.addf %add3A, %add3A_6 : vector<2000x8xf32>
    %div3A = arith.constant 1.000000e+00 : f32
    %div3A_8 = vector.broadcast %div3A : f32 to vector<2000x8xf32>
    %div3A_9 = arith.divf %div3A_8, %add3A_7 : vector<2000x8xf32>
    %get3A_10 = arith.constant 0 : index
    %get3A_11 = arith.constant 0 : index
    %get3A_12 = vector.load %arg6[%get3A_10, %get3A_11] : memref<8x128xf32, #tpu.memory_space<vmem>>, vector<8x128xf32>
    %dot_general3A = arith.constant dense<0.000000e+00> : vector<2000x128xf32>
    %dot_general3A_13 = tpu.matmul %div3A_9, %get3A_12, %dot_general3A {dimension_numbers = #tpu.dot_dimension_numbers<[1], [0], [0], [1], [0, 0, 1, 1], [], []>, transpose_lhs_hint = false} : vector<2000x8xf32>, vector<8x128xf32>, vector<2000x128xf32> -> vector<2000x128xf32>
    %get3A_14 = arith.constant 0 : index
    %get3A_15 = arith.constant 0 : index
    %get3A_16 = vector.load %arg3[%get3A_14, %get3A_15] : memref<2000x128xf32, #tpu.memory_space<vmem>>, vector<2000x128xf32>
    %mul3A = arith.mulf %get3A_16, %dot_general3A_13 : vector<2000x128xf32>
    %get3A_17 = arith.constant 0 : index
    %get3A_18 = arith.constant 0 : index
    %get3A_19 = vector.load %arg7[%get3A_17, %get3A_18] : memref<1x128xf32, #tpu.memory_space<vmem>>, vector<1x128xf32>
    %mul3A_20 = vector.broadcast %get3A_19 : vector<1x128xf32> to vector<2000x128xf32>
    %mul3A_21 = arith.mulf %mul3A, %mul3A_20 : vector<2000x128xf32>
    %get3A_22 = arith.constant 0 : index
    %get3A_23 = arith.constant 0 : index
    %get3A_24 = vector.load %arg5[%get3A_22, %get3A_23] : memref<2000x1xf32, #tpu.memory_space<vmem>>, vector<2000x1xf32>
    %mul3A_25 = vector.broadcast %get3A_24 : vector<2000x1xf32> to vector<2000x128xf32>
    %mul3A_26 = arith.mulf %mul3A, %mul3A_25 : vector<2000x128xf32>
    %get3A_27 = arith.constant 0 : index
    %get3A_28 = arith.constant 0 : index
    %get3A_29 = vector.load %arg8[%get3A_27, %get3A_28] : memref<1x128xf32, #tpu.memory_space<vmem>>, vector<1x128xf32>
    %mul3A_30 = vector.broadcast %get3A_29 : vector<1x128xf32> to vector<2000x128xf32>
    %mul3A_31 = arith.mulf %mul3A_26, %mul3A_30 : vector<2000x128xf32>
    %add3A_32 = arith.addf %mul3A_21, %mul3A_31 : vector<2000x128xf32>
    %get3A_33 = arith.constant 0 : index
    %get3A_34 = arith.constant 0 : index
    %get3A_35 = vector.load %arg9[%get3A_33, %get3A_34] : memref<128x128xf32, #tpu.memory_space<vmem>>, vector<128x128xf32>
    %dot_general3A_36 = arith.constant dense<0.000000e+00> : vector<2000x128xf32>
    %dot_general3A_37 = tpu.matmul %add3A_32, %get3A_35, %dot_general3A_36 {dimension_numbers = #tpu.dot_dimension_numbers<[1], [0], [0], [1], [0, 0, 1, 1], [], []>, transpose_lhs_hint = false} : vector<2000x128xf32>, vector<128x128xf32>, vector<2000x128xf32> -> vector<2000x128xf32>
    %get3A_38 = arith.constant 0 : index
    %get3A_39 = arith.constant 0 : index
    %get3A_40 = vector.load %arg10[%get3A_38, %get3A_39] : memref<1x128xf32, #tpu.memory_space<vmem>>, vector<1x128xf32>
    %add3A_41 = vector.broadcast %get3A_40 : vector<1x128xf32> to vector<2000x128xf32>
    %add3A_42 = arith.addf %dot_general3A_37, %add3A_41 : vector<2000x128xf32>
    %get3A_43 = arith.constant 0 : index
    %get3A_44 = arith.constant 0 : index
    %get3A_45 = vector.load %arg4[%get3A_43, %get3A_44] : memref<2000x128xf32, #tpu.memory_space<vmem>>, vector<2000x128xf32>
    %add3A_46 = arith.addf %add3A_42, %get3A_45 : vector<2000x128xf32>
    %reduce_sum3A = arith.constant dense<0.000000e+00> : vector<2000xf32>
    %reduce_sum3A_47 = vector.multi_reduction <add>, %add3A_46, %reduce_sum3A [1] : vector<2000x128xf32> to vector<2000xf32>
    %broadcast_in_dim3A = vector.shape_cast %reduce_sum3A_47 : vector<2000xf32> to vector<2000x1xf32>
    %div3A_48 = arith.constant 1.280000e+02 : f32
    %div3A_49 = vector.broadcast %div3A_48 : f32 to vector<2000x1xf32>
    %div3A_50 = arith.divf %broadcast_in_dim3A, %div3A_49 : vector<2000x1xf32>
    %sub3A = vector.broadcast %div3A_50 : vector<2000x1xf32> to vector<2000x128xf32>
    %sub3A_51 = arith.subf %add3A_46, %sub3A : vector<2000x128xf32>
    %sub3A_52 = vector.broadcast %div3A_50 : vector<2000x1xf32> to vector<2000x128xf32>
    %sub3A_53 = arith.subf %add3A_46, %sub3A_52 : vector<2000x128xf32>
    %mul3A_54 = arith.mulf %sub3A_51, %sub3A_53 : vector<2000x128xf32>
    %reduce_sum3A_55 = arith.constant dense<0.000000e+00> : vector<2000xf32>
    %reduce_sum3A_56 = vector.multi_reduction <add>, %mul3A_54, %reduce_sum3A_55 [1] : vector<2000x128xf32> to vector<2000xf32>
    %broadcast_in_dim3A_57 = vector.shape_cast %reduce_sum3A_56 : vector<2000xf32> to vector<2000x1xf32>
    %div3A_58 = arith.constant 1.280000e+02 : f32
    %div3A_59 = vector.broadcast %div3A_58 : f32 to vector<2000x1xf32>
    %div3A_60 = arith.divf %broadcast_in_dim3A_57, %div3A_59 : vector<2000x1xf32>
    %sub3A_61 = vector.broadcast %div3A_50 : vector<2000x1xf32> to vector<2000x128xf32>
    %sub3A_62 = arith.subf %add3A_46, %sub3A_61 : vector<2000x128xf32>
    %add3A_63 = arith.constant 9.99999974E-6 : f32
    %add3A_64 = vector.broadcast %add3A_63 : f32 to vector<2000x1xf32>
    %add3A_65 = arith.addf %div3A_60, %add3A_64 : vector<2000x1xf32>
    %rsqrt3A = math.rsqrt %add3A_65 : vector<2000x1xf32>
    %mul3A_66 = vector.broadcast %rsqrt3A : vector<2000x1xf32> to vector<2000x128xf32>
    %mul3A_67 = arith.mulf %sub3A_62, %mul3A_66 : vector<2000x128xf32>
    %get3A_68 = arith.constant 0 : index
    %get3A_69 = arith.constant 0 : index
    %get3A_70 = vector.load %arg11[%get3A_68, %get3A_69] : memref<1x128xf32, #tpu.memory_space<vmem>>, vector<1x128xf32>
    %mul3A_71 = vector.broadcast %get3A_70 : vector<1x128xf32> to vector<2000x128xf32>
    %mul3A_72 = arith.mulf %mul3A_67, %mul3A_71 : vector<2000x128xf32>
    %get3A_73 = arith.constant 0 : index
    %get3A_74 = arith.constant 0 : index
    %get3A_75 = vector.load %arg12[%get3A_73, %get3A_74] : memref<1x128xf32, #tpu.memory_space<vmem>>, vector<1x128xf32>
    %add3A_76 = vector.broadcast %get3A_75 : vector<1x128xf32> to vector<2000x128xf32>
    %add3A_77 = arith.addf %mul3A_72, %add3A_76 : vector<2000x128xf32>
    %get3A_78 = arith.constant 0 : index
    %get3A_79 = arith.constant 0 : index
    %get3A_80 = vector.load %arg13[%get3A_78, %get3A_79] : memref<128x256xf32, #tpu.memory_space<vmem>>, vector<128x256xf32>
    %dot_general3A_81 = arith.constant dense<0.000000e+00> : vector<2000x256xf32>
    %dot_general3A_82 = tpu.matmul %add3A_77, %get3A_80, %dot_general3A_81 {dimension_numbers = #tpu.dot_dimension_numbers<[1], [0], [0], [1], [0, 0, 1, 1], [], []>, transpose_lhs_hint = false} : vector<2000x128xf32>, vector<128x256xf32>, vector<2000x256xf32> -> vector<2000x256xf32>
    %get3A_83 = arith.constant 0 : index
    %get3A_84 = arith.constant 0 : index
    %get3A_85 = vector.load %arg14[%get3A_83, %get3A_84] : memref<1x256xf32, #tpu.memory_space<vmem>>, vector<1x256xf32>
    %add3A_86 = vector.broadcast %get3A_85 : vector<1x256xf32> to vector<2000x256xf32>
    %add3A_87 = arith.addf %dot_general3A_82, %add3A_86 : vector<2000x256xf32>
    %max3A = arith.constant 0.000000e+00 : f32
    %max3A_88 = vector.broadcast %max3A : f32 to vector<2000x256xf32>
    %max3A_89 = arith.maximumf %add3A_87, %max3A_88 : vector<2000x256xf32>
    %get3A_90 = arith.constant 0 : index
    %get3A_91 = arith.constant 0 : index
    %get3A_92 = vector.load %arg15[%get3A_90, %get3A_91] : memref<256x128xf32, #tpu.memory_space<vmem>>, vector<256x128xf32>
    %dot_general3A_93 = arith.constant dense<0.000000e+00> : vector<2000x128xf32>
    %dot_general3A_94 = tpu.matmul %max3A_89, %get3A_92, %dot_general3A_93 {dimension_numbers = #tpu.dot_dimension_numbers<[1], [0], [0], [1], [0, 0, 1, 1], [], []>, transpose_lhs_hint = false} : vector<2000x256xf32>, vector<256x128xf32>, vector<2000x128xf32> -> vector<2000x128xf32>
    %get3A_95 = arith.constant 0 : index
    %get3A_96 = arith.constant 0 : index
    %get3A_97 = vector.load %arg16[%get3A_95, %get3A_96] : memref<1x128xf32, #tpu.memory_space<vmem>>, vector<1x128xf32>
    %add3A_98 = vector.broadcast %get3A_97 : vector<1x128xf32> to vector<2000x128xf32>
    %add3A_99 = arith.addf %dot_general3A_94, %add3A_98 : vector<2000x128xf32>
    %add3A_100 = arith.addf %add3A_77, %add3A_99 : vector<2000x128xf32>
    %reduce_sum3A_101 = arith.constant dense<0.000000e+00> : vector<2000xf32>
    %reduce_sum3A_102 = vector.multi_reduction <add>, %add3A_100, %reduce_sum3A_101 [1] : vector<2000x128xf32> to vector<2000xf32>
    %broadcast_in_dim3A_103 = vector.shape_cast %reduce_sum3A_102 : vector<2000xf32> to vector<2000x1xf32>
    %div3A_104 = arith.constant 1.280000e+02 : f32
    %div3A_105 = vector.broadcast %div3A_104 : f32 to vector<2000x1xf32>
    %div3A_106 = arith.divf %broadcast_in_dim3A_103, %div3A_105 : vector<2000x1xf32>
    %sub3A_107 = vector.broadcast %div3A_106 : vector<2000x1xf32> to vector<2000x128xf32>
    %sub3A_108 = arith.subf %add3A_100, %sub3A_107 : vector<2000x128xf32>
    %sub3A_109 = vector.broadcast %div3A_106 : vector<2000x1xf32> to vector<2000x128xf32>
    %sub3A_110 = arith.subf %add3A_100, %sub3A_109 : vector<2000x128xf32>
    %mul3A_111 = arith.mulf %sub3A_108, %sub3A_110 : vector<2000x128xf32>
    %reduce_sum3A_112 = arith.constant dense<0.000000e+00> : vector<2000xf32>
    %reduce_sum3A_113 = vector.multi_reduction <add>, %mul3A_111, %reduce_sum3A_112 [1] : vector<2000x128xf32> to vector<2000xf32>
    %broadcast_in_dim3A_114 = vector.shape_cast %reduce_sum3A_113 : vector<2000xf32> to vector<2000x1xf32>
    %div3A_115 = arith.constant 1.280000e+02 : f32
    %div3A_116 = vector.broadcast %div3A_115 : f32 to vector<2000x1xf32>
    %div3A_117 = arith.divf %broadcast_in_dim3A_114, %div3A_116 : vector<2000x1xf32>
    %sub3A_118 = vector.broadcast %div3A_106 : vector<2000x1xf32> to vector<2000x128xf32>
    %sub3A_119 = arith.subf %add3A_100, %sub3A_118 : vector<2000x128xf32>
    %add3A_120 = arith.constant 9.99999974E-6 : f32
    %add3A_121 = vector.broadcast %add3A_120 : f32 to vector<2000x1xf32>
    %add3A_122 = arith.addf %div3A_117, %add3A_121 : vector<2000x1xf32>
    %rsqrt3A_123 = math.rsqrt %add3A_122 : vector<2000x1xf32>
    %mul3A_124 = vector.broadcast %rsqrt3A_123 : vector<2000x1xf32> to vector<2000x128xf32>
    %mul3A_125 = arith.mulf %sub3A_119, %mul3A_124 : vector<2000x128xf32>
    %get3A_126 = arith.constant 0 : index
    %get3A_127 = arith.constant 0 : index
    %get3A_128 = vector.load %arg17[%get3A_126, %get3A_127] : memref<1x128xf32, #tpu.memory_space<vmem>>, vector<1x128xf32>
    %mul3A_129 = vector.broadcast %get3A_128 : vector<1x128xf32> to vector<2000x128xf32>
    %mul3A_130 = arith.mulf %mul3A_125, %mul3A_129 : vector<2000x128xf32>
    %get3A_131 = arith.constant 0 : index
    %get3A_132 = arith.constant 0 : index
    %get3A_133 = vector.load %arg18[%get3A_131, %get3A_132] : memref<1x128xf32, #tpu.memory_space<vmem>>, vector<1x128xf32>
    %add3A_134 = vector.broadcast %get3A_133 : vector<1x128xf32> to vector<2000x128xf32>
    %add3A_135 = arith.addf %mul3A_130, %add3A_134 : vector<2000x128xf32>
    %max3A_136 = arith.constant 0.000000e+00 : f32
    %max3A_137 = vector.broadcast %max3A_136 : f32 to vector<2000x128xf32>
    %max3A_138 = arith.maximumf %add3A_135, %max3A_137 : vector<2000x128xf32>
    %swap3A = arith.constant 0 : index
    %swap3A_139 = arith.constant 0 : index
    %swap3A_140 = vector.load %arg19[%swap3A, %swap3A_139] : memref<2000x128xf32, #tpu.memory_space<vmem>>, vector<2000x128xf32>
    tpu.vector_store %arg19[%swap3A, %swap3A_139], %max3A_138 {strides = array<i32>} : memref<2000x128xf32, #tpu.memory_space<vmem>>, vector<2000x128xf32>,
    return
  }
  func.func @transform_0(%arg0: i32) -> (i32, i32) {
    %c0_i32 = arith.constant 0 : i32
    %c0_i32_0 = arith.constant 0 : i32
    return %arg0, %c0_i32 : i32, i32
  }
  func.func @transform_1(%arg0: i32) -> (i32, i32) {
    %c0_i32 = arith.constant 0 : i32
    %c0_i32_0 = arith.constant 0 : i32
    return %arg0, %c0_i32 : i32, i32
  }
  func.func @transform_2(%arg0: i32) -> (i32, i32) {
    %c0_i32 = arith.constant 0 : i32
    %c0_i32_0 = arith.constant 0 : i32
    return %arg0, %c0_i32 : i32, i32
  }
  func.func @transform_3(%arg0: i32) -> (i32, i32) {
    %c0_i32 = arith.constant 0 : i32
    %c0_i32_0 = arith.constant 0 : i32
    return %arg0, %c0_i32 : i32, i32
  }
  func.func @transform_4(%arg0: i32) -> (i32, i32) {
    %c0_i32 = arith.constant 0 : i32
    %c0_i32_0 = arith.constant 0 : i32
    return %arg0, %c0_i32 : i32, i32
  }
  func.func @transform_5(%arg0: i32) -> (i32, i32) {
    %c0_i32 = arith.constant 0 : i32
    %c0_i32_0 = arith.constant 0 : i32
    %c0_i32_1 = arith.constant 0 : i32
    return %c0_i32, %c0_i32_0 : i32, i32
  }
  func.func @transform_6(%arg0: i32) -> (i32, i32) {
    %c0_i32 = arith.constant 0 : i32
    %c0_i32_0 = arith.constant 0 : i32
    %c0_i32_1 = arith.constant 0 : i32
    return %c0_i32, %c0_i32_0 : i32, i32
  }
  func.func @transform_7(%arg0: i32) -> (i32, i32) {
    %c0_i32 = arith.constant 0 : i32
    %c0_i32_0 = arith.constant 0 : i32
    %c0_i32_1 = arith.constant 0 : i32
    return %c0_i32, %c0_i32_0 : i32, i32
  }
  func.func @transform_8(%arg0: i32) -> (i32, i32) {
    %c0_i32 = arith.constant 0 : i32
    %c0_i32_0 = arith.constant 0 : i32
    %c0_i32_1 = arith.constant 0 : i32
    return %c0_i32, %c0_i32_0 : i32, i32
  }
  func.func @transform_9(%arg0: i32) -> (i32, i32) {
    %c0_i32 = arith.constant 0 : i32
    %c0_i32_0 = arith.constant 0 : i32
    %c0_i32_1 = arith.constant 0 : i32
    return %c0_i32, %c0_i32_0 : i32, i32
  }
  func.func @transform_10(%arg0: i32) -> (i32, i32) {
    %c0_i32 = arith.constant 0 : i32
    %c0_i32_0 = arith.constant 0 : i32
    %c0_i32_1 = arith.constant 0 : i32
    return %c0_i32, %c0_i32_0 : i32, i32
  }
  func.func @transform_11(%arg0: i32) -> (i32, i32) {
    %c0_i32 = arith.constant 0 : i32
    %c0_i32_0 = arith.constant 0 : i32
    %c0_i32_1 = arith.constant 0 : i32
    return %c0_i32, %c0_i32_0 : i32, i32
  }
  func.func @transform_12(%arg0: i32) -> (i32, i32) {
    %c0_i32 = arith.constant 0 : i32
    %c0_i32_0 = arith.constant 0 : i32
    %c0_i32_1 = arith.constant 0 : i32
    return %c0_i32, %c0_i32_0 : i32, i32
  }
  func.func @transform_13(%arg0: i32) -> (i32, i32) {
    %c0_i32 = arith.constant 0 : i32
    %c0_i32_0 = arith.constant 0 : i32
    %c0_i32_1 = arith.constant 0 : i32
    return %c0_i32, %c0_i32_0 : i32, i32
  }
  func.func @transform_14(%arg0: i32) -> (i32, i32) {
    %c0_i32 = arith.constant 0 : i32
    %c0_i32_0 = arith.constant 0 : i32
    %c0_i32_1 = arith.constant 0 : i32
    return %c0_i32, %c0_i32_0 : i32, i32
  }
  func.func @transform_15(%arg0: i32) -> (i32, i32) {
    %c0_i32 = arith.constant 0 : i32
    %c0_i32_0 = arith.constant 0 : i32
    %c0_i32_1 = arith.constant 0 : i32
    return %c0_i32, %c0_i32_0 : i32, i32
  }
  func.func @transform_16(%arg0: i32) -> (i32, i32) {
    %c0_i32 = arith.constant 0 : i32
    %c0_i32_0 = arith.constant 0 : i32
    %c0_i32_1 = arith.constant 0 : i32
    return %c0_i32, %c0_i32_0 : i32, i32
  }
  func.func @transform_17(%arg0: i32) -> (i32, i32) {
    %c0_i32 = arith.constant 0 : i32
    %c0_i32_0 = arith.constant 0 : i32
    %c0_i32_1 = arith.constant 0 : i32
    return %c0_i32, %c0_i32_0 : i32, i32
  }
  func.func @transform_18(%arg0: i32) -> (i32, i32) {
    %c0_i32 = arith.constant 0 : i32
    %c0_i32_0 = arith.constant 0 : i32
    return %arg0, %c0_i32 : i32, i32
  }
}

</mosaic_0001>

<sc_bundles>
// kernel: kernel.11.cloned.1.call-start
scs
__scs_entry_jumppad:
0x0: {  	(pc) =	sbr.rel $0x88, $3  }
0x1: {  	(tag) =	ssettag $0x0;
	lr =	simm.s32 $0x1  }
0x2: {  	[smem:$0x3F86] =	sst lr;
	_ =	strace $0xD0000000  }
0x3: {  	_ = 	snop  }
0x4: {  	_ = 	snop  }
0x5: {  	_ = 	snop  }
0x6: {  	_ = 	snop  }
0x7: {  	_ = 	snop  }
__scs_overlays_trampoline_lowered:
0x8: {  	[smem:$0x3F95] =	sst s0  }
0x9: {  	[smem:$0x3F96] =	sst s1  }
0xa: {  	[smem:$0x3F97] =	sst s2  }
0xb: {  	[smem:$0x3F98] =	sst s3  }
0xc: {  	[smem:$0x3F99] =	sst s4  }
0xd: {  	[smem:$0x3F9A] =	sst s5  }
0xe: {  	[smem:$0x3F9B] =	sst s6  }
0xf: {  	[smem:$0x3F9C] =	sst s7  }
0x10: {  	[smem:$0x3F9D] =	sst s8  }
0x11: {  	[smem:$0x3F9E] =	sst s9;
	s0 =	simm.s32 @!p0 $0x0  }
0x12: {  	s1 =	sld [smem:$0x3F84];
	s0 =	simm.s32 @p0 $0x1  }
0x13: {  	[smem:$0x3F9F] =	sst s0;
	s0 =	simm.s32 @!p1 $0x0  }
0x14: {  	s2 =	sld [smem:$0x3F83];
	s0 =	simm.s32 @p1 $0x1  }
0x15: {  	[smem:$0x3FA0] =	sst s0;
	s0 =	simm.s32 @!p2 $0x0  }
0x16: {  	s3 =	sld [smem:$0x3FDB];
	s0 =	simm.s32 @p2 $0x1  }
0x17: {  	s4 =	simm.s32 $0x1BF5;
	[smem:$0x3FA2] =	sst s0  }
0x18: {  	s0 =	sld [smem:$0x3F85];
	_ =	swait.ge [sflag:s4], $0x0  }
0x19: {  	s7 =	sld [smem:$0x3F86]  }
0x1a: {  	s8 =	sadd.s32 $0xFFFFE003, lr  }
0x1b: {  	s9 =	sadd.s32 $0xFFFFFEF7, lr;
	s5 =	simm.s32 $0xFFFFFFFF;
	p2 =	slt.u32 s8, $0xFFFFF086  }
0x1c: {  	p1 =	slt.u32 s9, $0xF7A;
	s5 =	simm.s32 @!p2 $0x0  }
0x1d: {  	s5 =	simm.s32 @p1 $0x1;
	p0 =	seq.s32 s7, s2  }
0x1e: {  	s7 =	smul.u32 @!p0 $0xF7A, s2;
	p2 =	seq.s32 @!p0 s5, $0x0  }
0x1f: {  	s9 =	smul.u32 $0xF7A, s1;
	s8 =	simm.s32 @!p0 $0x1BF5;
	p2 =	por !p2, p0  }
0x20: {  	[sflag:s8] =	ssyncset.s32 @!p0 $0xFFFFF086;
	s6 =	sadd.s32 @!p0 s3, s7;
	s7 =	simm.s32 @!p0 $0x108  }
0x21: {  	s3 =	sadd.s32 s3, s9;
	s6 =	sadd.s32 @!p0 $0x88, s6;
	s7 =	simm.s32 @p2 $0x1082  }
0x22: {  	[simem:s7], [sflag:s8] =	dma.local @!p0 [hbm:s6], $0xF7A  }
0x23: {  	s9 =	sor.u32 $0xD0000000, s2;
	s6 =	simm.s32 $0x108;
	_ =	swait.ge @!p0 [sflag:s8], $0x0  }
0x24: {  	s3 =	sadd.s32 $0x88, s3;
	s6 =	simm.s32 @!p1 $0x1082;
	[sflag:s4] =	ssyncset.s32 $0xFFFFF086  }
0x25: {  	[simem:s6], [sflag:s4] =	dma.local [hbm:s3], $0xF7A  }
0x26: {  	[smem:$0x3F86] =	sst s1;
	(tag) =	ssettag s2;
	_ =	strace s9  }
0x27: {  	s1 =	sld [smem:$0x3F96]  }
0x28: {  	s2 =	sld [smem:$0x3F97]  }
0x29: {  	s4 =	sld [smem:$0x3F99]  }
0x2a: {  	p0 =	seq.s32 s5, $0x0;
	s5 =	sld [smem:$0x3F9A]  }
0x2b: {  	s6 =	sld [smem:$0x3F9B]  }
0x2c: {  	s7 =	sld [smem:$0x3F9C]  }
0x2d: {  	s3 =	simm.s32 $0x108;
	s8 =	sld [smem:$0x3F9D]  }
0x2e: {  	s3 =	simm.s32 @!p0 $0x1082;
	s9 =	sld [smem:$0x3F9E]  }
0x2f: {  	lr =	sadd.s32 s0, s3;
	s0 =	sld [smem:$0x3F95]  }
0x30: {  	s3 =	sld [smem:$0x3F98]  }
0x31: {  	[smem:$0x3FA1] =	sst s10  }
0x32: {  	s10 =	sld [smem:$0x3F9F];
	_ =	sdelay $0x3  }
0x33: {  	p0 =	seq.s32 s10, $0x1;
	s10 =	sld [smem:$0x3FA1];
	_ =	sdelay $0x3  }
0x34: {  	[smem:$0x3FA1] =	sst s10  }
0x35: {  	s10 =	sld [smem:$0x3FA0];
	_ =	sdelay $0x3  }
0x36: {  	p1 =	seq.s32 s10, $0x1;
	s10 =	sld [smem:$0x3FA1];
	_ =	sdelay $0x3  }
0x37: {  	[smem:$0x3FA1] =	sst s10  }
0x38: {  	s10 =	sld [smem:$0x3FA2]  }
0x39: {  	_ = 	snop;
	(pc) =	sbr.ind lr, $3  }
0x3a: {  	_ = 	snop  }
0x3b: {  	_ = 	snop  }
0x3c: {  	p2 =	seq.s32 s10, $0x1;
	s10 =	sld [smem:$0x3FA1]  }
0x3d: {  	_ =	shalt  }
0x3e: {  	_ =	shalt  }
0x3f: {  	_ =	shalt  }
0x40: {  	_ =	shalt  }
0x41: {  	_ =	shalt  }
0x42: {  	_ =	shalt  }
0x43: {  	_ =	shalt  }
0x44: {  	_ =	shalt  }
0x45: {  	_ =	shalt  }
0x46: {  	_ =	shalt  }
0x47: {  	_ =	shalt  }
0x48: {  	_ =	shalt  }
0x49: {  	_ =	shalt  }
0x4a: {  	_ =	shalt  }
0x4b: {  	_ =	shalt  }
0x4c: {  	_ =	shalt  }
0x4d: {  	_ =	shalt  }
0x4e: {  	_ =	shalt  }
0x4f: {  	_ =	shalt  }
0x50: {  	_ =	shalt  }
0x51: {  	_ =	shalt  }
0x52: {  	_ =	shalt  }
0x53: {  	_ =	shalt  }
0x54: {  	_ =	shalt  }
0x55: {  	_ =	shalt  }
0x56: {  	_ =	shalt  }
0x57: {  	_ =	shalt  }
0x58: {  	_ =	shalt  }
0x59: {  	_ =	shalt  }
0x5a: {  	_ =	shalt  }
0x5b: {  	_ =	shalt  }
0x5c: {  	_ =	shalt  }
0x5d: {  	_ =	shalt  }
0x5e: {  	_ =	shalt  }
0x5f: {  	_ =	shalt  }
0x60: {  	_ =	shalt  }
0x61: {  	_ =	shalt  }
0x62: {  	_ =	shalt  }
0x63: {  	_ =	shalt  }
0x64: {  	_ =	shalt  }
0x65: {  	_ =	shalt  }
0x66: {  	_ =	shalt  }
0x67: {  	_ =	shalt  }
0x68: {  	_ =	shalt  }
0x69: {  	_ =	shalt  }
0x6a: {  	_ =	shalt  }
0x6b: {  	_ =	shalt  }
0x6c: {  	_ =	shalt  }
0x6d: {  	_ =	shalt  }
0x6e: {  	_ =	shalt  }
0x6f: {  	_ =	shalt  }
0x70: {  	_ =	shalt  }
0x71: {  	_ =	shalt  }
0x72: {  	_ =	shalt  }
0x73: {  	_ =	shalt  }
0x74: {  	_ =	shalt  }
0x75: {  	_ =	shalt  }
0x76: {  	_ =	shalt  }
0x77: {  	_ =	shalt  }
0x78: {  	_ =	shalt  }
0x79: {  	_ =	shalt  }
0x7a: {  	_ =	shalt  }
0x7b: {  	_ =	shalt  }
0x7c: {  	_ =	shalt  }
0x7d: {  	_ =	shalt  }
0x7e: {  	_ =	shalt  }
0x7f: {  	_ =	shalt  }
0x80: {  	_ =	shalt  }
0x81: {  	_ =	shalt  }
0x82: {  	_ =	shalt  }
0x83: {  	_ =	shalt  }
0x84: {  	_ =	shalt  }
0x85: {  	_ =	shalt  }
0x86: {  	_ =	shalt  }
0x87: {  	_ =	shalt  }
.Lfunc_end0:
.L_simem_size_0:
called_computation.1_lowered:
.L_overlay_start_0:
0x88: {  	s2 =	sld [smem:$0x3FD9]  }
0x89: {  	s3 =	sld [smem:$0x3FFE];
	_ =	sdelay $0x1  }
0x8a: {  	s1 =	srdreg.scid  }
0x8b: {  	s0 =	sand.u32 $0x1, s1  }
0x8c: {  	s15 =	sshll.u32 s0, $0xA;
	s2 =	sadd.s32 s3, s2  }
0x8d: {  	s2 =	sadd.s32 s2, s15  }
0x8e: {  	[smem:$0x3FAD] =	sst s2  }
0x8f: {  	_ = 	snop  }
0x90: {  	s2 =	sld [smem:$0x3FD0];
	_ =	sdelay $0x2  }
0x91: {  	s16 =	simm.s32 $0xB;
	s4 =	simm.s32 $0x10  }
0x92: {  	[smem:s4], [sflag:s16] =	dma.local [hbm:s2], $0x1  }
0x93: {  	_ =	swait.eq [sflag:s16], $0x1  }
0x94: {  	[sflag:s16] =	ssyncset.done $0x0  }
0x95: {  	[sflag:s16] =	ssyncadd.s32 $0xFFFFFFFF  }
0x96: {  	s17 =	sld [smem:$0x10];
	(tm) =	ssettm $0x1  }
0x97: {  	s18 =	sld [smem:$0x3FFB];
	_ =	sdelay $0x3  }
0x98: {  	_ =	strace s18  }
0x99: {  	s2 =	sld [smem:$0x3FFC];
	_ =	sdelay $0x3  }
0x9a: {  	_ =	strace s2  }
0x9b: {  	s2 =	sld [smem:$0x3FFD];
	_ =	sdelay $0x3  }
0x9c: {  	_ =	strace s2  }
0x9d: {  	_ =	strace $0x8FFFFFFF  }
0x9e: {  	s19 =	sld [smem:$0x3FDB];
	_ =	sdelay $0x1  }
0x9f: {  	s20 =	simm.s32 $_scs_section_size  }
0xa0: {  	s5 =	simm.s32 $_size__tile_overlayer_lowered;
	s6 =	simm.s32 $_tile_overlayer_lowered  }
0xa1: {  	s7 =	simm.s32 $0x1BFF;
	s21 =	sshll.u32 s6, $0x1;
	s4 =	sadd.s32 s20, s19  }
0xa2: {  	s22 =	simm.s32 $0x0;
	s5 =	sshll.u32 s5, $0x1;
	s6 =	sadd.s32 s21, s4  }
0xa3: {  	[timem:s22], [sflag:s7] =	dma.local [hbm:s6], s5  }
0xa4: {  	_ =	swait.ge [sflag:s7], s5  }
0xa5: {  	s5 =	ssub.s32 $0x0, s5;
	[sflag:s7] =	ssyncset.done $0x0  }
0xa6: {  	[sflag:s7] =	ssyncadd.s32 s5;
	_ =	sdelay $0x1  }
0xa7: {  	s23 =	simm.s32 $0x1B8B  }
0xa8: {  	_ =	swait.ge [sflag:s23], $0x1  }
0xa9: {  	[sflag:s23] =	ssyncset.done $0x0  }
0xaa: {  	[sflag:s23] =	ssyncadd.s32 $0xFFFFFFFF  }
0xab: {  	s5 =	sld [smem:$0x0]  }
0xac: {  	s6 =	sand.u32 $0xFFFFFFFE, s1  }
0xad: {  	p0 =	sne.s32 s1, s6  }
0xae: {  	s6 =	sshll.u32 @p0 s6, $0xE  }
0xaf: {  	s6 =	sadd.s32 @p0 $0x11B8D, s6;
	s7 =	sshll.u32 @p0 s5, $0x11  }
0xb0: {  	s6 =	sor.u32 @p0 s7, s6  }
0xb1: {  	[sflag:s6] =	ssyncadd.remote.s32 @p0 $0x1;
	_ =	sdelay $0x1  }
0xb2: {  	s6 =	simm.s32 @p0 $0x1B8D  }
0xb3: {  	_ =	swait.eq @p0 [sflag:s6], $0x1  }
0xb4: {  	[sflag:s6] =	ssyncadd.s32 @p0 $0xFFFFFFFF  }
0xb5: {  	s7 =	sshll.u32 @!p0 s1, $0xE  }
0xb6: {  	s7 =	sor.u32 @!p0 $0x4000, s7;
	s6 =	simm.s32 @!p0 $0x1B8D  }
0xb7: {  	s5 =	sshll.u32 @!p0 s5, $0x11;
	s7 =	sadd.s32 @!p0 $0x11B8D, s7;
	_ =	swait.eq @!p0 [sflag:s6], $0x1  }
0xb8: {  	s5 =	sor.u32 @!p0 s5, s7;
	[sflag:s6] =	ssyncadd.s32 @!p0 $0xFFFFFFFF  }
0xb9: {  	s25 =	simm.s32 $0x1B8E;
	s24 =	sld [smem:$0x3FFE];
	[sflag:s5] =	ssyncadd.remote.s32 @!p0 $0x1  }
0xba: {  	s26 =	simm.s32 $execute0_lowered;
	[smem:$0x3FD2] =	sst s25  }
0xbb: {  	s6 =	sshll.u32 s26, $0x1;
	_ =	strace $0x8000004C;
	[dreg:$0x1] =	wrdreg $0xFFFFFFFF  }
0xbc: {  	s28 =	simm.s32 $_size_execute0_lowered;
	s4 =	sadd.s32 s4, s6;
	[dreg:$0x0] =	wrdreg $0x0  }
0xbd: {  	s6 =	sshll.u32 s28, $0x1;
	[dreg:$0x2] =	wrdreg s4  }
0xbe: {  	[dreg:$0x3] =	wrdreg s6  }
0xbf: {  	[dreg:$0x4] =	wrdreg $0xC0  }
0xc0: {  	_ =	task [dreg:s22], $0x5FFFF  }
0xc1: {  	[dreg:$0x1] =	wrdreg $0xFFFFFFFF  }
0xc2: {  	[dreg:$0x0] =	wrdreg $0x60  }
0xc3: {  	[dreg:$0x2] =	wrdreg s24  }
0xc4: {  	[dreg:$0x3] =	wrdreg s17  }
0xc5: {  	[dreg:$0x4] =	wrdreg $0x150000  }
0xc6: {  	[dreg:$0x5] =	wrdreg $0x9  }
0xc7: {  	_ =	task.clear_ibuf [dreg:s22], $0x6FFFF;
	_ =	strace $0x9000004C  }
0xc8: {  	s29 =	simm.s32 $0x9;
	_ =	strace $0x8000004E  }
0xc9: {  	_ =	swait.ge [sflag:s29], $0x1  }
0xca: {  	[sflag:s29] =	ssyncadd.s32 $0xFFFFFFFF  }
0xcb: {  	_ =	strace $0x9000004E  }
0xcc: {  	_ =	sfence  }
0xcd: {  	s30 =	sld [smem:$0x0];
	_ =	sdelay $0x2  }
0xce: {  	s31 =	sshll.u32 s1, $0xD;
	s1 =	sshrl.u32 s1, $0x2  }
0xcf: {  	s4 =	sand.u32 $0x4000, s31;
	s1 =	sadd.s32 s1, s30  }
0xd0: {  	s0 =	sor.u32 s4, s0;
	s1 =	sshll.u32 s1, $0x11  }
0xd1: {  	s0 =	sor.u32 s1, s0  }
0xd2: {  	s0 =	sadd.s32 $0x8F2B, s0  }
0xd3: {  	[sflag:s0] =	ssyncadd.remote.s32 $0x1  }
0xd4: {  	_ =	sfence.sel $0xFFFF  }
0xd5: {  	[dreg:$0x0] =	wrdreg $0xFFFFFFFF;
	(pc) =	sbr.abs _section_cstart, $3  }
0xd6: {  	[dreg:$0x1] =	wrdreg $0xFFFFFFFF  }
0xd7: {  	_ =	task.clear_ibuf [dreg:s22], $0x2FFFF;
	_ =	strace $0x9FFFFFFF  }
0xd8: {  	(tm) =	ssettm $0x7FFFFFFF  }
0xd9: {  	_ =	shalt  }
tec
execute0_lowered:
.L_overlay_start_1:
0x0: {  	(tag) =	ssettag $0x1  }
0x1: {  	s4 =	rddreg [dreg:$0x0]  }
0x2: {  	s5 =	rddreg [dreg:$0x1]  }
0x3: {  	s2 =	rddreg [dreg:$0x2]  }
0x4: {  	s0 =	rddreg [dreg:$0x3]  }
0x5: {  	s1 =	stileid.u32;
	s6 =	srdreg.scid  }
0x6: {  	s3 =	simm.s32 $0x0;
	s15 =	simm.s32 $0x10000;
	s16 =	simm.s32 $0x1  }
0x7: {  	s18 =	simm.s32 $0x50;
	s19 =	simm.s32 $0x2;
	s26 =	smul.u32 $0x1400, s1  }
0x8: {  	s20 =	simm.s32 $0xFC00;
	s21 =	simm.s32 $0xFC80;
	s10 =	smul.u32 $0x28000, s1  }
0x9: {  	s22 =	simm.s32 $0x0;
	s7 =	sand.u32 $0x1, s6;
	s29 =	smul.u32 $0x271000, s1  }
0xa: {  	[smem:$0x7FF] =	sst s3;
	s8 =	sshll.u32 s1, $0xC;
	s14 =	smul.u32 $0x4E200, s1  }
0xb: {  	s11 =	sadd.s32 $0x13DF000, s4;
	s30 =	sshll.u32 s1, $0x6;
	s9 =	smul.u32 $0x14000, s7  }
0xc: {  	_ =	strace $0x8000004D;
	s8 =	sadd.s32 s8, s4;
	s12 =	ssub.s32 $0x2, s7  }
0xd: {  	s17 =	smul.u32 $0x1388, s7;
	s28 =	sshrl.u32 s12, $0x1;
	s10 =	sshrl.u32 s10, $0x2  }
0xe: {  	s6 =	sadd.s32 $0xF02000, s8;
	s31 =	sshrl.u32 s29, $0x3;
	s7 =	sadd.s32 s11, s14  }
0xf: {  	s14 =	simm.s32 $0x8000;
	s9 =	sadd.s32 s26, s9;
	s12 =	ssub.s32 s12, s28  }
0x10: {  	s13 =	sadd.s32 s10, s2;
	s8 =	sadd.s32 s11, s31;
	s11 =	sadd.s32 $0xA00, s7  }
0x11: {  	v0 =	vlaneseq.u32;
	v1 =	vmov s17;
	s17 =	simm.s32 $0x12800;
	s9 =	sadd.s32 s9, s4;
	s4 =	sadd.s32 s5, s26  }
0x12: {  	v2 =	vor.u32 $0x10, v0;
	s5 =	sor.u32 $0x1C03, s30;
	s8 =	sadd.s32 $0x4DD00, s8;
	s10 =	smax.u32 s12, $0x1  }
0x13: {  	v3 =	vor.u32 $0x20, v0;
	v4 =	vor.u32 $0x30, v0;
	v5 =	vor.u32 $0x40, v0;
	s12 =	sshrl.u32 s13, $0x3;
	s13 =	simm.s32 $0x3;
	s9 =	sadd.s32 $0xF12000, s9  }
.LBB2_1:
0x14: {  	[spmem:s12], [sflag:s5] =	dma.local [hbm:s4], $0x1400  }
0x15: {  	_ =	swait.ge [sflag:s13], $0x1400  }
0x16: {  	s23 =	simm.s32 $0x0;
	[sflag:s13] =	ssyncset.done $0x0  }
0x17: {  	v6 =	vor.u32 s23, v0;
	[sflag:s13] =	ssyncadd.s32 $0xFFFFEC00  }
0x18: {  	[tilespmem:s3], [sflag:$0x3] =	stream.linear.gather [hbm4b:s6+s3], $0x7D00, $0x38;
	[tilespmem:$0x1F000] =	vst v63  }
0x19: {  	_ =	swait.ge [sflag:s13], $0x7D00  }
0x1a: {  	[sflag:s13] =	ssyncset.done $0x0  }
0x1b: {  	[sflag:s13] =	ssyncadd.s32 $0xFFFF8300  }
0x1c: {  	v7 =	vld.idx.msk [tilespmem:v6+s3+$0x0], $0xffff;
	_ =	sdelay $0x2  }
0x1d: {  	v8 =	vor.u32 s23, v2;
	_ =	sdelay $0x1  }
0x1e: {  	v7 =	vsub.s32 v7, v1  }
0x1f: {  	v7 =	vmin.u32 v7, $0x1388  }
0x20: {  	[tilespmem:v6+s14+$0x0] =	vst.idx.msk $0xffff, v7  }
0x21: {  	v6 =	vld.idx.msk [tilespmem:v8+s3+$0x0], $0xffff;
	_ =	sdelay $0x2  }
0x22: {  	v7 =	vor.u32 s23, v3;
	_ =	sdelay $0x1  }
0x23: {  	v6 =	vsub.s32 v6, v1  }
0x24: {  	v6 =	vmin.u32 v6, $0x1388  }
0x25: {  	[tilespmem:v8+s14+$0x0] =	vst.idx.msk $0xffff, v6  }
0x26: {  	v6 =	vld.idx.msk [tilespmem:v7+s3+$0x0], $0xffff;
	_ =	sdelay $0x2  }
0x27: {  	v8 =	vor.u32 s23, v4;
	_ =	sdelay $0x1  }
0x28: {  	v6 =	vsub.s32 v6, v1  }
0x29: {  	v6 =	vmin.u32 v6, $0x1388  }
0x2a: {  	[tilespmem:v7+s14+$0x0] =	vst.idx.msk $0xffff, v6  }
0x2b: {  	v7 =	vld.idx.msk [tilespmem:v8+s3+$0x0], $0xffff;
	_ =	sdelay $0x2  }
0x2c: {  	v6 =	vor.u32 s23, v5;
	_ =	sdelay $0x1  }
0x2d: {  	v7 =	vsub.s32 v7, v1  }
0x2e: {  	v7 =	vmin.u32 v7, $0x1388  }
0x2f: {  	[tilespmem:v8+s14+$0x0] =	vst.idx.msk $0xffff, v7  }
0x30: {  	v7 =	vld.idx.msk [tilespmem:v6+s3+$0x0], $0xffff;
	_ =	sdelay $0x3  }
0x31: {  	s23 =	simm.s32 $0x80  }
0x32: {  	v8 =	vsub.s32 v7, v1;
	v7 =	vor.u32 s23, v0;
	_ =	sdelay $0x2  }
0x33: {  	s24 =	simm.s32 $0x2;
	v8 =	vmin.u32 v8, $0x1388  }
.LBB2_2:
0x34: {  	p0 =	sne.s32 s24, $0xF9;
	[tilespmem:v6+s14+$0x0] =	vst.idx.msk $0xffff, v8;
	s25 =	smov.u32 s24;
	s24 =	sadd.s32 $0x1, s24  }
0x35: {  	v6 =	vld.idx.msk [tilespmem:v7+s3+$0x0], $0xffff;
	_ =	sdelay $0x3  }
0x36: {  	v8 =	vor.u32 s23, v2;
	_ =	sdelay $0x1  }
0x37: {  	v6 =	vsub.s32 v6, v1  }
0x38: {  	v6 =	vmin.u32 v6, $0x1388  }
0x39: {  	[tilespmem:v7+s14+$0x0] =	vst.idx.msk $0xffff, v6  }
0x3a: {  	v6 =	vld.idx.msk [tilespmem:v8+s3+$0x0], $0xffff;
	_ =	sdelay $0x3  }
0x3b: {  	v7 =	vor.u32 s23, v3;
	_ =	sdelay $0x1  }
0x3c: {  	v6 =	vsub.s32 v6, v1  }
0x3d: {  	v6 =	vmin.u32 v6, $0x1388  }
0x3e: {  	[tilespmem:v8+s14+$0x0] =	vst.idx.msk $0xffff, v6  }
0x3f: {  	v6 =	vld.idx.msk [tilespmem:v7+s3+$0x0], $0xffff;
	_ =	sdelay $0x3  }
0x40: {  	v8 =	vor.u32 s23, v4;
	_ =	sdelay $0x1  }
0x41: {  	v6 =	vsub.s32 v6, v1  }
0x42: {  	v6 =	vmin.u32 v6, $0x1388  }
0x43: {  	[tilespmem:v7+s14+$0x0] =	vst.idx.msk $0xffff, v6  }
0x44: {  	v7 =	vld.idx.msk [tilespmem:v8+s3+$0x0], $0xffff;
	_ =	sdelay $0x3  }
0x45: {  	v6 =	vor.u32 s23, v5;
	_ =	sdelay $0x1  }
0x46: {  	v7 =	vsub.s32 v7, v1  }
0x47: {  	v7 =	vmin.u32 v7, $0x1388  }
0x48: {  	[tilespmem:v8+s14+$0x0] =	vst.idx.msk $0xffff, v7  }
0x49: {  	v8 =	vld.idx.msk [tilespmem:v6+s3+$0x0], $0xffff;
	_ =	sdelay $0x2  }
.Ltmp0:
0x4a: {  	s23 =	sshll.u32 s25, $0x7;
	(pc) =	sbr.rel @p0 .LBB2_2-.Ltmp0, $3  }
0x4b: {  	v7 =	vor.u32 s23, v0;
	_ =	sdelay $0x1  }
0x4c: {  	v8 =	vsub.s32 v8, v1  }
0x4d: {  	v8 =	vmin.u32 v8, $0x1388  }
0x4e: {  	_ =	sdelay $0x3  }
0x4f: {  	[tilespmem:v6+s14+$0x0] =	vst.idx.msk $0xffff, v8  }
0x50: {  	v6 =	vld.idx.msk [tilespmem:v7+s3+$0x0], $0xffff;
	_ =	sdelay $0x2  }
0x51: {  	v62 =	vor.u32 s23, v2;
	_ =	sdelay $0x1  }
0x52: {  	v6 =	vsub.s32 v6, v1  }
0x53: {  	v6 =	vmin.u32 v6, $0x1388  }
0x54: {  	[tilespmem:v7+s14+$0x0] =	vst.idx.msk $0xffff, v6  }
0x55: {  	v6 =	vld.idx.msk [tilespmem:v62+s3+$0x0], $0xffff;
	_ =	sdelay $0x2  }
0x56: {  	v7 =	vor.u32 s23, v3;
	_ =	sdelay $0x1  }
0x57: {  	v6 =	vsub.s32 v6, v1  }
0x58: {  	v6 =	vmin.u32 v6, $0x1388  }
0x59: {  	[tilespmem:v62+s14+$0x0] =	vst.idx.msk $0xffff, v6  }
0x5a: {  	v6 =	vld.idx.msk [tilespmem:v7+s3+$0x0], $0xffff;
	_ =	sdelay $0x2  }
0x5b: {  	v63 =	vor.u32 s23, v4;
	_ =	sdelay $0x1  }
0x5c: {  	v6 =	vsub.s32 v6, v1  }
0x5d: {  	v6 =	vmin.u32 v6, $0x1388  }
0x5e: {  	[tilespmem:v7+s14+$0x0] =	vst.idx.msk $0xffff, v6  }
0x5f: {  	v6 =	vld.idx.msk [tilespmem:v63+s3+$0x0], $0xffff;
	_ =	sdelay $0x2  }
0x60: {  	v7 =	vor.u32 s23, v5;
	_ =	sdelay $0x1  }
0x61: {  	v6 =	vsub.s32 v6, v1  }
0x62: {  	v6 =	vmin.u32 v6, $0x1388  }
0x63: {  	[tilespmem:v63+s14+$0x0] =	vst.idx.msk $0xffff, v6  }
0x64: {  	v6 =	vld.idx.msk [tilespmem:v7+s3+$0x0], $0xffff;
	_ =	sdelay $0x4  }
0x65: {  	v6 =	vsub.s32 v6, v1  }
0x66: {  	v6 =	vmin.u32 v6, $0x1388  }
0x67: {  	[tilespmem:v7+s14+$0x0] =	vst.idx.msk $0xffff, v6  }
0x68: {  	s28 =	simm.s32 $0x0;
	[bflag:$0x0] =	sbarrier.arrive $0xFFFF  }
0x69: {  	[tilespmem:s15], [sflag:$0x1] =	stream.linear.gather [hbm4b:s7+s28], $0x2800, $0x38;
	[tilespmem:$0x1F000] =	vst v63  }
0x6a: {  	_ =	swait.ge [sflag:s16], $0x2800  }
0x6b: {  	[sflag:s16] =	ssyncset.done $0x0  }
0x6c: {  	s29 =	sadd.s32 $0xFFFFFB00, s11;
	[sflag:s16] =	ssyncadd.s32 $0xFFFFD800  }
0x6d: {  	[tilespmem:s17], [sflag:$0x2] =	stream.linear.gather [hbm4b:s29+s3], $0x2800, $0x38;
	[tilespmem:$0x1F000] =	vst v63  }
0x6e: {  	s30 =	simm.s32 $0x8000  }
0x6f: {  	[spmem:s2] =	stream.indirect.scatter.add.f32 [tilespmem:s15], [sflag:$0x3], $0x80, s30, s18, $0xb8;
	[tilespmem:$0x1F000] =	vst v63  }
0x70: {  	_ =	swait.ge [sflag:s13], $0x2800  }
0x71: {  	[sflag:s13] =	ssyncset.done $0x0  }
0x72: {  	[sflag:s13] =	ssyncadd.s32 $0xFFFFD800  }
0x73: {  	_ =	swait.ge [sflag:s19], $0x2800  }
0x74: {  	[sflag:s19] =	ssyncset.done $0x0  }
0x75: {  	[sflag:s19] =	ssyncadd.s32 $0xFFFFD800  }
0x76: {  	[tilespmem:s15], [sflag:$0x1] =	stream.linear.gather [hbm4b:s11+s3], $0x2800, $0x38;
	[tilespmem:$0x1F000] =	vst v63  }
0x77: {  	s31 =	simm.s32 $0x8080  }
0x78: {  	[spmem:s2] =	stream.indirect.scatter.add.f32 [tilespmem:s17], [sflag:$0x3], $0x80, s31, s18, $0xb8;
	[tilespmem:$0x1F000] =	vst v63  }
0x79: {  	_ =	swait.ge [sflag:s13], $0x2800  }
0x7a: {  	s24 =	smov.u32 s11;
	s23 =	simm.s32 $0x400;
	[sflag:s13] =	ssyncset.done $0x0  }
.LBB2_4:
0x7b: {  	p0 =	sne.s32 s23, $0x1EC00;
	[sflag:s13] =	ssyncadd.s32 $0xFFFFD800;
	s24 =	sadd.s32 $0xA00, s24  }
0x7c: {  	s25 =	smov.u32 s23;
	s23 =	sadd.s32 $0x400, s23  }
0x7d: {  	_ =	swait.ge [sflag:s16], $0x2800  }
0x7e: {  	[sflag:s16] =	ssyncset.done $0x0  }
0x7f: {  	s26 =	sadd.s32 $0xFFFFFB00, s24;
	s25 =	sshra.s32 s25, $0x2;
	[sflag:s16] =	ssyncadd.s32 $0xFFFFD800  }
0x80: {  	[tilespmem:s17], [sflag:$0x2] =	stream.linear.gather [hbm4b:s26+s3], $0x2800, $0x38;
	[tilespmem:$0x1F000] =	vst v63  }
0x81: {  	s26 =	sadd.s32 $0x8000, s25  }
0x82: {  	[spmem:s2] =	stream.indirect.scatter.add.f32 [tilespmem:s15], [sflag:$0x3], $0x80, s26, s18, $0xb8;
	[tilespmem:$0x1F000] =	vst v63  }
0x83: {  	_ =	swait.ge [sflag:s13], $0x2800  }
0x84: {  	[sflag:s13] =	ssyncset.done $0x0  }
0x85: {  	[sflag:s13] =	ssyncadd.s32 $0xFFFFD800  }
0x86: {  	_ =	swait.ge [sflag:s19], $0x2800  }
0x87: {  	[sflag:s19] =	ssyncset.done $0x0  }
0x88: {  	[sflag:s19] =	ssyncadd.s32 $0xFFFFD800  }
0x89: {  	[tilespmem:s15], [sflag:$0x1] =	stream.linear.gather [hbm4b:s24+s3], $0x2800, $0x38;
	[tilespmem:$0x1F000] =	vst v63  }
.Ltmp1:
0x8a: {  	_ = 	snop;
	(pc) =	sbr.rel @p0 .LBB2_4-.Ltmp1, $4  }
0x8b: {  	s25 =	sadd.s32 $0x8080, s25  }
0x8c: {  	[spmem:s2] =	stream.indirect.scatter.add.f32 [tilespmem:s17], [sflag:$0x3], $0x80, s25, s18, $0xb8;
	[tilespmem:$0x1F000] =	vst v63  }
0x8d: {  	_ =	swait.ge [sflag:s13], $0x2800  }
0x8e: {  	[sflag:s13] =	ssyncset.done $0x0  }
0x8f: {  	[sflag:s13] =	ssyncadd.s32 $0xFFFFD800  }
0x90: {  	_ =	swait.ge [sflag:s16], $0x2800  }
0x91: {  	[sflag:s16] =	ssyncset.done $0x0  }
0x92: {  	[sflag:s16] =	ssyncadd.s32 $0xFFFFD800  }
0x93: {  	[tilespmem:s17], [sflag:$0x2] =	stream.linear.gather [hbm4b:s8+s3], $0x2800, $0x38;
	[tilespmem:$0x1F000] =	vst v63  }
0x94: {  	_ = 	snop  }
0x95: {  	[spmem:s2] =	stream.indirect.scatter.add.f32 [tilespmem:s15], [sflag:$0x3], $0x80, s20, s18, $0xb8;
	[tilespmem:$0x1F000] =	vst v63  }
0x96: {  	_ =	swait.ge [sflag:s13], $0x2800  }
0x97: {  	[sflag:s13] =	ssyncset.done $0x0  }
0x98: {  	[sflag:s13] =	ssyncadd.s32 $0xFFFFD800  }
0x99: {  	_ =	swait.ge [sflag:s19], $0x2800  }
0x9a: {  	[sflag:s19] =	ssyncset.done $0x0  }
0x9b: {  	[sflag:s19] =	ssyncadd.s32 $0xFFFFD800  }
0x9c: {  	[spmem:s2] =	stream.indirect.scatter.add.f32 [tilespmem:s17], [sflag:$0x3], $0x80, s21, s18, $0xb8;
	[tilespmem:$0x1F000] =	vst v63  }
0x9d: {  	_ =	swait.ge [sflag:s13], $0x2800  }
0x9e: {  	s22 =	sadd.s32 $0x1, s22;
	[sflag:s13] =	ssyncset.done $0x0  }
0x9f: {  	p0 =	sne.s32 s22, s10;
	[sflag:s13] =	ssyncadd.s32 $0xFFFFD800  }
.Ltmp2:
0xa0: {  	[bflag:$0x0] =	sbarrier.arrive $0xFFFF;
	(pc) =	sbr.rel @p0 .LBB2_1-.Ltmp2, $4  }
0xa1: {  	[hbm:s9], [sflag:s5] =	dma.local [spmem:s12], $0x1400  }
0xa2: {  	_ =	swait.ge [sflag:s13], $0x1400  }
0xa3: {  	[sflag:s13] =	ssyncset.done $0x0  }
0xa4: {  	[sflag:s13] =	ssyncadd.s32 $0xFFFFEC00  }
0xa5: {  	_ =	sfence.sel $0x180000  }
0xa6: {  	[bflag:$0x0] =	sbarrier.arrive $0xFFFF  }
0xa7: {  	p0 =	sne.s32 s1, $0x0;
	_ =	strace $0x9000004D  }
0xa8: {  	s0 =	sadd.s32 @!p0 $0x100000, s0;
	[bflag:$0x2] =	sbarrier.arrive $0xFFFF  }
0xa9: {  	[sflag:s0] =	ssyncadd.tile.s32 @!p0 $0x1;
	_ =	shalt  }
.Lfunc_end2:
_tile_overlayer_lowered:
.L_overlay_start_2:
0xaa: {  	(tag) =	ssettag $0x2  }
0xab: {  	s0 =	rddreg [dreg:$0x0];
	s2 =	stileid.u32  }
0xac: {  	s1 =	rddreg [dreg:$0x1];
	p0 =	sne.s32 s2, $0x0  }
0xad: {  	s3 =	rddreg [dreg:$0x2];
	[bflag:$0x3] =	sbarrier.arrive $0xFFFF;
	s2 =	simm.s32 @!p0 $0x1C03  }
0xae: {  	[timem:s3], [sflag:s2] =	dma.local @!p0 [hbm:s0], s1  }
0xaf: {  	s0 =	simm.s32 @!p0 $0x3  }
0xb0: {  	_ =	swait.ge @!p0 [sflag:s0], s1  }
0xb1: {  	s1 =	ssub.s32 @!p0 $0x0, s1;
	[sflag:s0] =	ssyncset.done @!p0 $0x0  }
0xb2: {  	[sflag:s0] =	ssyncadd.s32 @!p0 s1  }
0xb3: {  	[bflag:$0x3] =	sbarrier.arrive $0xFFFF  }
0xb4: {  	_ =	shalt  }

// kernel: kernel.14.cloned.1.call-start
scs
__scs_entry_jumppad:
0x0: {  	(pc) =	sbr.rel $0x88, $3  }
0x1: {  	(tag) =	ssettag $0x0;
	lr =	simm.s32 $0x1  }
0x2: {  	[smem:$0x3F86] =	sst lr;
	_ =	strace $0xD0000000  }
0x3: {  	_ = 	snop  }
0x4: {  	_ = 	snop  }
0x5: {  	_ = 	snop  }
0x6: {  	_ = 	snop  }
0x7: {  	_ = 	snop  }
__scs_overlays_trampoline_lowered:
0x8: {  	[smem:$0x3F95] =	sst s0  }
0x9: {  	[smem:$0x3F96] =	sst s1  }
0xa: {  	[smem:$0x3F97] =	sst s2  }
0xb: {  	[smem:$0x3F98] =	sst s3  }
0xc: {  	[smem:$0x3F99] =	sst s4  }
0xd: {  	[smem:$0x3F9A] =	sst s5  }
0xe: {  	[smem:$0x3F9B] =	sst s6  }
0xf: {  	[smem:$0x3F9C] =	sst s7  }
0x10: {  	[smem:$0x3F9D] =	sst s8  }
0x11: {  	[smem:$0x3F9E] =	sst s9;
	s0 =	simm.s32 @!p0 $0x0  }
0x12: {  	s1 =	sld [smem:$0x3F84];
	s0 =	simm.s32 @p0 $0x1  }
0x13: {  	[smem:$0x3F9F] =	sst s0;
	s0 =	simm.s32 @!p1 $0x0  }
0x14: {  	s2 =	sld [smem:$0x3F83];
	s0 =	simm.s32 @p1 $0x1  }
0x15: {  	[smem:$0x3FA0] =	sst s0;
	s0 =	simm.s32 @!p2 $0x0  }
0x16: {  	s3 =	sld [smem:$0x3FDB];
	s0 =	simm.s32 @p2 $0x1  }
0x17: {  	s4 =	simm.s32 $0x1BF5;
	[smem:$0x3FA2] =	sst s0  }
0x18: {  	s0 =	sld [smem:$0x3F85];
	_ =	swait.ge [sflag:s4], $0x0  }
0x19: {  	s7 =	sld [smem:$0x3F86]  }
0x1a: {  	s8 =	sadd.s32 $0xFFFFE003, lr  }
0x1b: {  	s9 =	sadd.s32 $0xFFFFFEF7, lr;
	s5 =	simm.s32 $0xFFFFFFFF;
	p2 =	slt.u32 s8, $0xFFFFF086  }
0x1c: {  	p1 =	slt.u32 s9, $0xF7A;
	s5 =	simm.s32 @!p2 $0x0  }
0x1d: {  	s5 =	simm.s32 @p1 $0x1;
	p0 =	seq.s32 s7, s2  }
0x1e: {  	s7 =	smul.u32 @!p0 $0xF7A, s2;
	p2 =	seq.s32 @!p0 s5, $0x0  }
0x1f: {  	s9 =	smul.u32 $0xF7A, s1;
	s8 =	simm.s32 @!p0 $0x1BF5;
	p2 =	por !p2, p0  }
0x20: {  	[sflag:s8] =	ssyncset.s32 @!p0 $0xFFFFF086;
	s6 =	sadd.s32 @!p0 s3, s7;
	s7 =	simm.s32 @!p0 $0x108  }
0x21: {  	s3 =	sadd.s32 s3, s9;
	s6 =	sadd.s32 @!p0 $0x88, s6;
	s7 =	simm.s32 @p2 $0x1082  }
0x22: {  	[simem:s7], [sflag:s8] =	dma.local @!p0 [hbm:s6], $0xF7A  }
0x23: {  	s9 =	sor.u32 $0xD0000000, s2;
	s6 =	simm.s32 $0x108;
	_ =	swait.ge @!p0 [sflag:s8], $0x0  }
0x24: {  	s3 =	sadd.s32 $0x88, s3;
	s6 =	simm.s32 @!p1 $0x1082;
	[sflag:s4] =	ssyncset.s32 $0xFFFFF086  }
0x25: {  	[simem:s6], [sflag:s4] =	dma.local [hbm:s3], $0xF7A  }
0x26: {  	[smem:$0x3F86] =	sst s1;
	(tag) =	ssettag s2;
	_ =	strace s9  }
0x27: {  	s1 =	sld [smem:$0x3F96]  }
0x28: {  	s2 =	sld [smem:$0x3F97]  }
0x29: {  	s4 =	sld [smem:$0x3F99]  }
0x2a: {  	p0 =	seq.s32 s5, $0x0;
	s5 =	sld [smem:$0x3F9A]  }
0x2b: {  	s6 =	sld [smem:$0x3F9B]  }
0x2c: {  	s7 =	sld [smem:$0x3F9C]  }
0x2d: {  	s3 =	simm.s32 $0x108;
	s8 =	sld [smem:$0x3F9D]  }
0x2e: {  	s3 =	simm.s32 @!p0 $0x1082;
	s9 =	sld [smem:$0x3F9E]  }
0x2f: {  	lr =	sadd.s32 s0, s3;
	s0 =	sld [smem:$0x3F95]  }
0x30: {  	s3 =	sld [smem:$0x3F98]  }
0x31: {  	[smem:$0x3FA1] =	sst s10  }
0x32: {  	s10 =	sld [smem:$0x3F9F];
	_ =	sdelay $0x3  }
0x33: {  	p0 =	seq.s32 s10, $0x1;
	s10 =	sld [smem:$0x3FA1];
	_ =	sdelay $0x3  }
0x34: {  	[smem:$0x3FA1] =	sst s10  }
0x35: {  	s10 =	sld [smem:$0x3FA0];
	_ =	sdelay $0x3  }
0x36: {  	p1 =	seq.s32 s10, $0x1;
	s10 =	sld [smem:$0x3FA1];
	_ =	sdelay $0x3  }
0x37: {  	[smem:$0x3FA1] =	sst s10  }
0x38: {  	s10 =	sld [smem:$0x3FA2]  }
0x39: {  	_ = 	snop;
	(pc) =	sbr.ind lr, $3  }
0x3a: {  	_ = 	snop  }
0x3b: {  	_ = 	snop  }
0x3c: {  	p2 =	seq.s32 s10, $0x1;
	s10 =	sld [smem:$0x3FA1]  }
0x3d: {  	_ =	shalt  }
0x3e: {  	_ =	shalt  }
0x3f: {  	_ =	shalt  }
0x40: {  	_ =	shalt  }
0x41: {  	_ =	shalt  }
0x42: {  	_ =	shalt  }
0x43: {  	_ =	shalt  }
0x44: {  	_ =	shalt  }
0x45: {  	_ =	shalt  }
0x46: {  	_ =	shalt  }
0x47: {  	_ =	shalt  }
0x48: {  	_ =	shalt  }
0x49: {  	_ =	shalt  }
0x4a: {  	_ =	shalt  }
0x4b: {  	_ =	shalt  }
0x4c: {  	_ =	shalt  }
0x4d: {  	_ =	shalt  }
0x4e: {  	_ =	shalt  }
0x4f: {  	_ =	shalt  }
0x50: {  	_ =	shalt  }
0x51: {  	_ =	shalt  }
0x52: {  	_ =	shalt  }
0x53: {  	_ =	shalt  }
0x54: {  	_ =	shalt  }
0x55: {  	_ =	shalt  }
0x56: {  	_ =	shalt  }
0x57: {  	_ =	shalt  }
0x58: {  	_ =	shalt  }
0x59: {  	_ =	shalt  }
0x5a: {  	_ =	shalt  }
0x5b: {  	_ =	shalt  }
0x5c: {  	_ =	shalt  }
0x5d: {  	_ =	shalt  }
0x5e: {  	_ =	shalt  }
0x5f: {  	_ =	shalt  }
0x60: {  	_ =	shalt  }
0x61: {  	_ =	shalt  }
0x62: {  	_ =	shalt  }
0x63: {  	_ =	shalt  }
0x64: {  	_ =	shalt  }
0x65: {  	_ =	shalt  }
0x66: {  	_ =	shalt  }
0x67: {  	_ =	shalt  }
0x68: {  	_ =	shalt  }
0x69: {  	_ =	shalt  }
0x6a: {  	_ =	shalt  }
0x6b: {  	_ =	shalt  }
0x6c: {  	_ =	shalt  }
0x6d: {  	_ =	shalt  }
0x6e: {  	_ =	shalt  }
0x6f: {  	_ =	shalt  }
0x70: {  	_ =	shalt  }
0x71: {  	_ =	shalt  }
0x72: {  	_ =	shalt  }
0x73: {  	_ =	shalt  }
0x74: {  	_ =	shalt  }
0x75: {  	_ =	shalt  }
0x76: {  	_ =	shalt  }
0x77: {  	_ =	shalt  }
0x78: {  	_ =	shalt  }
0x79: {  	_ =	shalt  }
0x7a: {  	_ =	shalt  }
0x7b: {  	_ =	shalt  }
0x7c: {  	_ =	shalt  }
0x7d: {  	_ =	shalt  }
0x7e: {  	_ =	shalt  }
0x7f: {  	_ =	shalt  }
0x80: {  	_ =	shalt  }
0x81: {  	_ =	shalt  }
0x82: {  	_ =	shalt  }
0x83: {  	_ =	shalt  }
0x84: {  	_ =	shalt  }
0x85: {  	_ =	shalt  }
0x86: {  	_ =	shalt  }
0x87: {  	_ =	shalt  }
.Lfunc_end0:
.L_simem_size_0:
called_computation.2_lowered:
.L_overlay_start_0:
0x88: {  	s2 =	sld [smem:$0x3FD9]  }
0x89: {  	s3 =	sld [smem:$0x3FFE];
	_ =	sdelay $0x1  }
0x8a: {  	s1 =	srdreg.scid  }
0x8b: {  	s0 =	sand.u32 $0x1, s1  }
0x8c: {  	s14 =	sshll.u32 s0, $0xA;
	s2 =	sadd.s32 s3, s2  }
0x8d: {  	s2 =	sadd.s32 s2, s14  }
0x8e: {  	[smem:$0x3FAD] =	sst s2  }
0x8f: {  	_ = 	snop  }
0x90: {  	s2 =	sld [smem:$0x3FD0];
	_ =	sdelay $0x2  }
0x91: {  	s15 =	simm.s32 $0xB;
	s4 =	simm.s32 $0x10  }
0x92: {  	[smem:s4], [sflag:s15] =	dma.local [hbm:s2], $0x1  }
0x93: {  	_ =	swait.eq [sflag:s15], $0x1  }
0x94: {  	[sflag:s15] =	ssyncset.done $0x0  }
0x95: {  	[sflag:s15] =	ssyncadd.s32 $0xFFFFFFFF  }
0x96: {  	s16 =	sld [smem:$0x10];
	(tm) =	ssettm $0x1  }
0x97: {  	s17 =	sld [smem:$0x3FFB];
	_ =	sdelay $0x3  }
0x98: {  	_ =	strace s17  }
0x99: {  	s3 =	sld [smem:$0x3FFC];
	_ =	sdelay $0x3  }
0x9a: {  	_ =	strace s3  }
0x9b: {  	s3 =	sld [smem:$0x3FFD];
	_ =	sdelay $0x3  }
0x9c: {  	_ =	strace s3  }
0x9d: {  	_ =	strace $0x8FFFFFFF  }
0x9e: {  	s18 =	sld [smem:$0x3FDB];
	_ =	sdelay $0x1  }
0x9f: {  	s19 =	simm.s32 $_scs_section_size  }
0xa0: {  	s5 =	simm.s32 $_size__tile_overlayer_lowered;
	s6 =	simm.s32 $_tile_overlayer_lowered  }
0xa1: {  	s22 =	simm.s32 $0x1BFF;
	s21 =	sshll.u32 s6, $0x1;
	s3 =	sadd.s32 s19, s18  }
0xa2: {  	s7 =	simm.s32 $0x0;
	s20 =	sshll.u32 s5, $0x1;
	s5 =	sadd.s32 s21, s3  }
0xa3: {  	[timem:s7], [sflag:s22] =	dma.local [hbm:s5], s20  }
0xa4: {  	_ =	swait.ge [sflag:s22], s20  }
0xa5: {  	s4 =	ssub.s32 $0x0, s20;
	[sflag:s22] =	ssyncset.done $0x0  }
0xa6: {  	[sflag:s22] =	ssyncadd.s32 s4;
	_ =	sdelay $0x1  }
0xa7: {  	s23 =	simm.s32 $0x1B8B  }
0xa8: {  	_ =	swait.ge [sflag:s23], $0x1  }
0xa9: {  	[sflag:s23] =	ssyncset.done $0x0  }
0xaa: {  	s25 =	simm.s32 $0x1B8E;
	s24 =	sld [smem:$0x3FFE];
	[sflag:s23] =	ssyncadd.s32 $0xFFFFFFFF  }
0xab: {  	s26 =	simm.s32 $execute0_lowered;
	[smem:$0x3FD2] =	sst s25  }
0xac: {  	s5 =	sshll.u32 s26, $0x1;
	_ =	strace $0x80000049;
	[dreg:$0x1] =	wrdreg $0xFFFFFFFF  }
0xad: {  	s28 =	simm.s32 $_size_execute0_lowered;
	s3 =	sadd.s32 s3, s5;
	[dreg:$0x0] =	wrdreg $0x0  }
0xae: {  	s5 =	sshll.u32 s28, $0x1;
	[dreg:$0x2] =	wrdreg s3  }
0xaf: {  	[dreg:$0x3] =	wrdreg s5  }
0xb0: {  	[dreg:$0x4] =	wrdreg $0xC0  }
0xb1: {  	_ =	task [dreg:s7], $0x5FFFF  }
0xb2: {  	[dreg:$0x1] =	wrdreg $0xFFFFFFFF  }
0xb3: {  	[dreg:$0x0] =	wrdreg $0x60  }
0xb4: {  	[dreg:$0x2] =	wrdreg s24  }
0xb5: {  	[dreg:$0x3] =	wrdreg s16  }
0xb6: {  	[dreg:$0x4] =	wrdreg $0x170800  }
0xb7: {  	[dreg:$0x5] =	wrdreg $0xA  }
0xb8: {  	_ =	task.clear_ibuf [dreg:s7], $0x6FFFF;
	_ =	strace $0x90000049  }
0xb9: {  	s29 =	simm.s32 $0xA;
	_ =	strace $0x8000004B  }
0xba: {  	_ =	swait.ge [sflag:s29], $0x1  }
0xbb: {  	[sflag:s29] =	ssyncadd.s32 $0xFFFFFFFF  }
0xbc: {  	_ =	strace $0x9000004B  }
0xbd: {  	_ =	sfence  }
0xbe: {  	s30 =	sld [smem:$0x0];
	_ =	sdelay $0x2  }
0xbf: {  	s31 =	sshll.u32 s1, $0xD;
	s1 =	sshrl.u32 s1, $0x2  }
0xc0: {  	s3 =	sand.u32 $0x4000, s31;
	s1 =	sadd.s32 s1, s30  }
0xc1: {  	s0 =	sor.u32 s3, s0;
	s1 =	sshll.u32 s1, $0x11  }
0xc2: {  	s0 =	sor.u32 s1, s0  }
0xc3: {  	s0 =	sadd.s32 $0x8F2B, s0  }
0xc4: {  	[sflag:s0] =	ssyncadd.remote.s32 $0x1  }
0xc5: {  	_ =	sfence.sel $0xFFFF  }
0xc6: {  	[dreg:$0x0] =	wrdreg $0xFFFFFFFF;
	(pc) =	sbr.abs _section_cstart, $3  }
0xc7: {  	[dreg:$0x1] =	wrdreg $0xFFFFFFFF  }
0xc8: {  	_ =	task.clear_ibuf [dreg:s7], $0x2FFFF;
	_ =	strace $0x9FFFFFFF  }
0xc9: {  	(tm) =	ssettm $0x7FFFFFFF  }
tec
execute0_lowered:
.L_overlay_start_1:
0x0: {  	(tag) =	ssettag $0x1  }
0x1: {  	s1 =	rddreg [dreg:$0x0]  }
0x2: {  	s0 =	srdreg.scid;
	s11 =	rddreg [dreg:$0x1]  }
0x3: {  	s13 =	stileid.u32;
	s3 =	rddreg [dreg:$0x2];
	s4 =	simm.s32 $0x0  }
0x4: {  	s12 =	simm.s32 $0x3;
	s16 =	simm.s32 $0x2C80;
	s17 =	simm.s32 $0x2780  }
0x5: {  	s18 =	simm.s32 $0x1;
	s19 =	simm.s32 $0x2A00;
	s20 =	simm.s32 $0x2  }
0x6: {  	s21 =	simm.s32 $0x50;
	s22 =	simm.s32 $0x3000;
	s23 =	simm.s32 $0x14880  }
0x7: {  	s24 =	simm.s32 $0x0;
	s0 =	sand.u32 $0x1, s0;
	s7 =	smul.u32 $0x280, s13  }
0x8: {  	s2 =	sshll.u32 s13, $0x1;
	[smem:$0x7FF] =	sst s4;
	s9 =	smul.u32 $0x5000, s13  }
0x9: {  	s31 =	sshll.u32 s13, $0x6;
	s13 =	simm.s32 $0x3080;
	s2 =	sor.u32 s0, s2  }
0xa: {  	_ =	strace $0x8000004A;
	s8 =	smul.u32 $0x2800, s0;
	s0 =	ssub.s32 $0x2, s0  }
0xb: {  	s14 =	sor.u32 $0x1C03, s31;
	s2 =	smul.u32 $0x2710, s2;
	s10 =	sshrl.u32 s0, $0x1  }
0xc: {  	s30 =	sshrl.u32 s9, $0x2;
	s8 =	sadd.s32 s7, s8;
	s0 =	ssub.s32 s0, s10  }
0xd: {  	s15 =	sadd.s32 s30, s3;
	s7 =	sadd.s32 s11, s7;
	s5 =	sshrl.u32 s2, $0x3  }
0xe: {  	s2 =	sadd.s32 s2, s1;
	s11 =	smax.u32 s0, $0x1;
	s15 =	sshrl.u32 s15, $0x3  }
0xf: {  	s0 =	simm.s32 $0x2F80;
	s6 =	sadd.s32 s5, s1;
	s5 =	sadd.s32 $0xEFCE00, s1  }
0x10: {  	v0 =	vlaneseq.u32;
	s1 =	sadd.s32 s8, s1;
	s8 =	sadd.s32 $0xFA00, s2;
	s9 =	sadd.s32 $0xFAA0, s2  }
0x11: {  	v1 =	vshrl.u32 v0, $0x3;
	v2 =	vand.u32 $0x7, v0;
	s2 =	simm.s32 $0x12080;
	s6 =	sadd.s32 $0x5C00, s6;
	s10 =	sadd.s32 $0xEFD000, s1  }
.LBB2_1:
0x12: {  	[tilespmem:s4], [sflag:$0x3] =	stream.linear.gather [hbm4b:s6+s4], $0x2710, $0x38;
	[tilespmem:$0x18480] =	vst v63  }
0x13: {  	_ =	swait.ge [sflag:s12], $0x2710  }
0x14: {  	[sflag:s12] =	ssyncset.done $0x0  }
0x15: {  	[sflag:s12] =	ssyncadd.s32 $0xFFFFD8F0  }
0x16: {  	s1 =	rddreg [dreg:$0x1]  }
0x17: {  	[tilespmem:s13], [sflag:$0x3] =	stream.linear.gather [hbm4b:s1+s4], $0x14000, $0x38;
	[tilespmem:$0x18480] =	vst v63  }
0x18: {  	_ =	swait.ge [sflag:s12], $0x14000  }
0x19: {  	[sflag:s12] =	ssyncset.done $0x0  }
0x1a: {  	[sflag:s12] =	ssyncadd.s32 $0xFFFEC000  }
0x1b: {  	[spmem:s15], [sflag:s14] =	dma.local [hbm:s7], $0x280  }
0x1c: {  	_ =	swait.ge [sflag:s12], $0x280  }
0x1d: {  	[sflag:s12] =	ssyncset.done $0x0  }
0x1e: {  	[sflag:s12] =	ssyncadd.s32 $0xFFFFFD80  }
0x1f: {  	[tilespmem:s16], [sflag:$0x3] =	stream.linear.gather [hbm4b:s5+s4], $0x400, $0x38;
	[tilespmem:$0x18480] =	vst v63  }
0x20: {  	_ =	swait.ge [sflag:s12], $0x400  }
0x21: {  	s25 =	simm.s32 $0x50;
	[sflag:s12] =	ssyncset.done $0x0  }
0x22: {  	s26 =	simm.s32 $0x0;
	s28 =	simm.s32 $0x0;
	[sflag:s12] =	ssyncadd.s32 $0xFFFFFC00  }
0x23: {  	[tilespmem:s17], [sflag:$0x1] =	stream.linear.gather [hbm4b:s8+s4], $0x280, $0x38;
	[tilespmem:$0x18480] =	vst v63  }
.LBB2_2:
0x24: {  	s29 =	smul.u32 $0xA0, s28;
	v3 =	vor.u32 s26, v1  }
0x25: {  	_ =	swait.ge [sflag:s18], $0x280  }
0x26: {  	[sflag:s18] =	ssyncset.done $0x0;
	s1 =	sadd.s32 s8, s29  }
0x27: {  	s30 =	simm.s32 $0x0;
	[sflag:s18] =	ssyncadd.s32 $0xFFFFFD80;
	s1 =	sadd.s32 $0x50, s1  }
0x28: {  	[tilespmem:s19], [sflag:$0x2] =	stream.linear.gather [hbm4b:s1+s30], $0x280, $0x38;
	[tilespmem:$0x18480] =	vst v63  }
0x29: {  	v3 =	vld.idx.msk [tilespmem:v3+s4+$0x0], $0xffff  }
0x2a: {  	v4 =	vor.u32 s30, v0;
	_ =	sdelay $0x3  }
0x2b: {  	v5 =	vshll.u32 v3, $0x3  }
0x2c: {  	s31 =	sadd.s32 $0x2, s26;
	v3 =	vld.idx.msk [tilespmem:v4+s17+$0x0], $0xffff;
	v4 =	vor.u32 v2, v5  }
0x2d: {  	s30 =	simm.s32 $0x10;
	s1 =	simm.s32 $0x20;
	v5 =	vor.u32 s31, v1  }
.LBB2_3:
0x2e: {  	p0 =	sne.s32 s1, $0x270;
	_ =	sdelay $0x2  }
0x2f: {  	[tilespmem:v4+s13+$0x0] =	vst.idx.add.f32.msk $0xffff, v3  }
0x30: {  	v4 =	vld.idx.msk [tilespmem:v5+s4+$0x0], $0xffff  }
0x31: {  	v3 =	vor.u32 s30, v0;
	s30 =	smov.u32 s1;
	_ =	sdelay $0x2  }
.Ltmp0:
0x32: {  	(pc) =	sbr.rel @p0 .LBB2_3-.Ltmp0, $4  }
0x33: {  	_ = 	snop  }
0x34: {  	v4 =	vshll.u32 v4, $0x3;
	v3 =	vld.idx.msk [tilespmem:v3+s17+$0x0], $0xffff  }
0x35: {  	s31 =	sadd.s32 $0x2, s31;
	v4 =	vor.u32 v2, v4  }
0x36: {  	s1 =	sadd.s32 $0x10, s1;
	v5 =	vor.u32 s31, v1  }
0x37: {  	_ =	sdelay $0x3  }
0x38: {  	[tilespmem:v4+s13+$0x0] =	vst.idx.add.f32.msk $0xffff, v3  }
0x39: {  	v3 =	vld.idx.msk [tilespmem:v5+s4+$0x0], $0xffff  }
0x3a: {  	v4 =	vor.u32 s30, v0;
	_ =	sdelay $0x3  }
0x3b: {  	v3 =	vshll.u32 v3, $0x3  }
0x3c: {  	v4 =	vld.idx.msk [tilespmem:v4+s17+$0x0], $0xffff;
	v3 =	vor.u32 v2, v3;
	_ =	sdelay $0x4  }
0x3d: {  	[tilespmem:v3+s13+$0x0] =	vst.idx.add.f32.msk $0xffff, v4;
	v3 =	vor.u32 s25, v1  }
0x3e: {  	_ =	swait.ge [sflag:s20], $0x280  }
0x3f: {  	[sflag:s20] =	ssyncset.done $0x0  }
0x40: {  	s1 =	sadd.s32 s29, s9;
	s29 =	simm.s32 $0x0;
	[sflag:s20] =	ssyncadd.s32 $0xFFFFFD80  }
0x41: {  	[tilespmem:s17], [sflag:$0x1] =	stream.linear.gather [hbm4b:s1+s29], $0x280, $0x38;
	[tilespmem:$0x18480] =	vst v63  }
0x42: {  	v3 =	vld.idx.msk [tilespmem:v3+s4+$0x0], $0xffff  }
0x43: {  	v4 =	vor.u32 s29, v0;
	_ =	sdelay $0x3  }
0x44: {  	v5 =	vshll.u32 v3, $0x3  }
0x45: {  	s30 =	sadd.s32 $0x2, s25;
	v3 =	vld.idx.msk [tilespmem:v4+s19+$0x0], $0xffff;
	v4 =	vor.u32 v2, v5  }
0x46: {  	s29 =	simm.s32 $0x10;
	s1 =	simm.s32 $0x20;
	v5 =	vor.u32 s30, v1  }
.LBB2_5:
0x47: {  	p0 =	sne.s32 s1, $0x270;
	_ =	sdelay $0x2  }
0x48: {  	[tilespmem:v4+s13+$0x0] =	vst.idx.add.f32.msk $0xffff, v3  }
0x49: {  	v4 =	vld.idx.msk [tilespmem:v5+s4+$0x0], $0xffff  }
0x4a: {  	v3 =	vor.u32 s29, v0;
	s29 =	smov.u32 s1;
	_ =	sdelay $0x2  }
.Ltmp1:
0x4b: {  	(pc) =	sbr.rel @p0 .LBB2_5-.Ltmp1, $4  }
0x4c: {  	_ = 	snop  }
0x4d: {  	v4 =	vshll.u32 v4, $0x3;
	v3 =	vld.idx.msk [tilespmem:v3+s19+$0x0], $0xffff  }
0x4e: {  	s30 =	sadd.s32 $0x2, s30;
	v4 =	vor.u32 v2, v4  }
0x4f: {  	s1 =	sadd.s32 $0x10, s1;
	v5 =	vor.u32 s30, v1  }
0x50: {  	_ =	sdelay $0x3  }
0x51: {  	[tilespmem:v4+s13+$0x0] =	vst.idx.add.f32.msk $0xffff, v3  }
0x52: {  	v3 =	vld.idx.msk [tilespmem:v5+s4+$0x0], $0xffff  }
0x53: {  	v63 =	vor.u32 s29, v0;
	_ =	sdelay $0x3  }
0x54: {  	s28 =	sadd.s32 $0x1, s28;
	v3 =	vshll.u32 v3, $0x3  }
0x55: {  	p0 =	sne.s32 s28, $0x3E;
	v4 =	vld.idx.msk [tilespmem:v63+s19+$0x0], $0xffff;
	v3 =	vor.u32 v2, v3  }
.Ltmp2:
0x56: {  	_ = 	snop;
	(pc) =	sbr.rel @p0 .LBB2_2-.Ltmp2, $2  }
0x57: {  	_ =	sdelay $0x2  }
0x58: {  	s26 =	sadd.s32 $0xA0, s26;
	s25 =	sadd.s32 $0xA0, s25;
	[tilespmem:v3+s13+$0x0] =	vst.idx.add.f32.msk $0xffff, v4  }
0x59: {  	s1 =	simm.s32 $0x26C0  }
0x5a: {  	v3 =	vor.u32 s1, v1;
	_ =	sdelay $0x1  }
0x5b: {  	_ =	swait.ge [sflag:s18], $0x280  }
0x5c: {  	[sflag:s18] =	ssyncset.done $0x0  }
0x5d: {  	[sflag:s18] =	ssyncadd.s32 $0xFFFFFD80  }
0x5e: {  	s25 =	simm.s32 $0x0;
	v3 =	vld.idx.msk [tilespmem:v3+s4+$0x0], $0xffff  }
0x5f: {  	v4 =	vor.u32 s25, v0;
	_ =	sdelay $0x3  }
0x60: {  	v5 =	vshll.u32 v3, $0x3  }
0x61: {  	s31 =	simm.s32 $0x26C2;
	v3 =	vld.idx.msk [tilespmem:v4+s17+$0x0], $0xffff;
	v4 =	vor.u32 v2, v5  }
0x62: {  	s1 =	simm.s32 $0x26C4;
	v5 =	vor.u32 s31, v1  }
.LBB2_8:
0x63: {  	p0 =	sne.s32 s1, $0x270E;
	_ =	sdelay $0x2  }
0x64: {  	[tilespmem:v4+s13+$0x0] =	vst.idx.add.f32.msk $0xffff, v3  }
0x65: {  	s25 =	sadd.s32 $0x10, s25;
	v4 =	vld.idx.msk [tilespmem:v5+s4+$0x0], $0xffff  }
0x66: {  	v3 =	vor.u32 s25, v0;
	_ =	sdelay $0x2  }
.Ltmp3:
0x67: {  	(pc) =	sbr.rel @p0 .LBB2_8-.Ltmp3, $4  }
0x68: {  	_ = 	snop  }
0x69: {  	v4 =	vshll.u32 v4, $0x3;
	v3 =	vld.idx.msk [tilespmem:v3+s17+$0x0], $0xffff  }
0x6a: {  	v4 =	vor.u32 v2, v4  }
0x6b: {  	v5 =	vor.u32 s1, v1;
	s1 =	sadd.s32 $0x2, s1  }
0x6c: {  	_ =	sdelay $0x3  }
0x6d: {  	[tilespmem:v4+s13+$0x0] =	vst.idx.add.f32.msk $0xffff, v3  }
0x6e: {  	s1 =	sadd.s32 $0x10, s25;
	v3 =	vld.idx.msk [tilespmem:v5+s4+$0x0], $0xffff  }
0x6f: {  	v63 =	vor.u32 s1, v0;
	_ =	sdelay $0x3  }
0x70: {  	v3 =	vshll.u32 v3, $0x3  }
0x71: {  	v4 =	vld.idx.msk [tilespmem:v63+s17+$0x0], $0xffff;
	v3 =	vor.u32 v2, v3;
	_ =	sdelay $0x4  }
0x72: {  	[tilespmem:v3+s13+$0x0] =	vst.idx.add.f32.msk $0xffff, v4  }
0x73: {  	[bflag:$0x0] =	sbarrier.arrive $0xFFFF  }
0x74: {  	[spmem:s3] =	stream.indirect.scatter.add.f32 [tilespmem:s13], [sflag:$0x3], $0x80, s16, s21, $0xb8;
	[tilespmem:$0x18480] =	vst v63  }
0x75: {  	_ =	swait.ge [sflag:s12], $0x2800  }
0x76: {  	[sflag:s12] =	ssyncset.done $0x0  }
0x77: {  	s28 =	simm.s32 $0x2D00;
	s29 =	simm.s32 $0x5880;
	[sflag:s12] =	ssyncadd.s32 $0xFFFFD800  }
0x78: {  	[spmem:s3] =	stream.indirect.scatter.add.f32 [tilespmem:s29], [sflag:$0x3], $0x80, s28, s21, $0xb8;
	[tilespmem:$0x18480] =	vst v63  }
0x79: {  	_ =	swait.ge [sflag:s12], $0x2800  }
0x7a: {  	[sflag:s12] =	ssyncset.done $0x0  }
0x7b: {  	s30 =	simm.s32 $0x2D80;
	s31 =	simm.s32 $0x8080;
	[sflag:s12] =	ssyncadd.s32 $0xFFFFD800  }
0x7c: {  	[spmem:s3] =	stream.indirect.scatter.add.f32 [tilespmem:s31], [sflag:$0x3], $0x80, s30, s21, $0xb8;
	[tilespmem:$0x18480] =	vst v63  }
0x7d: {  	_ =	swait.ge [sflag:s12], $0x2800  }
0x7e: {  	[sflag:s12] =	ssyncset.done $0x0  }
0x7f: {  	s25 =	simm.s32 $0x2E00;
	s26 =	simm.s32 $0xA880;
	[sflag:s12] =	ssyncadd.s32 $0xFFFFD800  }
0x80: {  	[spmem:s3] =	stream.indirect.scatter.add.f32 [tilespmem:s26], [sflag:$0x3], $0x80, s25, s21, $0xb8;
	[tilespmem:$0x18480] =	vst v63  }
0x81: {  	_ =	swait.ge [sflag:s12], $0x2800  }
0x82: {  	[sflag:s12] =	ssyncset.done $0x0  }
0x83: {  	s28 =	simm.s32 $0x2E80;
	s29 =	simm.s32 $0xD080;
	[sflag:s12] =	ssyncadd.s32 $0xFFFFD800  }
0x84: {  	[spmem:s3] =	stream.indirect.scatter.add.f32 [tilespmem:s29], [sflag:$0x3], $0x80, s28, s21, $0xb8;
	[tilespmem:$0x18480] =	vst v63  }
0x85: {  	_ =	swait.ge [sflag:s12], $0x2800  }
0x86: {  	[sflag:s12] =	ssyncset.done $0x0  }
0x87: {  	s30 =	simm.s32 $0x2F00;
	s31 =	simm.s32 $0xF880;
	[sflag:s12] =	ssyncadd.s32 $0xFFFFD800  }
0x88: {  	[spmem:s3] =	stream.indirect.scatter.add.f32 [tilespmem:s31], [sflag:$0x3], $0x80, s30, s21, $0xb8;
	[tilespmem:$0x18480] =	vst v63  }
0x89: {  	_ =	swait.ge [sflag:s12], $0x2800  }
0x8a: {  	[sflag:s12] =	ssyncset.done $0x0  }
0x8b: {  	[sflag:s12] =	ssyncadd.s32 $0xFFFFD800  }
0x8c: {  	[spmem:s3] =	stream.indirect.scatter.add.f32 [tilespmem:s2], [sflag:$0x3], $0x80, s0, s21, $0xb8;
	[tilespmem:$0x18480] =	vst v63  }
0x8d: {  	_ =	swait.ge [sflag:s12], $0x2800  }
0x8e: {  	[sflag:s12] =	ssyncset.done $0x0  }
0x8f: {  	[sflag:s12] =	ssyncadd.s32 $0xFFFFD800  }
0x90: {  	[spmem:s3] =	stream.indirect.scatter.add.f32 [tilespmem:s23], [sflag:$0x3], $0x80, s22, s21, $0xb8;
	[tilespmem:$0x18480] =	vst v63  }
0x91: {  	_ =	swait.ge [sflag:s12], $0x2800  }
0x92: {  	s24 =	sadd.s32 $0x1, s24;
	[sflag:s12] =	ssyncset.done $0x0  }
0x93: {  	p0 =	sne.s32 s24, s11;
	[sflag:s12] =	ssyncadd.s32 $0xFFFFD800  }
.Ltmp4:
0x94: {  	[bflag:$0x0] =	sbarrier.arrive $0xFFFF;
	(pc) =	sbr.rel @p0 .LBB2_1-.Ltmp4, $4  }
0x95: {  	[hbm:s10], [sflag:s14] =	dma.local [spmem:s15], $0x280  }
0x96: {  	_ =	swait.ge [sflag:s12], $0x280  }
0x97: {  	[sflag:s12] =	ssyncset.done $0x0  }
0x98: {  	[sflag:s12] =	ssyncadd.s32 $0xFFFFFD80  }
0x99: {  	_ =	sfence.sel $0x180000  }
0x9a: {  	[bflag:$0x0] =	sbarrier.arrive $0xFFFF  }
0x9b: {  	_ =	strace $0x9000004A  }
0x9c: {  	s0 =	stileid.u32;
	[bflag:$0x2] =	sbarrier.arrive $0xFFFF  }
0x9d: {  	p0 =	sne.s32 s0, $0x0;
	s0 =	rddreg [dreg:$0x3]  }
0x9e: {  	s0 =	sadd.s32 @!p0 $0x100000, s0  }
0x9f: {  	[sflag:s0] =	ssyncadd.tile.s32 @!p0 $0x1;
	_ =	shalt  }
.Lfunc_end2:
_tile_overlayer_lowered:
.L_overlay_start_2:
0xa0: {  	(tag) =	ssettag $0x2  }
0xa1: {  	s0 =	rddreg [dreg:$0x0];
	s2 =	stileid.u32  }
0xa2: {  	s1 =	rddreg [dreg:$0x1];
	p0 =	sne.s32 s2, $0x0  }
0xa3: {  	s3 =	rddreg [dreg:$0x2];
	[bflag:$0x3] =	sbarrier.arrive $0xFFFF;
	s2 =	simm.s32 @!p0 $0x1C03  }
0xa4: {  	[timem:s3], [sflag:s2] =	dma.local @!p0 [hbm:s0], s1  }
0xa5: {  	s0 =	simm.s32 @!p0 $0x3  }
0xa6: {  	_ =	swait.ge @!p0 [sflag:s0], s1  }
0xa7: {  	s1 =	ssub.s32 @!p0 $0x0, s1;
	[sflag:s0] =	ssyncset.done @!p0 $0x0  }
0xa8: {  	[sflag:s0] =	ssyncadd.s32 @!p0 s1  }
0xa9: {  	[bflag:$0x3] =	sbarrier.arrive $0xFFFF  }
0xaa: {  	_ =	shalt  }

// kernel: kernel.8.cloned.1.call-start
scs
__scs_entry_jumppad:
0x0: {  	(pc) =	sbr.rel $0x88, $3  }
0x1: {  	(tag) =	ssettag $0x0;
	lr =	simm.s32 $0x1  }
0x2: {  	[smem:$0x3F86] =	sst lr;
	_ =	strace $0xD0000000  }
0x3: {  	_ = 	snop  }
0x4: {  	_ = 	snop  }
0x5: {  	_ = 	snop  }
0x6: {  	_ = 	snop  }
0x7: {  	_ = 	snop  }
__scs_overlays_trampoline_lowered:
0x8: {  	[smem:$0x3F95] =	sst s0  }
0x9: {  	[smem:$0x3F96] =	sst s1  }
0xa: {  	[smem:$0x3F97] =	sst s2  }
0xb: {  	[smem:$0x3F98] =	sst s3  }
0xc: {  	[smem:$0x3F99] =	sst s4  }
0xd: {  	[smem:$0x3F9A] =	sst s5  }
0xe: {  	[smem:$0x3F9B] =	sst s6  }
0xf: {  	[smem:$0x3F9C] =	sst s7  }
0x10: {  	[smem:$0x3F9D] =	sst s8  }
0x11: {  	[smem:$0x3F9E] =	sst s9;
	s0 =	simm.s32 @!p0 $0x0  }
0x12: {  	s1 =	sld [smem:$0x3F84];
	s0 =	simm.s32 @p0 $0x1  }
0x13: {  	[smem:$0x3F9F] =	sst s0;
	s0 =	simm.s32 @!p1 $0x0  }
0x14: {  	s2 =	sld [smem:$0x3F83];
	s0 =	simm.s32 @p1 $0x1  }
0x15: {  	[smem:$0x3FA0] =	sst s0;
	s0 =	simm.s32 @!p2 $0x0  }
0x16: {  	s3 =	sld [smem:$0x3FDB];
	s0 =	simm.s32 @p2 $0x1  }
0x17: {  	s4 =	simm.s32 $0x1BF5;
	[smem:$0x3FA2] =	sst s0  }
0x18: {  	s0 =	sld [smem:$0x3F85];
	_ =	swait.ge [sflag:s4], $0x0  }
0x19: {  	s7 =	sld [smem:$0x3F86]  }
0x1a: {  	s8 =	sadd.s32 $0xFFFFE003, lr  }
0x1b: {  	s9 =	sadd.s32 $0xFFFFFEF7, lr;
	s5 =	simm.s32 $0xFFFFFFFF;
	p2 =	slt.u32 s8, $0xFFFFF086  }
0x1c: {  	p1 =	slt.u32 s9, $0xF7A;
	s5 =	simm.s32 @!p2 $0x0  }
0x1d: {  	s5 =	simm.s32 @p1 $0x1;
	p0 =	seq.s32 s7, s2  }
0x1e: {  	s7 =	smul.u32 @!p0 $0xF7A, s2;
	p2 =	seq.s32 @!p0 s5, $0x0  }
0x1f: {  	s9 =	smul.u32 $0xF7A, s1;
	s8 =	simm.s32 @!p0 $0x1BF5;
	p2 =	por !p2, p0  }
0x20: {  	[sflag:s8] =	ssyncset.s32 @!p0 $0xFFFFF086;
	s6 =	sadd.s32 @!p0 s3, s7;
	s7 =	simm.s32 @!p0 $0x108  }
0x21: {  	s3 =	sadd.s32 s3, s9;
	s6 =	sadd.s32 @!p0 $0x88, s6;
	s7 =	simm.s32 @p2 $0x1082  }
0x22: {  	[simem:s7], [sflag:s8] =	dma.local @!p0 [hbm:s6], $0xF7A  }
0x23: {  	s9 =	sor.u32 $0xD0000000, s2;
	s6 =	simm.s32 $0x108;
	_ =	swait.ge @!p0 [sflag:s8], $0x0  }
0x24: {  	s3 =	sadd.s32 $0x88, s3;
	s6 =	simm.s32 @!p1 $0x1082;
	[sflag:s4] =	ssyncset.s32 $0xFFFFF086  }
0x25: {  	[simem:s6], [sflag:s4] =	dma.local [hbm:s3], $0xF7A  }
0x26: {  	[smem:$0x3F86] =	sst s1;
	(tag) =	ssettag s2;
	_ =	strace s9  }
0x27: {  	s1 =	sld [smem:$0x3F96]  }
0x28: {  	s2 =	sld [smem:$0x3F97]  }
0x29: {  	s4 =	sld [smem:$0x3F99]  }
0x2a: {  	p0 =	seq.s32 s5, $0x0;
	s5 =	sld [smem:$0x3F9A]  }
0x2b: {  	s6 =	sld [smem:$0x3F9B]  }
0x2c: {  	s7 =	sld [smem:$0x3F9C]  }
0x2d: {  	s3 =	simm.s32 $0x108;
	s8 =	sld [smem:$0x3F9D]  }
0x2e: {  	s3 =	simm.s32 @!p0 $0x1082;
	s9 =	sld [smem:$0x3F9E]  }
0x2f: {  	lr =	sadd.s32 s0, s3;
	s0 =	sld [smem:$0x3F95]  }
0x30: {  	s3 =	sld [smem:$0x3F98]  }
0x31: {  	[smem:$0x3FA1] =	sst s10  }
0x32: {  	s10 =	sld [smem:$0x3F9F];
	_ =	sdelay $0x3  }
0x33: {  	p0 =	seq.s32 s10, $0x1;
	s10 =	sld [smem:$0x3FA1];
	_ =	sdelay $0x3  }
0x34: {  	[smem:$0x3FA1] =	sst s10  }
0x35: {  	s10 =	sld [smem:$0x3FA0];
	_ =	sdelay $0x3  }
0x36: {  	p1 =	seq.s32 s10, $0x1;
	s10 =	sld [smem:$0x3FA1];
	_ =	sdelay $0x3  }
0x37: {  	[smem:$0x3FA1] =	sst s10  }
0x38: {  	s10 =	sld [smem:$0x3FA2]  }
0x39: {  	_ = 	snop;
	(pc) =	sbr.ind lr, $3  }
0x3a: {  	_ = 	snop  }
0x3b: {  	_ = 	snop  }
0x3c: {  	p2 =	seq.s32 s10, $0x1;
	s10 =	sld [smem:$0x3FA1]  }
0x3d: {  	_ =	shalt  }
0x3e: {  	_ =	shalt  }
0x3f: {  	_ =	shalt  }
0x40: {  	_ =	shalt  }
0x41: {  	_ =	shalt  }
0x42: {  	_ =	shalt  }
0x43: {  	_ =	shalt  }
0x44: {  	_ =	shalt  }
0x45: {  	_ =	shalt  }
0x46: {  	_ =	shalt  }
0x47: {  	_ =	shalt  }
0x48: {  	_ =	shalt  }
0x49: {  	_ =	shalt  }
0x4a: {  	_ =	shalt  }
0x4b: {  	_ =	shalt  }
0x4c: {  	_ =	shalt  }
0x4d: {  	_ =	shalt  }
0x4e: {  	_ =	shalt  }
0x4f: {  	_ =	shalt  }
0x50: {  	_ =	shalt  }
0x51: {  	_ =	shalt  }
0x52: {  	_ =	shalt  }
0x53: {  	_ =	shalt  }
0x54: {  	_ =	shalt  }
0x55: {  	_ =	shalt  }
0x56: {  	_ =	shalt  }
0x57: {  	_ =	shalt  }
0x58: {  	_ =	shalt  }
0x59: {  	_ =	shalt  }
0x5a: {  	_ =	shalt  }
0x5b: {  	_ =	shalt  }
0x5c: {  	_ =	shalt  }
0x5d: {  	_ =	shalt  }
0x5e: {  	_ =	shalt  }
0x5f: {  	_ =	shalt  }
0x60: {  	_ =	shalt  }
0x61: {  	_ =	shalt  }
0x62: {  	_ =	shalt  }
0x63: {  	_ =	shalt  }
0x64: {  	_ =	shalt  }
0x65: {  	_ =	shalt  }
0x66: {  	_ =	shalt  }
0x67: {  	_ =	shalt  }
0x68: {  	_ =	shalt  }
0x69: {  	_ =	shalt  }
0x6a: {  	_ =	shalt  }
0x6b: {  	_ =	shalt  }
0x6c: {  	_ =	shalt  }
0x6d: {  	_ =	shalt  }
0x6e: {  	_ =	shalt  }
0x6f: {  	_ =	shalt  }
0x70: {  	_ =	shalt  }
0x71: {  	_ =	shalt  }
0x72: {  	_ =	shalt  }
0x73: {  	_ =	shalt  }
0x74: {  	_ =	shalt  }
0x75: {  	_ =	shalt  }
0x76: {  	_ =	shalt  }
0x77: {  	_ =	shalt  }
0x78: {  	_ =	shalt  }
0x79: {  	_ =	shalt  }
0x7a: {  	_ =	shalt  }
0x7b: {  	_ =	shalt  }
0x7c: {  	_ =	shalt  }
0x7d: {  	_ =	shalt  }
0x7e: {  	_ =	shalt  }
0x7f: {  	_ =	shalt  }
0x80: {  	_ =	shalt  }
0x81: {  	_ =	shalt  }
0x82: {  	_ =	shalt  }
0x83: {  	_ =	shalt  }
0x84: {  	_ =	shalt  }
0x85: {  	_ =	shalt  }
0x86: {  	_ =	shalt  }
0x87: {  	_ =	shalt  }
.Lfunc_end0:
.L_simem_size_0:
called_computation_lowered:
.L_overlay_start_0:
0x88: {  	s2 =	sld [smem:$0x3FD9]  }
0x89: {  	s3 =	sld [smem:$0x3FFE];
	_ =	sdelay $0x1  }
0x8a: {  	s1 =	srdreg.scid  }
0x8b: {  	s0 =	sand.u32 $0x1, s1  }
0x8c: {  	s14 =	sshll.u32 s0, $0xA;
	s2 =	sadd.s32 s3, s2  }
0x8d: {  	s2 =	sadd.s32 s2, s14  }
0x8e: {  	[smem:$0x3FAD] =	sst s2  }
0x8f: {  	_ = 	snop  }
0x90: {  	s2 =	sld [smem:$0x3FD0];
	_ =	sdelay $0x2  }
0x91: {  	s15 =	simm.s32 $0xB;
	s4 =	simm.s32 $0x10  }
0x92: {  	[smem:s4], [sflag:s15] =	dma.local [hbm:s2], $0x1  }
0x93: {  	_ =	swait.eq [sflag:s15], $0x1  }
0x94: {  	[sflag:s15] =	ssyncset.done $0x0  }
0x95: {  	s16 =	sld [smem:$0x10];
	[sflag:s15] =	ssyncadd.s32 $0xFFFFFFFF  }
0x96: {  	s17 =	sld [smem:$0x11];
	(tm) =	ssettm $0x1  }
0x97: {  	s18 =	sld [smem:$0x3FFB];
	_ =	sdelay $0x3  }
0x98: {  	_ =	strace s18  }
0x99: {  	s4 =	sld [smem:$0x3FFC];
	_ =	sdelay $0x3  }
0x9a: {  	_ =	strace s4  }
0x9b: {  	s4 =	sld [smem:$0x3FFD];
	_ =	sdelay $0x3  }
0x9c: {  	_ =	strace s4  }
0x9d: {  	_ =	strace $0x8FFFFFFF  }
0x9e: {  	s19 =	sld [smem:$0x3FDB];
	_ =	sdelay $0x1  }
0x9f: {  	s5 =	simm.s32 $_scs_section_size  }
0xa0: {  	s6 =	simm.s32 $_size__tile_overlayer_lowered;
	s7 =	simm.s32 $_tile_overlayer_lowered  }
0xa1: {  	s22 =	simm.s32 $0x1BFF;
	s21 =	sshll.u32 s7, $0x1;
	s4 =	sadd.s32 s5, s19  }
0xa2: {  	s8 =	simm.s32 $0x0;
	s20 =	sshll.u32 s6, $0x1;
	s6 =	sadd.s32 s21, s4  }
0xa3: {  	[timem:s8], [sflag:s22] =	dma.local [hbm:s6], s20  }
0xa4: {  	_ =	swait.ge [sflag:s22], s20  }
0xa5: {  	s5 =	ssub.s32 $0x0, s20;
	[sflag:s22] =	ssyncset.done $0x0  }
0xa6: {  	[sflag:s22] =	ssyncadd.s32 s5;
	_ =	sdelay $0x1  }
0xa7: {  	s23 =	simm.s32 $0x1B8B  }
0xa8: {  	_ =	swait.ge [sflag:s23], $0x1  }
0xa9: {  	[sflag:s23] =	ssyncset.done $0x0  }
0xaa: {  	s25 =	simm.s32 $0x1B8E;
	s24 =	sld [smem:$0x3FFE];
	[sflag:s23] =	ssyncadd.s32 $0xFFFFFFFF  }
0xab: {  	s26 =	simm.s32 $execute0_lowered;
	[smem:$0x3FD2] =	sst s25  }
0xac: {  	s6 =	sshll.u32 s26, $0x1;
	_ =	strace $0x80000046;
	[dreg:$0x1] =	wrdreg $0xFFFFFFFF  }
0xad: {  	s28 =	simm.s32 $_size_execute0_lowered;
	s4 =	sadd.s32 s4, s6;
	[dreg:$0x0] =	wrdreg $0x0  }
0xae: {  	s6 =	sshll.u32 s28, $0x1;
	[dreg:$0x2] =	wrdreg s4  }
0xaf: {  	[dreg:$0x3] =	wrdreg s6  }
0xb0: {  	[dreg:$0x4] =	wrdreg $0xC0  }
0xb1: {  	_ =	task [dreg:s8], $0x5FFFF  }
0xb2: {  	[dreg:$0x1] =	wrdreg $0xFFFFFFFF  }
0xb3: {  	[dreg:$0x0] =	wrdreg $0x60  }
0xb4: {  	[dreg:$0x2] =	wrdreg s16  }
0xb5: {  	[dreg:$0x3] =	wrdreg s17  }
0xb6: {  	[dreg:$0x4] =	wrdreg s24  }
0xb7: {  	[dreg:$0x5] =	wrdreg $0x9  }
0xb8: {  	_ =	task.clear_ibuf [dreg:s8], $0x6FFFF;
	_ =	strace $0x90000046  }
0xb9: {  	s29 =	simm.s32 $0x9;
	_ =	strace $0x80000048  }
0xba: {  	_ =	swait.ge [sflag:s29], $0x1  }
0xbb: {  	[sflag:s29] =	ssyncadd.s32 $0xFFFFFFFF  }
0xbc: {  	_ =	strace $0x90000048  }
0xbd: {  	_ =	sfence  }
0xbe: {  	s30 =	sld [smem:$0x0];
	_ =	sdelay $0x2  }
0xbf: {  	s31 =	sshll.u32 s1, $0xD;
	s1 =	sshrl.u32 s1, $0x2  }
0xc0: {  	s3 =	sand.u32 $0x4000, s31;
	s1 =	sadd.s32 s1, s30  }
0xc1: {  	s0 =	sor.u32 s3, s0;
	s1 =	sshll.u32 s1, $0x11  }
0xc2: {  	s0 =	sor.u32 s1, s0  }
0xc3: {  	s0 =	sadd.s32 $0x8F2B, s0  }
0xc4: {  	[sflag:s0] =	ssyncadd.remote.s32 $0x1  }
0xc5: {  	_ =	sfence.sel $0xFFFF  }
0xc6: {  	[dreg:$0x0] =	wrdreg $0xFFFFFFFF;
	(pc) =	sbr.abs _section_cstart, $3  }
0xc7: {  	[dreg:$0x1] =	wrdreg $0xFFFFFFFF  }
0xc8: {  	_ =	task.clear_ibuf [dreg:s8], $0x2FFFF;
	_ =	strace $0x9FFFFFFF  }
0xc9: {  	(tm) =	ssettm $0x7FFFFFFF  }
tec
execute0_lowered:
.L_overlay_start_1:
0x0: {  	(tag) =	ssettag $0x1  }
0x1: {  	s1 =	rddreg [dreg:$0x0]  }
0x2: {  	s3 =	rddreg [dreg:$0x1]  }
0x3: {  	s0 =	rddreg [dreg:$0x2];
	s5 =	srdreg.scid  }
0x4: {  	s2 =	stileid.u32;
	s4 =	simm.s32 $0x0;
	s17 =	simm.s32 $0xA800  }
0x5: {  	s18 =	simm.s32 $0xD000;
	s19 =	simm.s32 $0x1;
	s20 =	simm.s32 $0x2  }
0x6: {  	s21 =	simm.s32 $0x3;
	s28 =	simm.s32 $0x6;
	s29 =	simm.s32 $0x0  }
0x7: {  	s9 =	sand.u32 $0x1, s5;
	s22 =	sshll.u32 s2, $0x1;
	[smem:$0x7FF] =	sst s4  }
0x8: {  	s5 =	sadd.s32 $0x2FA00, s0;
	s11 =	sadd.s32 $0x56C00, s0;
	s12 =	sadd.s32 $0x538C00, s0  }
0x9: {  	s14 =	smul.u32 $0x4E200, s2;
	s6 =	sor.u32 s9, s22;
	_ =	strace $0x80000047  }
0xa: {  	s8 =	ssub.s32 $0x2, s9;
	s15 =	smul.u32 $0x27100, s9;
	s22 =	simm.s32 $0xF800  }
0xb: {  	s7 =	sshll.u32 s6, $0xB;
	s6 =	smul.u32 $0x138800, s6;
	s10 =	sshrl.u32 s8, $0x1  }
0xc: {  	s16 =	sadd.s32 s14, s11;
	s7 =	sadd.s32 s7, s0;
	s0 =	sadd.s32 $0xA1AC00, s0  }
0xd: {  	s13 =	ssub.s32 s8, s10;
	s31 =	sadd.s32 s15, s16;
	s16 =	simm.s32 $0x8000  }
0xe: {  	s23 =	sshrl.u32 s6, $0x3;
	s24 =	sadd.s32 $0x1FA00, s7;
	[dreg:$0x4] =	wrdreg s31  }
0xf: {  	s26 =	sadd.s32 $0xFA00, s7;
	[dreg:$0x6] =	wrdreg s24;
	s25 =	sadd.s32 $0x26C00, s23  }
0x10: {  	[dreg:$0x7] =	wrdreg s26;
	s23 =	simm.s32 $0x12000;
	s24 =	simm.s32 $0x14800  }
0x11: {  	s26 =	simm.s32 $0x5;
	s30 =	sadd.s32 s11, s25;
	s9 =	sadd.s32 s12, s25  }
0x12: {  	s10 =	sadd.s32 s0, s25;
	s11 =	smax.u32 s13, $0x1;
	s12 =	sadd.s32 s14, s12  }
0x13: {  	s0 =	sadd.s32 s14, s0;
	s13 =	simm.s32 $0x7;
	s14 =	simm.s32 $0x4000  }
0x14: {  	s25 =	simm.s32 $0x4;
	[dreg:$0x8] =	wrdreg s30;
	s12 =	sadd.s32 s15, s12  }
0x15: {  	[dreg:$0x5] =	wrdreg s12;
	s12 =	sadd.s32 s15, s0;
	s15 =	simm.s32 $0x50  }
.LBB2_1:
0x16: {  	s0 =	rddreg [dreg:$0x6]  }
0x17: {  	[tilespmem:s4], [sflag:$0x7] =	stream.linear.gather [hbm4b:s0+s4], $0x3E80, $0x38;
	[tilespmem:$0x17000] =	vst v63  }
0x18: {  	_ =	swait.ge [sflag:s13], $0x3E80  }
0x19: {  	[sflag:s13] =	ssyncset.done $0x0  }
0x1a: {  	s6 =	rddreg [dreg:$0x7];
	[sflag:s13] =	ssyncadd.s32 $0xFFFFC180  }
0x1b: {  	[tilespmem:s14], [sflag:$0x7] =	stream.linear.gather [hbm4b:s6+s4], $0x3E80, $0x38;
	[tilespmem:$0x17000] =	vst v63  }
0x1c: {  	_ =	swait.ge [sflag:s13], $0x3E80  }
0x1d: {  	[sflag:s13] =	ssyncset.done $0x0  }
0x1e: {  	[sflag:s13] =	ssyncadd.s32 $0xFFFFC180  }
0x1f: {  	[tilespmem:s16], [sflag:$0x1] =	stream.indirect.gather [hbm4b:s1+s15], $0x80, s4, s15, $0xb8;
	[tilespmem:$0x17000] =	vst v63  }
0x20: {  	_ = 	snop  }
0x21: {  	[tilespmem:s17], [sflag:$0x2] =	stream.indirect.gather [hbm4b:s3+s15], $0x80, s14, s15, $0xb8;
	[tilespmem:$0x17000] =	vst v63  }
0x22: {  	_ = 	snop  }
0x23: {  	[tilespmem:s18], [sflag:$0x3] =	stream.indirect.gather [hbm4b:s5+s15], $0x80, s4, s15, $0xb8;
	[tilespmem:$0x17000] =	vst v63  }
0x24: {  	_ =	swait.ge [sflag:s19], $0x2800  }
0x25: {  	[sflag:s19] =	ssyncset.done $0x0  }
0x26: {  	[sflag:s19] =	ssyncadd.s32 $0xFFFFD800  }
0x27: {  	_ =	swait.ge [sflag:s20], $0x2800  }
0x28: {  	[sflag:s20] =	ssyncset.done $0x0  }
0x29: {  	[sflag:s20] =	ssyncadd.s32 $0xFFFFD800  }
0x2a: {  	_ =	swait.ge [sflag:s21], $0x2800  }
0x2b: {  	[sflag:s21] =	ssyncset.done $0x0  }
0x2c: {  	s7 =	simm.s32 $0x80;
	[sflag:s21] =	ssyncadd.s32 $0xFFFFD800  }
0x2d: {  	[tilespmem:s22], [sflag:$0x4] =	stream.indirect.gather [hbm4b:s1+s15], $0x80, s7, s15, $0xb8;
	[tilespmem:$0x17000] =	vst v63  }
0x2e: {  	s30 =	simm.s32 $0x4080  }
0x2f: {  	[tilespmem:s23], [sflag:$0x5] =	stream.indirect.gather [hbm4b:s3+s15], $0x80, s30, s15, $0xb8;
	[tilespmem:$0x17000] =	vst v63  }
0x30: {  	s31 =	rddreg [dreg:$0x4]  }
0x31: {  	[tilespmem:s24], [sflag:$0x6] =	stream.indirect.gather [hbm4b:s5+s15], $0x80, s7, s15, $0xb8;
	[tilespmem:$0x17000] =	vst v63  }
0x32: {  	s8 =	sadd.s32 $0x0, s31  }
0x33: {  	[hbm4b:s8+s4] =	stream.linear.scatter [tilespmem:s16], [sflag:$0x7], $0x2800, $0x38;
	[tilespmem:$0x17000] =	vst v63  }
0x34: {  	_ =	swait.ge [sflag:s13], $0x2800  }
0x35: {  	s30 =	rddreg [dreg:$0x5];
	[sflag:s13] =	ssyncset.done $0x0  }
0x36: {  	[sflag:s13] =	ssyncadd.s32 $0xFFFFD800;
	s2 =	sadd.s32 $0x0, s30  }
0x37: {  	[hbm4b:s2+s4] =	stream.linear.scatter [tilespmem:s17], [sflag:$0x7], $0x2800, $0x38;
	[tilespmem:$0x17000] =	vst v63  }
0x38: {  	_ =	swait.ge [sflag:s13], $0x2800  }
0x39: {  	[sflag:s13] =	ssyncset.done $0x0  }
0x3a: {  	s6 =	sadd.s32 $0x0, s12;
	[sflag:s13] =	ssyncadd.s32 $0xFFFFD800  }
0x3b: {  	[hbm4b:s6+s4] =	stream.linear.scatter [tilespmem:s18], [sflag:$0x7], $0x2800, $0x38;
	[tilespmem:$0x17000] =	vst v63  }
0x3c: {  	_ =	swait.ge [sflag:s13], $0x2800  }
0x3d: {  	[sflag:s13] =	ssyncset.done $0x0  }
0x3e: {  	[sflag:s13] =	ssyncadd.s32 $0xFFFFD800  }
0x3f: {  	_ =	swait.ge [sflag:s25], $0x2800  }
0x40: {  	[sflag:s25] =	ssyncset.done $0x0  }
0x41: {  	[sflag:s25] =	ssyncadd.s32 $0xFFFFD800  }
0x42: {  	_ =	swait.ge [sflag:s26], $0x2800  }
0x43: {  	[sflag:s26] =	ssyncset.done $0x0  }
0x44: {  	[sflag:s26] =	ssyncadd.s32 $0xFFFFD800  }
0x45: {  	_ =	swait.ge [sflag:s28], $0x2800  }
0x46: {  	[sflag:s28] =	ssyncset.done $0x0  }
0x47: {  	s30 =	simm.s32 $0x100;
	[sflag:s28] =	ssyncadd.s32 $0xFFFFD800  }
0x48: {  	[tilespmem:s16], [sflag:$0x1] =	stream.indirect.gather [hbm4b:s1+s15], $0x80, s30, s15, $0xb8;
	[tilespmem:$0x17000] =	vst v63  }
0x49: {  	s31 =	simm.s32 $0x4100  }
0x4a: {  	[tilespmem:s17], [sflag:$0x2] =	stream.indirect.gather [hbm4b:s3+s15], $0x80, s31, s15, $0xb8;
	[tilespmem:$0x17000] =	vst v63  }
0x4b: {  	_ = 	snop  }
0x4c: {  	[tilespmem:s18], [sflag:$0x3] =	stream.indirect.gather [hbm4b:s5+s15], $0x80, s30, s15, $0xb8;
	[tilespmem:$0x17000] =	vst v63  }
0x4d: {  	s0 =	sadd.s32 $0x500, s8  }
0x4e: {  	[hbm4b:s0+s4] =	stream.linear.scatter [tilespmem:s22], [sflag:$0x7], $0x2800, $0x38;
	[tilespmem:$0x17000] =	vst v63  }
0x4f: {  	_ =	swait.ge [sflag:s13], $0x2800  }
0x50: {  	[sflag:s13] =	ssyncset.done $0x0  }
0x51: {  	s7 =	sadd.s32 $0x500, s2;
	[sflag:s13] =	ssyncadd.s32 $0xFFFFD800  }
0x52: {  	[hbm4b:s7+s4] =	stream.linear.scatter [tilespmem:s23], [sflag:$0x7], $0x2800, $0x38;
	[tilespmem:$0x17000] =	vst v63  }
0x53: {  	_ =	swait.ge [sflag:s13], $0x2800  }
0x54: {  	[sflag:s13] =	ssyncset.done $0x0  }
0x55: {  	s8 =	sadd.s32 $0x500, s6;
	[sflag:s13] =	ssyncadd.s32 $0xFFFFD800  }
0x56: {  	[hbm4b:s8+s4] =	stream.linear.scatter [tilespmem:s24], [sflag:$0x7], $0x2800, $0x38;
	[tilespmem:$0x17000] =	vst v63  }
0x57: {  	_ =	swait.ge [sflag:s13], $0x2800  }
0x58: {  	s0 =	simm.s32 $0xA00;
	[sflag:s13] =	ssyncset.done $0x0  }
.LBB2_2:
0x59: {  	[sflag:s13] =	ssyncadd.s32 $0xFFFFD800  }
0x5a: {  	_ =	swait.ge [sflag:s19], $0x2800  }
0x5b: {  	[sflag:s19] =	ssyncset.done $0x0  }
0x5c: {  	[sflag:s19] =	ssyncadd.s32 $0xFFFFD800  }
0x5d: {  	_ =	swait.ge [sflag:s20], $0x2800  }
0x5e: {  	[sflag:s20] =	ssyncset.done $0x0  }
0x5f: {  	[sflag:s20] =	ssyncadd.s32 $0xFFFFD800  }
0x60: {  	_ =	swait.ge [sflag:s21], $0x2800  }
0x61: {  	s30 =	sadd.s32 $0x100, s30;
	[sflag:s21] =	ssyncset.done $0x0  }
0x62: {  	s31 =	sadd.s32 $0x100, s31;
	s6 =	sadd.s32 $0xFFFFFF80, s30;
	[sflag:s21] =	ssyncadd.s32 $0xFFFFD800  }
0x63: {  	[tilespmem:s22], [sflag:$0x4] =	stream.indirect.gather [hbm4b:s1+s15], $0x80, s6, s15, $0xb8;
	[tilespmem:$0x17000] =	vst v63  }
0x64: {  	s7 =	sadd.s32 $0xFFFFFF80, s31  }
0x65: {  	[tilespmem:s23], [sflag:$0x5] =	stream.indirect.gather [hbm4b:s3+s15], $0x80, s7, s15, $0xb8;
	[tilespmem:$0x17000] =	vst v63  }
0x66: {  	s2 =	smov.u32 s0;
	s8 =	rddreg [dreg:$0x4]  }
0x67: {  	[tilespmem:s24], [sflag:$0x6] =	stream.indirect.gather [hbm4b:s5+s15], $0x80, s6, s15, $0xb8;
	[tilespmem:$0x17000] =	vst v63  }
0x68: {  	s6 =	sadd.s32 s2, s8  }
0x69: {  	[hbm4b:s6+s4] =	stream.linear.scatter [tilespmem:s16], [sflag:$0x7], $0x2800, $0x38;
	[tilespmem:$0x17000] =	vst v63  }
0x6a: {  	_ =	swait.ge [sflag:s13], $0x2800  }
0x6b: {  	s8 =	rddreg [dreg:$0x5];
	[sflag:s13] =	ssyncset.done $0x0  }
0x6c: {  	[sflag:s13] =	ssyncadd.s32 $0xFFFFD800;
	s7 =	sadd.s32 s2, s8  }
0x6d: {  	[hbm4b:s7+s4] =	stream.linear.scatter [tilespmem:s17], [sflag:$0x7], $0x2800, $0x38;
	[tilespmem:$0x17000] =	vst v63  }
0x6e: {  	_ =	swait.ge [sflag:s13], $0x2800  }
0x6f: {  	[sflag:s13] =	ssyncset.done $0x0  }
0x70: {  	s2 =	sadd.s32 s2, s12;
	[sflag:s13] =	ssyncadd.s32 $0xFFFFD800  }
0x71: {  	[hbm4b:s2+s4] =	stream.linear.scatter [tilespmem:s18], [sflag:$0x7], $0x2800, $0x38;
	[tilespmem:$0x17000] =	vst v63  }
0x72: {  	_ =	swait.ge [sflag:s13], $0x2800  }
0x73: {  	[sflag:s13] =	ssyncset.done $0x0  }
0x74: {  	[sflag:s13] =	ssyncadd.s32 $0xFFFFD800  }
0x75: {  	_ =	swait.ge [sflag:s25], $0x2800  }
0x76: {  	[sflag:s25] =	ssyncset.done $0x0  }
0x77: {  	[sflag:s25] =	ssyncadd.s32 $0xFFFFD800  }
0x78: {  	_ =	swait.ge [sflag:s26], $0x2800  }
0x79: {  	[sflag:s26] =	ssyncset.done $0x0  }
0x7a: {  	[sflag:s26] =	ssyncadd.s32 $0xFFFFD800  }
0x7b: {  	_ =	swait.ge [sflag:s28], $0x2800  }
0x7c: {  	[sflag:s28] =	ssyncset.done $0x0  }
0x7d: {  	[sflag:s28] =	ssyncadd.s32 $0xFFFFD800  }
0x7e: {  	[tilespmem:s16], [sflag:$0x1] =	stream.indirect.gather [hbm4b:s1+s15], $0x80, s30, s15, $0xb8;
	[tilespmem:$0x17000] =	vst v63  }
0x7f: {  	_ = 	snop  }
0x80: {  	[tilespmem:s17], [sflag:$0x2] =	stream.indirect.gather [hbm4b:s3+s15], $0x80, s31, s15, $0xb8;
	[tilespmem:$0x17000] =	vst v63  }
0x81: {  	_ = 	snop  }
0x82: {  	[tilespmem:s18], [sflag:$0x3] =	stream.indirect.gather [hbm4b:s5+s15], $0x80, s30, s15, $0xb8;
	[tilespmem:$0x17000] =	vst v63  }
0x83: {  	s6 =	sadd.s32 $0x500, s6  }
0x84: {  	[hbm4b:s6+s4] =	stream.linear.scatter [tilespmem:s22], [sflag:$0x7], $0x2800, $0x38;
	[tilespmem:$0x17000] =	vst v63  }
0x85: {  	_ =	swait.ge [sflag:s13], $0x2800  }
0x86: {  	[sflag:s13] =	ssyncset.done $0x0  }
0x87: {  	s8 =	sadd.s32 $0x500, s7;
	[sflag:s13] =	ssyncadd.s32 $0xFFFFD800  }
0x88: {  	[hbm4b:s8+s4] =	stream.linear.scatter [tilespmem:s23], [sflag:$0x7], $0x2800, $0x38;
	[tilespmem:$0x17000] =	vst v63  }
0x89: {  	p0 =	sne.s32 s0, $0x26200;
	_ =	swait.ge [sflag:s13], $0x2800  }
.Ltmp0:
0x8a: {  	[sflag:s13] =	ssyncset.done $0x0;
	(pc) =	sbr.rel @p0 .LBB2_2-.Ltmp0, $4  }
0x8b: {  	s2 =	sadd.s32 $0x500, s2;
	[sflag:s13] =	ssyncadd.s32 $0xFFFFD800  }
0x8c: {  	[hbm4b:s2+s4] =	stream.linear.scatter [tilespmem:s24], [sflag:$0x7], $0x2800, $0x38;
	[tilespmem:$0x17000] =	vst v63  }
0x8d: {  	_ =	swait.ge [sflag:s13], $0x2800  }
0x8e: {  	s0 =	sadd.s32 $0xA00, s0;
	[sflag:s13] =	ssyncset.done $0x0  }
0x8f: {  	[sflag:s13] =	ssyncadd.s32 $0xFFFFD800  }
0x90: {  	_ =	swait.ge [sflag:s19], $0x2800  }
0x91: {  	[sflag:s19] =	ssyncset.done $0x0  }
0x92: {  	[sflag:s19] =	ssyncadd.s32 $0xFFFFD800  }
0x93: {  	_ =	swait.ge [sflag:s20], $0x2800  }
0x94: {  	[sflag:s20] =	ssyncset.done $0x0  }
0x95: {  	[sflag:s20] =	ssyncadd.s32 $0xFFFFD800  }
0x96: {  	_ =	swait.ge [sflag:s21], $0x2800  }
0x97: {  	[sflag:s21] =	ssyncset.done $0x0  }
0x98: {  	s0 =	rddreg [dreg:$0x8];
	[sflag:s21] =	ssyncadd.s32 $0xFFFFD800  }
0x99: {  	[hbm4b:s0+s4] =	stream.linear.scatter [tilespmem:s16], [sflag:$0x7], $0x2800, $0x38;
	[tilespmem:$0x17000] =	vst v63  }
0x9a: {  	_ =	swait.ge [sflag:s13], $0x2800  }
0x9b: {  	[sflag:s13] =	ssyncset.done $0x0  }
0x9c: {  	[sflag:s13] =	ssyncadd.s32 $0xFFFFD800  }
0x9d: {  	[hbm4b:s9+s4] =	stream.linear.scatter [tilespmem:s17], [sflag:$0x7], $0x2800, $0x38;
	[tilespmem:$0x17000] =	vst v63  }
0x9e: {  	s29 =	sadd.s32 $0x1, s29;
	_ =	swait.ge [sflag:s13], $0x2800  }
0x9f: {  	p0 =	sne.s32 s29, s11;
	[sflag:s13] =	ssyncset.done $0x0  }
.Ltmp1:
0xa0: {  	[sflag:s13] =	ssyncadd.s32 $0xFFFFD800;
	(pc) =	sbr.rel @p0 .LBB2_1-.Ltmp1, $4  }
0xa1: {  	[hbm4b:s10+s4] =	stream.linear.scatter [tilespmem:s18], [sflag:$0x7], $0x2800, $0x38;
	[tilespmem:$0x17000] =	vst v63  }
0xa2: {  	_ =	swait.ge [sflag:s13], $0x2800  }
0xa3: {  	[sflag:s13] =	ssyncset.done $0x0  }
0xa4: {  	[sflag:s13] =	ssyncadd.s32 $0xFFFFD800  }
0xa5: {  	_ =	sfence.sel $0x180000  }
0xa6: {  	[bflag:$0x0] =	sbarrier.arrive $0xFFFF  }
0xa7: {  	_ =	strace $0x90000047  }
0xa8: {  	s0 =	stileid.u32;
	[bflag:$0x2] =	sbarrier.arrive $0xFFFF  }
0xa9: {  	p0 =	sne.s32 s0, $0x0;
	s0 =	rddreg [dreg:$0x3]  }
0xaa: {  	s0 =	sadd.s32 @!p0 $0x100000, s0  }
0xab: {  	[sflag:s0] =	ssyncadd.tile.s32 @!p0 $0x1;
	_ =	shalt  }
.Lfunc_end2:
_tile_overlayer_lowered:
.L_overlay_start_2:
0xac: {  	(tag) =	ssettag $0x2  }
0xad: {  	s0 =	rddreg [dreg:$0x0];
	s2 =	stileid.u32  }
0xae: {  	s1 =	rddreg [dreg:$0x1];
	p0 =	sne.s32 s2, $0x0  }
0xaf: {  	s3 =	rddreg [dreg:$0x2];
	[bflag:$0x3] =	sbarrier.arrive $0xFFFF;
	s2 =	simm.s32 @!p0 $0x1C07  }
0xb0: {  	[timem:s3], [sflag:s2] =	dma.local @!p0 [hbm:s0], s1  }
0xb1: {  	s0 =	simm.s32 @!p0 $0x7  }
0xb2: {  	_ =	swait.ge @!p0 [sflag:s0], s1  }
0xb3: {  	s1 =	ssub.s32 @!p0 $0x0, s1;
	[sflag:s0] =	ssyncset.done @!p0 $0x0  }
0xb4: {  	[sflag:s0] =	ssyncadd.s32 @!p0 s1  }
0xb5: {  	[bflag:$0x3] =	sbarrier.arrive $0xFFFF  }
0xb6: {  	_ =	shalt  }

</sc_bundles>
